<compile_context>
chip_gen: v7x
topology: tpu7x:2x2x1
jax: 0.10.2.dev20260603
libtpu: 0.0.44.dev20260713+nightly
codegen_flags: <defaults>
</compile_context>

<pallas_src>
import functools

import jax
import jax.numpy as jnp
from jax import lax
from jax.experimental import pallas as pl
from jax.experimental.pallas import tpu as pltpu
from jax.experimental.pallas import tpu_sc as plsc

L = 16
NB_U = 8
N = 4096
B = 4
BIG = 3.0e38

SC_PRED = 2048
CHUNK = SC_PRED // 32
XG = CHUNK // L
MV = N // L
MSL = N // 16

TC_NBLK = 1024
TC_JB = N // TC_NBLK
TC_J0 = SC_PRED // TC_NBLK
TC_STEPS = (TC_JB - TC_J0) + (B - 1) * TC_JB


def _bf16_round(v):
    u = plsc.bitcast(v, jnp.int32)
    r = (u + 0x7FFF + ((u >> 16) & 1)) & jnp.int32(-65536)
    return plsc.bitcast(r, jnp.float32)



def _sc_part(xs, ys):
    mesh = plsc.VectorSubcoreMesh(core_axis_name="c", subcore_axis_name="s",
                                  num_cores=2, num_subcores=16)

    @functools.partial(
        pl.kernel,
        out_type=(jax.ShapeDtypeStruct((2 * N,), jnp.float32),
                  jax.ShapeDtypeStruct((2 * L,), jnp.float32)),
        mesh=mesh,
        compiler_params=pltpu.CompilerParams(needs_layout_passes=False),
        scratch_types=[
            pltpu.VMEM((3 * CHUNK,), jnp.float32),
            pltpu.VMEM((CHUNK,), jnp.float32),
            pltpu.VMEM((3 * N,), jnp.float32),
            pltpu.VMEM((N,), jnp.float32),
            pltpu.VMEM((3 * N,), jnp.float32),
            pltpu.VMEM((N,), jnp.float32),
            pltpu.VMEM((16 * MSL,), jnp.float32),
            pltpu.VMEM((16 * L,), jnp.float32),
            pltpu.VMEM((L,), jnp.float32),
            pltpu.VMEM_SHARED((16 * N,), jnp.float32),
            pltpu.VMEM_SHARED((16 * L,), jnp.float32),
        ],
    )
    def k(xs_hbm, ys_hbm, cm_hbm, rs_hbm,
          xvr, x2h, yvr, y2h, ytmp, colmin, cbuf, st3, sbuf,
          cmin_sh, scal_sh):
        c = lax.axis_index("c")
        s = lax.axis_index("s")
        n0 = (c * 16 + s) * CHUNK

        for d in range(3):
            pltpu.sync_copy(xs_hbm.at[pl.ds(d * SC_PRED + n0, CHUNK)],
                            cbuf.at[pl.ds(d * CHUNK, CHUNK)])
            pltpu.sync_copy(ys_hbm.at[pl.ds(d * N, N)],
                            ytmp.at[pl.ds(d * N, N)])

        half = jnp.float32(0.5)
        lane = lax.iota(jnp.int32, L)

        def prep_x(j, _):
            o = j * L
            x0 = cbuf[pl.ds(o, L)]
            x1 = cbuf[pl.ds(CHUNK + o, L)]
            x2 = cbuf[pl.ds(2 * CHUNK + o, L)]
            xvr[pl.ds(o, L)] = _bf16_round(x0)
            xvr[pl.ds(CHUNK + o, L)] = _bf16_round(x1)
            xvr[pl.ds(2 * CHUNK + o, L)] = _bf16_round(x2)
            x2h[pl.ds(o, L)] = (x0 * x0 + x1 * x1 + x2 * x2) * half
            return 0
        lax.fori_loop(0, XG, prep_x, 0)

        def prep_y(j, _):
            o = j * L
            y0 = ytmp[pl.ds(o, L)]
            y1 = ytmp[pl.ds(N + o, L)]
            y2 = ytmp[pl.ds(2 * N + o, L)]
            yvr[pl.ds(o, L)] = _bf16_round(y0)
            yvr[pl.ds(N + o, L)] = _bf16_round(y1)
            yvr[pl.ds(2 * N + o, L)] = _bf16_round(y2)
            y2h[pl.ds(o, L)] = (y0 * y0 + y1 * y1 + y2 * y2) * half
            colmin[pl.ds(o, L)] = jnp.full((L,), BIG, jnp.float32)
            return 0
        lax.fori_loop(0, MV, prep_y, 0)
        zeros = jnp.zeros((L,), jnp.float32)

        def make_mstep(xb):
            def mstep(j, rms):
                o = j * L
                y0 = yvr[pl.ds(o, L)]
                y1 = yvr[pl.ds(N + o, L)]
                y2 = yvr[pl.ds(2 * N + o, L)]
                sv = y2h[pl.ds(o, L)]
                cv = colmin[pl.ds(o, L)]
                new = []
                d2s = []
                for u in range(NB_U):
                    cross = xb[u][0] * y0 + xb[u][1] * y1 + xb[u][2] * y2
                    d2 = (sv + xb[u][3]) - cross
                    d2s.append(d2)
                    new.append(jnp.minimum(rms[u], d2))
                m01 = jnp.minimum(d2s[0], d2s[1])
                m23 = jnp.minimum(d2s[2], d2s[3])
                m45 = jnp.minimum(d2s[4], d2s[5])
                m67 = jnp.minimum(d2s[6], d2s[7])
                m = jnp.minimum(jnp.minimum(m01, m23), jnp.minimum(m45, m67))
                colmin[pl.ds(o, L)] = jnp.minimum(cv, m)
                return tuple(new)
            return mstep

        def nblock(ng, rsacc):
            base = ng * L
            x0v = xvr[pl.ds(base, L)]
            x1v = xvr[pl.ds(CHUNK + base, L)]
            x2v = xvr[pl.ds(2 * CHUNK + base, L)]
            x2hv = x2h[pl.ds(base, L)]

            def half_block(h, rsacc):
                xb = [(lax.broadcast(x0v[h * NB_U + u], (L,)),
                       lax.broadcast(x1v[h * NB_U + u], (L,)),
                       lax.broadcast(x2v[h * NB_U + u], (L,)),
                       lax.broadcast(x2hv[h * NB_U + u], (L,)))
                      for u in range(NB_U)]
                rm0 = tuple(jnp.full((L,), BIG, jnp.float32)
                            for _ in range(NB_U))
                rms = lax.fori_loop(0, MV, make_mstep(xb), rm0)
                for u in range(NB_U):
                    rm = jnp.maximum(rms[u], 0.0)
                    rsacc = rsacc + lax.broadcast(jnp.min(rm), (L,))
                return rsacc

            rsacc = half_block(0, rsacc)
            rsacc = half_block(1, rsacc)
            return rsacc

        rsacc = lax.fori_loop(0, XG, nblock, zeros)

        pltpu.sync_copy(colmin, cmin_sh.at[pl.ds(s * N, N)])
        plsc.subcore_barrier()

        ms = s * MSL
        for i in range(16):
            pltpu.sync_copy(cmin_sh.at[pl.ds(i * N + ms, MSL)],
                            cbuf.at[pl.ds(i * MSL, MSL)])

        two = jnp.float32(2.0)

        def cstep(j, _):
            o = j * L
            vs = [cbuf[pl.ds(i * MSL + o, L)] for i in range(16)]
            for st in (8, 4, 2, 1):
                vs = [jnp.minimum(vs[i], vs[i + st]) for i in range(st)]
            colmin[pl.ds(o, L)] = vs[0] * two
            return 0
        lax.fori_loop(0, MSL // L, cstep, 0)
        pltpu.sync_copy(colmin.at[pl.ds(0, MSL)],
                        cm_hbm.at[pl.ds(c * N + ms, MSL)])

        pv = jnp.where(lane == 0, rsacc * two, zeros)
        sbuf[...] = pv
        pltpu.sync_copy(sbuf, scal_sh.at[pl.ds(s * L, L)])
        plsc.subcore_barrier()

        @pl.when(s == 0)
        def _():
            pltpu.sync_copy(scal_sh, st3)

            def rstep(i, acc):
                return acc + st3[pl.ds(i * L, L)]
            acc = lax.fori_loop(0, 16, rstep, zeros)
            sbuf[...] = acc
            pltpu.sync_copy(sbuf, rs_hbm.at[pl.ds(c * L, L)])

    return k(xs, ys)



def _tc_step(x_ref, y_ref, chams_ref, cm0_ref, colmin_scr, rs_smem):
    i = pl.program_id(0)
    bj = i + TC_J0
    j = bj % TC_JB
    first = jnp.logical_or(i == 0, j == 0)
    last = j == TC_JB - 1

    xb = x_ref[0]
    y3 = y_ref[0]
    x2 = jnp.sum(xb * xb, axis=1, keepdims=True)
    y2 = (y3[0:1] * y3[0:1] + y3[1:2] * y3[1:2]
          + y3[2:3] * y3[2:3])
    xb2 = (xb + xb).astype(jnp.bfloat16)
    y3b = y3.astype(jnp.bfloat16)
    cross2 = lax.dot_general(xb2, y3b, (((1,), (0,)), ((), ())),
                             preferred_element_type=jnp.float32)
    d2 = (x2 + y2) - cross2

    rowmin = jnp.min(d2, axis=1)
    rsum = jnp.sum(jnp.maximum(rowmin, 0.0))
    bmin = jnp.min(d2, axis=0, keepdims=True)

    @pl.when(first)
    def _():
        rs_smem[0] = rsum
        colmin_scr[...] = bmin

    @pl.when(jnp.logical_not(first))
    def _():
        rs_smem[0] = rs_smem[0] + rsum
        colmin_scr[...] = jnp.minimum(colmin_scr[...], bmin)

    @pl.when(last)
    def _():
        lanes = lax.broadcasted_iota(jnp.int32, (8, 128), 1)
        csum = jnp.sum(jnp.maximum(colmin_scr[...], 0.0))
        chams_ref[...] = (jnp.where(lanes == 0, rs_smem[0], 0.0)
                          + jnp.where(lanes == 1, csum, 0.0))

    @pl.when(jnp.logical_and(last, i == TC_JB - TC_J0 - 1))
    def _():
        cm0_ref[...] = colmin_scr[...]


def _tc_part(x, y3):
    def bmap(i):
        return (i + TC_J0) // TC_JB

    return pl.pallas_call(
        _tc_step,
        grid=(TC_STEPS,),
        in_specs=[
            pl.BlockSpec((1, TC_NBLK, 3), lambda i: (bmap(i), (i + TC_J0) % TC_JB, 0)),
            pl.BlockSpec((1, 3, N), lambda i: (bmap(i), 0, 0)),
        ],
        out_specs=[
            pl.BlockSpec((8, 128), lambda i: (bmap(i), 0)),
            pl.BlockSpec((1, N), lambda i: (0, 0)),
        ],
        out_shape=[
            jax.ShapeDtypeStruct((8 * B, 128), jnp.float32),
            jax.ShapeDtypeStruct((1, N), jnp.float32),
        ],
        scratch_shapes=[
            pltpu.VMEM((1, N), jnp.float32),
            pltpu.SMEM((1,), jnp.float32),
        ],
    )(x, y3)



def _merge_step(sc_cm_ref, sc_rs_ref, tc_ch_ref, tc_cm0_ref, fb_ref, out_ref):
    cm0 = jnp.minimum(jnp.minimum(sc_cm_ref[pl.ds(0, N)], sc_cm_ref[pl.ds(N, N)]),
                      tc_cm0_ref[0])
    csum0 = jnp.sum(jnp.maximum(cm0, 0.0))
    rs0 = sc_rs_ref[0] + sc_rs_ref[L] + tc_ch_ref[0, 0]
    inv_n = jnp.float32(1.0 / N)
    cham0 = (rs0 + csum0) * inv_n
    cham123 = (tc_ch_ref[8, 0] + tc_ch_ref[8, 1]
               + tc_ch_ref[16, 0] + tc_ch_ref[16, 1]
               + tc_ch_ref[24, 0] + tc_ch_ref[24, 1]) * inv_n
    dist = (cham0 + cham123) * jnp.float32(1.0 / B)
    lanes_b = lax.broadcasted_iota(jnp.int32, (1, 128), 1)
    rate = jnp.sum(jnp.where(lanes_b < B, fb_ref[...], 0.0)) \
        * jnp.float32(1.0 / B)
    loss = dist + rate
    lanes = lax.broadcasted_iota(jnp.int32, (1, 128), 1)
    out_ref[...] = (jnp.where(lanes == 0, loss, 0.0)
                    + jnp.where(lanes == 1, dist, 0.0)
                    + jnp.where(lanes == 2, rate, 0.0))


def _merge(sc_cm, sc_rs, tc_ch, tc_cm0, fb):
    return pl.pallas_call(
        _merge_step,
        out_shape=jax.ShapeDtypeStruct((1, 128), jnp.float32),
        in_specs=[
            pl.BlockSpec((2 * N,), lambda: (0,)),
            pl.BlockSpec((2 * L,), lambda: (0,)),
            pl.BlockSpec((8 * B, 128), lambda: (0, 0)),
            pl.BlockSpec((1, N), lambda: (0, 0)),
            pl.BlockSpec((1, 128), lambda: (0, 0)),
        ],
        out_specs=pl.BlockSpec((1, 128), lambda: (0, 0)),
    )(sc_cm, sc_rs, tc_ch, tc_cm0, fb)


@jax.jit
def kernel(pc_pred, pc_target, fbpp):
    xs0 = jnp.transpose(pc_pred[0, :SC_PRED], (1, 0)).reshape(-1)
    ys0 = jnp.transpose(pc_target[0], (1, 0)).reshape(-1)

    sc_cm, sc_rs = _sc_part(xs0, ys0)
    tc_ch, tc_cm0 = _tc_part(pc_pred, jnp.transpose(pc_target, (0, 2, 1)))

    fb = jnp.pad(fbpp, (0, 128 - B)).reshape(1, 128)
    out = _merge(sc_cm, sc_rs, tc_ch, tc_cm0, fb)
    loss = out[0, 0]
    dist = out[0, 1]
    rate = out[0, 2]
    return (loss, dist, rate)

# --- scband reference (transcript-rebuilt; emitter-appended) ---
"""Pipeline reference for scband-rate-distortion-loss-36782099923388 (READ-ONLY COPY).

The authoritative reference and input builder live on the scoring server;
editing this copy changes nothing except your own understanding.
"""

import jax, jax.numpy as jnp
import numpy as np


def _chamfer_distance(x, y):
    # x: (B, N, 3), y: (B, M, 3)
    # squared euclidean pairwise distances via the dot-product identity
    x2 = jnp.sum(x * x, axis=-1)                      # (B, N)
    y2 = jnp.sum(y * y, axis=-1)                      # (B, M)
    cross = jnp.einsum('bnd,bmd->bnm', x, y)          # (B, N, M)
    d2 = x2[:, :, None] + y2[:, None, :] - 2.0 * cross
    d2 = jnp.maximum(d2, 0.0)
    # nearest-neighbor (min) reduce in both directions, mean over points
    cham_x = jnp.mean(jnp.min(d2, axis=2), axis=1)    # (B,) pred -> target
    cham_y = jnp.mean(jnp.min(d2, axis=1), axis=1)    # (B,) target -> pred
    # pytorch3d chamfer_distance with batch_reduction='mean': mean over batch of sum of both directions
    return jnp.mean(cham_x + cham_y)


def setup_inputs(seed: int = 0) -> dict:
    key = jax.random.key(seed)
    k1, k2, k3 = jax.random.split(key, 3)
    pc_pred = jax.random.normal(k1, (4, 4096, 3), dtype=jnp.float32)
    pc_target = jax.random.normal(k2, (4, 4096, 3), dtype=jnp.float32)
    fbpp = jax.random.uniform(k3, (4,), dtype=jnp.float32)
    return {"pc_pred": pc_pred, "pc_target": pc_target, "fbpp": fbpp}


def reference(pc_pred, pc_target, fbpp):
    lam = 1.0
    dist = _chamfer_distance(pc_pred, pc_target)
    rate = jnp.mean(fbpp)
    loss = dist + lam * rate
    return (loss, dist, rate)

if __name__ == "__main__":
    import jax
    _d = setup_inputs()
    print(jax.jit(kernel)(*tuple(_d.values())))

</pallas_src>

<mosaic_0001>
#map = affine_map<(d0, d1) -> (0)>
module attributes {stable_mosaic.version = 14 : i64} {
  func.func @k(%arg0: i32, %arg1: i32, %arg2: memref<6144xf32, #tpu.memory_space<hbm>>, %arg3: memref<12288xf32, #tpu.memory_space<hbm>>, %arg4: memref<8192xf32, #tpu.memory_space<hbm>>, %arg5: memref<32xf32, #tpu.memory_space<hbm>>, %arg6: memref<192xf32, #tpu.memory_space<vmem>>, %arg7: memref<64xf32, #tpu.memory_space<vmem>>, %arg8: memref<12288xf32, #tpu.memory_space<vmem>>, %arg9: memref<4096xf32, #tpu.memory_space<vmem>>, %arg10: memref<12288xf32, #tpu.memory_space<vmem>>, %arg11: memref<4096xf32, #tpu.memory_space<vmem>>, %arg12: memref<4096xf32, #tpu.memory_space<vmem>>, %arg13: memref<256xf32, #tpu.memory_space<vmem>>, %arg14: memref<16xf32, #tpu.memory_space<vmem>>, %arg15: memref<65536xf32, #tpu.memory_space<vmem_shared>>, %arg16: memref<256xf32, #tpu.memory_space<vmem_shared>>) attributes {dimension_semantics = [#tpu.dimension_semantics<core_parallel>, #tpu.dimension_semantics<subcore_parallel>], iteration_bounds = array<i64: 2, 16>, scalar_prefetch = 0 : i64, scratch_operands = 11 : i64, tpu.core_type = #tpu.core_type<sc_vector_subcore>, window_params = [{transform_indices = #map}, {transform_indices = #map}, {transform_indices = #map}, {transform_indices = #map}]} {
    %mul3A = arith.constant 16 : i32
    %mul3A_0 = arith.muli %arg0, %mul3A : i32
    %add3A = arith.addi %mul3A_0, %arg1 : i32
    %mul3A_1 = arith.constant 64 : i32
    %mul3A_2 = arith.muli %add3A, %mul3A_1 : i32
    %add3A_3 = arith.constant 0 : i32
    %add3A_4 = arith.addi %add3A_3, %mul3A_2 : i32
    "tpu.region"() ({
      %run_scoped3A = tpu.sem_alloc : memref<!tpu.dma_semaphore, #tpu.memory_space<semaphore_mem>>
      %dma_start3A = arith.constant 0 : i32
      %dma_start3A_90 = tpu.memref_slice %arg12[%dma_start3A] : memref<4096xf32, #tpu.memory_space<vmem>> -> memref<64xf32, #tpu.memory_space<vmem>>
      %dma_start3A_91 = tpu.memref_slice %arg2[%add3A_4] : memref<6144xf32, #tpu.memory_space<hbm>> -> memref<64xf32, #tpu.memory_space<hbm>>
      %dma_start3A_92 = arith.constant 0 : i32
      %dma_start3A_93 = tpu.memref_slice %arg12[%dma_start3A_92] : memref<4096xf32, #tpu.memory_space<vmem>> -> memref<64xf32, #tpu.memory_space<vmem>>
      %dma_start3A_94 = tpu.memref_slice %arg2[%add3A_4] : memref<6144xf32, #tpu.memory_space<hbm>> -> memref<64xf32, #tpu.memory_space<hbm>>
      tpu.enqueue_dma source(%dma_start3A_94 : memref<64xf32, #tpu.memory_space<hbm>>) target(%dma_start3A_93 : memref<64xf32, #tpu.memory_space<vmem>>) target_semaphore(%run_scoped3A : memref<!tpu.dma_semaphore, #tpu.memory_space<semaphore_mem>>)
      %dma_wait3A = arith.constant 0 : i32
      %dma_wait3A_95 = tpu.memref_slice %arg12[%dma_wait3A] : memref<4096xf32, #tpu.memory_space<vmem>> -> memref<64xf32, #tpu.memory_space<vmem>>
      %dma_wait3A_96 = tpu.memref_slice %arg2[%add3A_4] : memref<6144xf32, #tpu.memory_space<hbm>> -> memref<64xf32, #tpu.memory_space<hbm>>
      %dma_wait3A_97 = arith.constant 0 : i32
      %dma_wait3A_98 = tpu.memref_slice %arg12[%dma_wait3A_97] : memref<4096xf32, #tpu.memory_space<vmem>> -> memref<64xf32, #tpu.memory_space<vmem>>
      %dma_wait3A_99 = tpu.memref_slice %arg2[%add3A_4] : memref<6144xf32, #tpu.memory_space<hbm>> -> memref<64xf32, #tpu.memory_space<hbm>>
      tpu.wait_dma2 semaphore(%run_scoped3A : memref<!tpu.dma_semaphore, #tpu.memory_space<semaphore_mem>>) src(%dma_wait3A_99 : memref<64xf32, #tpu.memory_space<hbm>>) dst(%dma_wait3A_98 : memref<64xf32, #tpu.memory_space<vmem>>)
      tpu.yield
    }) : () -> ()
    "tpu.region"() ({
      %run_scoped3A = tpu.sem_alloc : memref<!tpu.dma_semaphore, #tpu.memory_space<semaphore_mem>>
      %dma_start3A = arith.constant 0 : i32
      %dma_start3A_90 = tpu.memref_slice %arg10[%dma_start3A] : memref<12288xf32, #tpu.memory_space<vmem>> -> memref<4096xf32, #tpu.memory_space<vmem>>
      %dma_start3A_91 = arith.constant 0 : i32
      %dma_start3A_92 = tpu.memref_slice %arg3[%dma_start3A_91] : memref<12288xf32, #tpu.memory_space<hbm>> -> memref<4096xf32, #tpu.memory_space<hbm>>
      %dma_start3A_93 = arith.constant 0 : i32
      %dma_start3A_94 = tpu.memref_slice %arg10[%dma_start3A_93] : memref<12288xf32, #tpu.memory_space<vmem>> -> memref<4096xf32, #tpu.memory_space<vmem>>
      %dma_start3A_95 = arith.constant 0 : i32
      %dma_start3A_96 = tpu.memref_slice %arg3[%dma_start3A_95] : memref<12288xf32, #tpu.memory_space<hbm>> -> memref<4096xf32, #tpu.memory_space<hbm>>
      tpu.enqueue_dma source(%dma_start3A_96 : memref<4096xf32, #tpu.memory_space<hbm>>) target(%dma_start3A_94 : memref<4096xf32, #tpu.memory_space<vmem>>) target_semaphore(%run_scoped3A : memref<!tpu.dma_semaphore, #tpu.memory_space<semaphore_mem>>)
      %dma_wait3A = arith.constant 0 : i32
      %dma_wait3A_97 = tpu.memref_slice %arg10[%dma_wait3A] : memref<12288xf32, #tpu.memory_space<vmem>> -> memref<4096xf32, #tpu.memory_space<vmem>>
      %dma_wait3A_98 = arith.constant 0 : i32
      %dma_wait3A_99 = tpu.memref_slice %arg3[%dma_wait3A_98] : memref<12288xf32, #tpu.memory_space<hbm>> -> memref<4096xf32, #tpu.memory_space<hbm>>
      %dma_wait3A_100 = arith.constant 0 : i32
      %dma_wait3A_101 = tpu.memref_slice %arg10[%dma_wait3A_100] : memref<12288xf32, #tpu.memory_space<vmem>> -> memref<4096xf32, #tpu.memory_space<vmem>>
      %dma_wait3A_102 = arith.constant 0 : i32
      %dma_wait3A_103 = tpu.memref_slice %arg3[%dma_wait3A_102] : memref<12288xf32, #tpu.memory_space<hbm>> -> memref<4096xf32, #tpu.memory_space<hbm>>
      tpu.wait_dma2 semaphore(%run_scoped3A : memref<!tpu.dma_semaphore, #tpu.memory_space<semaphore_mem>>) src(%dma_wait3A_103 : memref<4096xf32, #tpu.memory_space<hbm>>) dst(%dma_wait3A_101 : memref<4096xf32, #tpu.memory_space<vmem>>)
      tpu.yield
    }) : () -> ()
    %add3A_5 = arith.constant 2048 : i32
    %add3A_6 = arith.addi %add3A_5, %mul3A_2 : i32
    "tpu.region"() ({
      %run_scoped3A = tpu.sem_alloc : memref<!tpu.dma_semaphore, #tpu.memory_space<semaphore_mem>>
      %dma_start3A = arith.constant 64 : i32
      %dma_start3A_90 = tpu.memref_slice %arg12[%dma_start3A] : memref<4096xf32, #tpu.memory_space<vmem>> -> memref<64xf32, #tpu.memory_space<vmem>>
      %dma_start3A_91 = tpu.memref_slice %arg2[%add3A_6] : memref<6144xf32, #tpu.memory_space<hbm>> -> memref<64xf32, #tpu.memory_space<hbm>>
      %dma_start3A_92 = arith.constant 64 : i32
      %dma_start3A_93 = tpu.memref_slice %arg12[%dma_start3A_92] : memref<4096xf32, #tpu.memory_space<vmem>> -> memref<64xf32, #tpu.memory_space<vmem>>
      %dma_start3A_94 = tpu.memref_slice %arg2[%add3A_6] : memref<6144xf32, #tpu.memory_space<hbm>> -> memref<64xf32, #tpu.memory_space<hbm>>
      tpu.enqueue_dma source(%dma_start3A_94 : memref<64xf32, #tpu.memory_space<hbm>>) target(%dma_start3A_93 : memref<64xf32, #tpu.memory_space<vmem>>) target_semaphore(%run_scoped3A : memref<!tpu.dma_semaphore, #tpu.memory_space<semaphore_mem>>)
      %dma_wait3A = arith.constant 64 : i32
      %dma_wait3A_95 = tpu.memref_slice %arg12[%dma_wait3A] : memref<4096xf32, #tpu.memory_space<vmem>> -> memref<64xf32, #tpu.memory_space<vmem>>
      %dma_wait3A_96 = tpu.memref_slice %arg2[%add3A_6] : memref<6144xf32, #tpu.memory_space<hbm>> -> memref<64xf32, #tpu.memory_space<hbm>>
      %dma_wait3A_97 = arith.constant 64 : i32
      %dma_wait3A_98 = tpu.memref_slice %arg12[%dma_wait3A_97] : memref<4096xf32, #tpu.memory_space<vmem>> -> memref<64xf32, #tpu.memory_space<vmem>>
      %dma_wait3A_99 = tpu.memref_slice %arg2[%add3A_6] : memref<6144xf32, #tpu.memory_space<hbm>> -> memref<64xf32, #tpu.memory_space<hbm>>
      tpu.wait_dma2 semaphore(%run_scoped3A : memref<!tpu.dma_semaphore, #tpu.memory_space<semaphore_mem>>) src(%dma_wait3A_99 : memref<64xf32, #tpu.memory_space<hbm>>) dst(%dma_wait3A_98 : memref<64xf32, #tpu.memory_space<vmem>>)
      tpu.yield
    }) : () -> ()
    "tpu.region"() ({
      %run_scoped3A = tpu.sem_alloc : memref<!tpu.dma_semaphore, #tpu.memory_space<semaphore_mem>>
      %dma_start3A = arith.constant 4096 : i32
      %dma_start3A_90 = tpu.memref_slice %arg10[%dma_start3A] : memref<12288xf32, #tpu.memory_space<vmem>> -> memref<4096xf32, #tpu.memory_space<vmem>>
      %dma_start3A_91 = arith.constant 4096 : i32
      %dma_start3A_92 = tpu.memref_slice %arg3[%dma_start3A_91] : memref<12288xf32, #tpu.memory_space<hbm>> -> memref<4096xf32, #tpu.memory_space<hbm>>
      %dma_start3A_93 = arith.constant 4096 : i32
      %dma_start3A_94 = tpu.memref_slice %arg10[%dma_start3A_93] : memref<12288xf32, #tpu.memory_space<vmem>> -> memref<4096xf32, #tpu.memory_space<vmem>>
      %dma_start3A_95 = arith.constant 4096 : i32
      %dma_start3A_96 = tpu.memref_slice %arg3[%dma_start3A_95] : memref<12288xf32, #tpu.memory_space<hbm>> -> memref<4096xf32, #tpu.memory_space<hbm>>
      tpu.enqueue_dma source(%dma_start3A_96 : memref<4096xf32, #tpu.memory_space<hbm>>) target(%dma_start3A_94 : memref<4096xf32, #tpu.memory_space<vmem>>) target_semaphore(%run_scoped3A : memref<!tpu.dma_semaphore, #tpu.memory_space<semaphore_mem>>)
      %dma_wait3A = arith.constant 4096 : i32
      %dma_wait3A_97 = tpu.memref_slice %arg10[%dma_wait3A] : memref<12288xf32, #tpu.memory_space<vmem>> -> memref<4096xf32, #tpu.memory_space<vmem>>
      %dma_wait3A_98 = arith.constant 4096 : i32
      %dma_wait3A_99 = tpu.memref_slice %arg3[%dma_wait3A_98] : memref<12288xf32, #tpu.memory_space<hbm>> -> memref<4096xf32, #tpu.memory_space<hbm>>
      %dma_wait3A_100 = arith.constant 4096 : i32
      %dma_wait3A_101 = tpu.memref_slice %arg10[%dma_wait3A_100] : memref<12288xf32, #tpu.memory_space<vmem>> -> memref<4096xf32, #tpu.memory_space<vmem>>
      %dma_wait3A_102 = arith.constant 4096 : i32
      %dma_wait3A_103 = tpu.memref_slice %arg3[%dma_wait3A_102] : memref<12288xf32, #tpu.memory_space<hbm>> -> memref<4096xf32, #tpu.memory_space<hbm>>
      tpu.wait_dma2 semaphore(%run_scoped3A : memref<!tpu.dma_semaphore, #tpu.memory_space<semaphore_mem>>) src(%dma_wait3A_103 : memref<4096xf32, #tpu.memory_space<hbm>>) dst(%dma_wait3A_101 : memref<4096xf32, #tpu.memory_space<vmem>>)
      tpu.yield
    }) : () -> ()
    %add3A_7 = arith.constant 4096 : i32
    %add3A_8 = arith.addi %add3A_7, %mul3A_2 : i32
    "tpu.region"() ({
      %run_scoped3A = tpu.sem_alloc : memref<!tpu.dma_semaphore, #tpu.memory_space<semaphore_mem>>
      %dma_start3A = arith.constant 128 : i32
      %dma_start3A_90 = tpu.memref_slice %arg12[%dma_start3A] : memref<4096xf32, #tpu.memory_space<vmem>> -> memref<64xf32, #tpu.memory_space<vmem>>
      %dma_start3A_91 = tpu.memref_slice %arg2[%add3A_8] : memref<6144xf32, #tpu.memory_space<hbm>> -> memref<64xf32, #tpu.memory_space<hbm>>
      %dma_start3A_92 = arith.constant 128 : i32
      %dma_start3A_93 = tpu.memref_slice %arg12[%dma_start3A_92] : memref<4096xf32, #tpu.memory_space<vmem>> -> memref<64xf32, #tpu.memory_space<vmem>>
      %dma_start3A_94 = tpu.memref_slice %arg2[%add3A_8] : memref<6144xf32, #tpu.memory_space<hbm>> -> memref<64xf32, #tpu.memory_space<hbm>>
      tpu.enqueue_dma source(%dma_start3A_94 : memref<64xf32, #tpu.memory_space<hbm>>) target(%dma_start3A_93 : memref<64xf32, #tpu.memory_space<vmem>>) target_semaphore(%run_scoped3A : memref<!tpu.dma_semaphore, #tpu.memory_space<semaphore_mem>>)
      %dma_wait3A = arith.constant 128 : i32
      %dma_wait3A_95 = tpu.memref_slice %arg12[%dma_wait3A] : memref<4096xf32, #tpu.memory_space<vmem>> -> memref<64xf32, #tpu.memory_space<vmem>>
      %dma_wait3A_96 = tpu.memref_slice %arg2[%add3A_8] : memref<6144xf32, #tpu.memory_space<hbm>> -> memref<64xf32, #tpu.memory_space<hbm>>
      %dma_wait3A_97 = arith.constant 128 : i32
      %dma_wait3A_98 = tpu.memref_slice %arg12[%dma_wait3A_97] : memref<4096xf32, #tpu.memory_space<vmem>> -> memref<64xf32, #tpu.memory_space<vmem>>
      %dma_wait3A_99 = tpu.memref_slice %arg2[%add3A_8] : memref<6144xf32, #tpu.memory_space<hbm>> -> memref<64xf32, #tpu.memory_space<hbm>>
      tpu.wait_dma2 semaphore(%run_scoped3A : memref<!tpu.dma_semaphore, #tpu.memory_space<semaphore_mem>>) src(%dma_wait3A_99 : memref<64xf32, #tpu.memory_space<hbm>>) dst(%dma_wait3A_98 : memref<64xf32, #tpu.memory_space<vmem>>)
      tpu.yield
    }) : () -> ()
    "tpu.region"() ({
      %run_scoped3A = tpu.sem_alloc : memref<!tpu.dma_semaphore, #tpu.memory_space<semaphore_mem>>
      %dma_start3A = arith.constant 8192 : i32
      %dma_start3A_90 = tpu.memref_slice %arg10[%dma_start3A] : memref<12288xf32, #tpu.memory_space<vmem>> -> memref<4096xf32, #tpu.memory_space<vmem>>
      %dma_start3A_91 = arith.constant 8192 : i32
      %dma_start3A_92 = tpu.memref_slice %arg3[%dma_start3A_91] : memref<12288xf32, #tpu.memory_space<hbm>> -> memref<4096xf32, #tpu.memory_space<hbm>>
      %dma_start3A_93 = arith.constant 8192 : i32
      %dma_start3A_94 = tpu.memref_slice %arg10[%dma_start3A_93] : memref<12288xf32, #tpu.memory_space<vmem>> -> memref<4096xf32, #tpu.memory_space<vmem>>
      %dma_start3A_95 = arith.constant 8192 : i32
      %dma_start3A_96 = tpu.memref_slice %arg3[%dma_start3A_95] : memref<12288xf32, #tpu.memory_space<hbm>> -> memref<4096xf32, #tpu.memory_space<hbm>>
      tpu.enqueue_dma source(%dma_start3A_96 : memref<4096xf32, #tpu.memory_space<hbm>>) target(%dma_start3A_94 : memref<4096xf32, #tpu.memory_space<vmem>>) target_semaphore(%run_scoped3A : memref<!tpu.dma_semaphore, #tpu.memory_space<semaphore_mem>>)
      %dma_wait3A = arith.constant 8192 : i32
      %dma_wait3A_97 = tpu.memref_slice %arg10[%dma_wait3A] : memref<12288xf32, #tpu.memory_space<vmem>> -> memref<4096xf32, #tpu.memory_space<vmem>>
      %dma_wait3A_98 = arith.constant 8192 : i32
      %dma_wait3A_99 = tpu.memref_slice %arg3[%dma_wait3A_98] : memref<12288xf32, #tpu.memory_space<hbm>> -> memref<4096xf32, #tpu.memory_space<hbm>>
      %dma_wait3A_100 = arith.constant 8192 : i32
      %dma_wait3A_101 = tpu.memref_slice %arg10[%dma_wait3A_100] : memref<12288xf32, #tpu.memory_space<vmem>> -> memref<4096xf32, #tpu.memory_space<vmem>>
      %dma_wait3A_102 = arith.constant 8192 : i32
      %dma_wait3A_103 = tpu.memref_slice %arg3[%dma_wait3A_102] : memref<12288xf32, #tpu.memory_space<hbm>> -> memref<4096xf32, #tpu.memory_space<hbm>>
      tpu.wait_dma2 semaphore(%run_scoped3A : memref<!tpu.dma_semaphore, #tpu.memory_space<semaphore_mem>>) src(%dma_wait3A_103 : memref<4096xf32, #tpu.memory_space<hbm>>) dst(%dma_wait3A_101 : memref<4096xf32, #tpu.memory_space<vmem>>)
      tpu.yield
    }) : () -> ()
    %iota3A = tpu.iota {dimensions = array<i32: 0>} : vector<16xi32>
    %scan3A = arith.constant 5.000000e-01 : f32
    %scan3A_9 = arith.constant 0 : i32
    %scan3A_10 = arith.constant 0 : i32
    %scan3A_11 = arith.constant 4 : i32
    %scan3A_12 = arith.addi %scan3A_10, %scan3A_11 : i32
    %scan3A_13 = arith.constant 1 : i32
    %scan3A_14 = scf.for %scan3A_90 = %scan3A_10 to %scan3A_12 step %scan3A_13 iter_args(%scan3A_91 = %scan3A_9) -> (i32)  : i32 {
      %mul3A_92 = arith.constant 16 : i32
      %mul3A_93 = arith.muli %scan3A_90, %mul3A_92 : i32
      %get3A = arith.index_cast %mul3A_93 : i32 to index
      %get3A_94 = tpu.vector_load %arg12[%get3A] {strides = array<i32>} : memref<4096xf32, #tpu.memory_space<vmem>>, vector<16xf32>,
      %add3A_95 = arith.constant 64 : i32
      %add3A_96 = arith.addi %add3A_95, %mul3A_93 : i32
      %get3A_97 = arith.index_cast %add3A_96 : i32 to index
      %get3A_98 = tpu.vector_load %arg12[%get3A_97] {strides = array<i32>} : memref<4096xf32, #tpu.memory_space<vmem>>, vector<16xf32>,
      %add3A_99 = arith.constant 128 : i32
      %add3A_100 = arith.addi %add3A_99, %mul3A_93 : i32
      %get3A_101 = arith.index_cast %add3A_100 : i32 to index
      %get3A_102 = tpu.vector_load %arg12[%get3A_101] {strides = array<i32>} : memref<4096xf32, #tpu.memory_space<vmem>>, vector<16xf32>,
      %bitcast3A = vector.bitcast %get3A_94 : vector<16xf32> to vector<16xi32>
      %add3A_103 = arith.constant 32767 : i32
      %add3A_104 = vector.broadcast %add3A_103 : i32 to vector<16xi32>
      %add3A_105 = arith.addi %bitcast3A, %add3A_104 : vector<16xi32>
      %shift_right_arithmetic3A = arith.constant 16 : i32
      %shift_right_arithmetic3A_106 = vector.broadcast %shift_right_arithmetic3A : i32 to vector<16xi32>
      %shift_right_arithmetic3A_107 = arith.shrsi %bitcast3A, %shift_right_arithmetic3A_106 : vector<16xi32>
      %and3A = arith.constant 1 : i32
      %and3A_108 = vector.broadcast %and3A : i32 to vector<16xi32>
      %and3A_109 = arith.andi %shift_right_arithmetic3A_107, %and3A_108 : vector<16xi32>
      %add3A_110 = arith.addi %add3A_105, %and3A_109 : vector<16xi32>
      %and3A_111 = arith.constant -65536 : i32
      %and3A_112 = vector.broadcast %and3A_111 : i32 to vector<16xi32>
      %and3A_113 = arith.andi %add3A_110, %and3A_112 : vector<16xi32>
      %bitcast3A_114 = vector.bitcast %and3A_113 : vector<16xi32> to vector<16xf32>
      %swap3A_115 = arith.index_cast %mul3A_93 : i32 to index
      %swap3A_116 = tpu.vector_load %arg6[%swap3A_115] {strides = array<i32>} : memref<192xf32, #tpu.memory_space<vmem>>, vector<16xf32>,
      tpu.vector_store %arg6[%swap3A_115], %bitcast3A_114 {strides = array<i32>} : memref<192xf32, #tpu.memory_space<vmem>>, vector<16xf32>,
      %bitcast3A_117 = vector.bitcast %get3A_98 : vector<16xf32> to vector<16xi32>
      %add3A_118 = arith.constant 32767 : i32
      %add3A_119 = vector.broadcast %add3A_118 : i32 to vector<16xi32>
      %add3A_120 = arith.addi %bitcast3A_117, %add3A_119 : vector<16xi32>
      %shift_right_arithmetic3A_121 = arith.constant 16 : i32
      %shift_right_arithmetic3A_122 = vector.broadcast %shift_right_arithmetic3A_121 : i32 to vector<16xi32>
      %shift_right_arithmetic3A_123 = arith.shrsi %bitcast3A_117, %shift_right_arithmetic3A_122 : vector<16xi32>
      %and3A_124 = arith.constant 1 : i32
      %and3A_125 = vector.broadcast %and3A_124 : i32 to vector<16xi32>
      %and3A_126 = arith.andi %shift_right_arithmetic3A_123, %and3A_125 : vector<16xi32>
      %add3A_127 = arith.addi %add3A_120, %and3A_126 : vector<16xi32>
      %and3A_128 = arith.constant -65536 : i32
      %and3A_129 = vector.broadcast %and3A_128 : i32 to vector<16xi32>
      %and3A_130 = arith.andi %add3A_127, %and3A_129 : vector<16xi32>
      %bitcast3A_131 = vector.bitcast %and3A_130 : vector<16xi32> to vector<16xf32>
      %add3A_132 = arith.constant 64 : i32
      %add3A_133 = arith.addi %add3A_132, %mul3A_93 : i32
      %swap3A_134 = arith.index_cast %add3A_133 : i32 to index
      %swap3A_135 = tpu.vector_load %arg6[%swap3A_134] {strides = array<i32>} : memref<192xf32, #tpu.memory_space<vmem>>, vector<16xf32>,
      tpu.vector_store %arg6[%swap3A_134], %bitcast3A_131 {strides = array<i32>} : memref<192xf32, #tpu.memory_space<vmem>>, vector<16xf32>,
      %bitcast3A_136 = vector.bitcast %get3A_102 : vector<16xf32> to vector<16xi32>
      %add3A_137 = arith.constant 32767 : i32
      %add3A_138 = vector.broadcast %add3A_137 : i32 to vector<16xi32>
      %add3A_139 = arith.addi %bitcast3A_136, %add3A_138 : vector<16xi32>
      %shift_right_arithmetic3A_140 = arith.constant 16 : i32
      %shift_right_arithmetic3A_141 = vector.broadcast %shift_right_arithmetic3A_140 : i32 to vector<16xi32>
      %shift_right_arithmetic3A_142 = arith.shrsi %bitcast3A_136, %shift_right_arithmetic3A_141 : vector<16xi32>
      %and3A_143 = arith.constant 1 : i32
      %and3A_144 = vector.broadcast %and3A_143 : i32 to vector<16xi32>
      %and3A_145 = arith.andi %shift_right_arithmetic3A_142, %and3A_144 : vector<16xi32>
      %add3A_146 = arith.addi %add3A_139, %and3A_145 : vector<16xi32>
      %and3A_147 = arith.constant -65536 : i32
      %and3A_148 = vector.broadcast %and3A_147 : i32 to vector<16xi32>
      %and3A_149 = arith.andi %add3A_146, %and3A_148 : vector<16xi32>
      %bitcast3A_150 = vector.bitcast %and3A_149 : vector<16xi32> to vector<16xf32>
      %add3A_151 = arith.constant 128 : i32
      %add3A_152 = arith.addi %add3A_151, %mul3A_93 : i32
      %swap3A_153 = arith.index_cast %add3A_152 : i32 to index
      %swap3A_154 = tpu.vector_load %arg6[%swap3A_153] {strides = array<i32>} : memref<192xf32, #tpu.memory_space<vmem>>, vector<16xf32>,
      tpu.vector_store %arg6[%swap3A_153], %bitcast3A_150 {strides = array<i32>} : memref<192xf32, #tpu.memory_space<vmem>>, vector<16xf32>,
      %mul3A_155 = arith.mulf %get3A_94, %get3A_94 : vector<16xf32>
      %mul3A_156 = arith.mulf %get3A_98, %get3A_98 : vector<16xf32>
      %add3A_157 = arith.addf %mul3A_155, %mul3A_156 : vector<16xf32>
      %mul3A_158 = arith.mulf %get3A_102, %get3A_102 : vector<16xf32>
      %add3A_159 = arith.addf %add3A_157, %mul3A_158 : vector<16xf32>
      %mul3A_160 = vector.broadcast %scan3A : f32 to vector<16xf32>
      %mul3A_161 = arith.mulf %add3A_159, %mul3A_160 : vector<16xf32>
      %swap3A_162 = arith.index_cast %mul3A_93 : i32 to index
      %swap3A_163 = tpu.vector_load %arg7[%swap3A_162] {strides = array<i32>} : memref<64xf32, #tpu.memory_space<vmem>>, vector<16xf32>,
      tpu.vector_store %arg7[%swap3A_162], %mul3A_161 {strides = array<i32>} : memref<64xf32, #tpu.memory_space<vmem>>, vector<16xf32>,
      %scan3A_164 = arith.constant 0 : i32
      scf.yield %scan3A_164 : i32
    }
    %scan3A_15 = arith.constant 4 : i32
    %scan3A_16 = arith.constant 5.000000e-01 : f32
    %scan3A_17 = arith.constant 0 : i32
    %scan3A_18 = arith.constant 0 : i32
    %scan3A_19 = arith.constant 256 : i32
    %scan3A_20 = arith.addi %scan3A_18, %scan3A_19 : i32
    %scan3A_21 = arith.constant 1 : i32
    %scan3A_22 = scf.for %scan3A_90 = %scan3A_18 to %scan3A_20 step %scan3A_21 iter_args(%scan3A_91 = %scan3A_17) -> (i32)  : i32 {
      %mul3A_92 = arith.constant 16 : i32
      %mul3A_93 = arith.muli %scan3A_90, %mul3A_92 : i32
      %get3A = arith.index_cast %mul3A_93 : i32 to index
      %get3A_94 = tpu.vector_load %arg10[%get3A] {strides = array<i32>} : memref<12288xf32, #tpu.memory_space<vmem>>, vector<16xf32>,
      %add3A_95 = arith.constant 4096 : i32
      %add3A_96 = arith.addi %add3A_95, %mul3A_93 : i32
      %get3A_97 = arith.index_cast %add3A_96 : i32 to index
      %get3A_98 = tpu.vector_load %arg10[%get3A_97] {strides = array<i32>} : memref<12288xf32, #tpu.memory_space<vmem>>, vector<16xf32>,
      %add3A_99 = arith.constant 8192 : i32
      %add3A_100 = arith.addi %add3A_99, %mul3A_93 : i32
      %get3A_101 = arith.index_cast %add3A_100 : i32 to index
      %get3A_102 = tpu.vector_load %arg10[%get3A_101] {strides = array<i32>} : memref<12288xf32, #tpu.memory_space<vmem>>, vector<16xf32>,
      %bitcast3A = vector.bitcast %get3A_94 : vector<16xf32> to vector<16xi32>
      %add3A_103 = arith.constant 32767 : i32
      %add3A_104 = vector.broadcast %add3A_103 : i32 to vector<16xi32>
      %add3A_105 = arith.addi %bitcast3A, %add3A_104 : vector<16xi32>
      %shift_right_arithmetic3A = arith.constant 16 : i32
      %shift_right_arithmetic3A_106 = vector.broadcast %shift_right_arithmetic3A : i32 to vector<16xi32>
      %shift_right_arithmetic3A_107 = arith.shrsi %bitcast3A, %shift_right_arithmetic3A_106 : vector<16xi32>
      %and3A = arith.constant 1 : i32
      %and3A_108 = vector.broadcast %and3A : i32 to vector<16xi32>
      %and3A_109 = arith.andi %shift_right_arithmetic3A_107, %and3A_108 : vector<16xi32>
      %add3A_110 = arith.addi %add3A_105, %and3A_109 : vector<16xi32>
      %and3A_111 = arith.constant -65536 : i32
      %and3A_112 = vector.broadcast %and3A_111 : i32 to vector<16xi32>
      %and3A_113 = arith.andi %add3A_110, %and3A_112 : vector<16xi32>
      %bitcast3A_114 = vector.bitcast %and3A_113 : vector<16xi32> to vector<16xf32>
      %swap3A_115 = arith.index_cast %mul3A_93 : i32 to index
      %swap3A_116 = tpu.vector_load %arg8[%swap3A_115] {strides = array<i32>} : memref<12288xf32, #tpu.memory_space<vmem>>, vector<16xf32>,
      tpu.vector_store %arg8[%swap3A_115], %bitcast3A_114 {strides = array<i32>} : memref<12288xf32, #tpu.memory_space<vmem>>, vector<16xf32>,
      %bitcast3A_117 = vector.bitcast %get3A_98 : vector<16xf32> to vector<16xi32>
      %add3A_118 = arith.constant 32767 : i32
      %add3A_119 = vector.broadcast %add3A_118 : i32 to vector<16xi32>
      %add3A_120 = arith.addi %bitcast3A_117, %add3A_119 : vector<16xi32>
      %shift_right_arithmetic3A_121 = arith.constant 16 : i32
      %shift_right_arithmetic3A_122 = vector.broadcast %shift_right_arithmetic3A_121 : i32 to vector<16xi32>
      %shift_right_arithmetic3A_123 = arith.shrsi %bitcast3A_117, %shift_right_arithmetic3A_122 : vector<16xi32>
      %and3A_124 = arith.constant 1 : i32
      %and3A_125 = vector.broadcast %and3A_124 : i32 to vector<16xi32>
      %and3A_126 = arith.andi %shift_right_arithmetic3A_123, %and3A_125 : vector<16xi32>
      %add3A_127 = arith.addi %add3A_120, %and3A_126 : vector<16xi32>
      %and3A_128 = arith.constant -65536 : i32
      %and3A_129 = vector.broadcast %and3A_128 : i32 to vector<16xi32>
      %and3A_130 = arith.andi %add3A_127, %and3A_129 : vector<16xi32>
      %bitcast3A_131 = vector.bitcast %and3A_130 : vector<16xi32> to vector<16xf32>
      %add3A_132 = arith.constant 4096 : i32
      %add3A_133 = arith.addi %add3A_132, %mul3A_93 : i32
      %swap3A_134 = arith.index_cast %add3A_133 : i32 to index
      %swap3A_135 = tpu.vector_load %arg8[%swap3A_134] {strides = array<i32>} : memref<12288xf32, #tpu.memory_space<vmem>>, vector<16xf32>,
      tpu.vector_store %arg8[%swap3A_134], %bitcast3A_131 {strides = array<i32>} : memref<12288xf32, #tpu.memory_space<vmem>>, vector<16xf32>,
      %bitcast3A_136 = vector.bitcast %get3A_102 : vector<16xf32> to vector<16xi32>
      %add3A_137 = arith.constant 32767 : i32
      %add3A_138 = vector.broadcast %add3A_137 : i32 to vector<16xi32>
      %add3A_139 = arith.addi %bitcast3A_136, %add3A_138 : vector<16xi32>
      %shift_right_arithmetic3A_140 = arith.constant 16 : i32
      %shift_right_arithmetic3A_141 = vector.broadcast %shift_right_arithmetic3A_140 : i32 to vector<16xi32>
      %shift_right_arithmetic3A_142 = arith.shrsi %bitcast3A_136, %shift_right_arithmetic3A_141 : vector<16xi32>
      %and3A_143 = arith.constant 1 : i32
      %and3A_144 = vector.broadcast %and3A_143 : i32 to vector<16xi32>
      %and3A_145 = arith.andi %shift_right_arithmetic3A_142, %and3A_144 : vector<16xi32>
      %add3A_146 = arith.addi %add3A_139, %and3A_145 : vector<16xi32>
      %and3A_147 = arith.constant -65536 : i32
      %and3A_148 = vector.broadcast %and3A_147 : i32 to vector<16xi32>
      %and3A_149 = arith.andi %add3A_146, %and3A_148 : vector<16xi32>
      %bitcast3A_150 = vector.bitcast %and3A_149 : vector<16xi32> to vector<16xf32>
      %add3A_151 = arith.constant 8192 : i32
      %add3A_152 = arith.addi %add3A_151, %mul3A_93 : i32
      %swap3A_153 = arith.index_cast %add3A_152 : i32 to index
      %swap3A_154 = tpu.vector_load %arg8[%swap3A_153] {strides = array<i32>} : memref<12288xf32, #tpu.memory_space<vmem>>, vector<16xf32>,
      tpu.vector_store %arg8[%swap3A_153], %bitcast3A_150 {strides = array<i32>} : memref<12288xf32, #tpu.memory_space<vmem>>, vector<16xf32>,
      %mul3A_155 = arith.mulf %get3A_94, %get3A_94 : vector<16xf32>
      %mul3A_156 = arith.mulf %get3A_98, %get3A_98 : vector<16xf32>
      %add3A_157 = arith.addf %mul3A_155, %mul3A_156 : vector<16xf32>
      %mul3A_158 = arith.mulf %get3A_102, %get3A_102 : vector<16xf32>
      %add3A_159 = arith.addf %add3A_157, %mul3A_158 : vector<16xf32>
      %mul3A_160 = vector.broadcast %scan3A_16 : f32 to vector<16xf32>
      %mul3A_161 = arith.mulf %add3A_159, %mul3A_160 : vector<16xf32>
      %swap3A_162 = arith.index_cast %mul3A_93 : i32 to index
      %swap3A_163 = tpu.vector_load %arg9[%swap3A_162] {strides = array<i32>} : memref<4096xf32, #tpu.memory_space<vmem>>, vector<16xf32>,
      tpu.vector_store %arg9[%swap3A_162], %mul3A_161 {strides = array<i32>} : memref<4096xf32, #tpu.memory_space<vmem>>, vector<16xf32>,
      %broadcast_in_dim3A_164 = arith.constant 3.000000e+38 : f32
      %broadcast_in_dim3A_165 = vector.broadcast %broadcast_in_dim3A_164 : f32 to vector<16xf32>
      %swap3A_166 = arith.index_cast %mul3A_93 : i32 to index
      %swap3A_167 = tpu.vector_load %arg11[%swap3A_166] {strides = array<i32>} : memref<4096xf32, #tpu.memory_space<vmem>>, vector<16xf32>,
      tpu.vector_store %arg11[%swap3A_166], %broadcast_in_dim3A_165 {strides = array<i32>} : memref<4096xf32, #tpu.memory_space<vmem>>, vector<16xf32>,
      %scan3A_168 = arith.constant 0 : i32
      scf.yield %scan3A_168 : i32
    }
    %scan3A_23 = arith.constant 256 : i32
    %broadcast_in_dim3A = arith.constant 0.000000e+00 : f32
    %broadcast_in_dim3A_24 = vector.broadcast %broadcast_in_dim3A : f32 to vector<16xf32>
    %scan3A_25 = arith.constant 0 : i32
    %scan3A_26 = arith.constant 4 : i32
    %scan3A_27 = arith.addi %scan3A_25, %scan3A_26 : i32
    %scan3A_28 = arith.constant 1 : i32
    %scan3A_29 = scf.for %scan3A_90 = %scan3A_25 to %scan3A_27 step %scan3A_28 iter_args(%scan3A_91 = %broadcast_in_dim3A_24) -> (vector<16xf32>)  : i32 {
      %mul3A_92 = arith.constant 16 : i32
      %mul3A_93 = arith.muli %scan3A_90, %mul3A_92 : i32
      %get3A = arith.index_cast %mul3A_93 : i32 to index
      %get3A_94 = tpu.vector_load %arg6[%get3A] {strides = array<i32>} : memref<192xf32, #tpu.memory_space<vmem>>, vector<16xf32>,
      %add3A_95 = arith.constant 64 : i32
      %add3A_96 = arith.addi %add3A_95, %mul3A_93 : i32
      %get3A_97 = arith.index_cast %add3A_96 : i32 to index
      %get3A_98 = tpu.vector_load %arg6[%get3A_97] {strides = array<i32>} : memref<192xf32, #tpu.memory_space<vmem>>, vector<16xf32>,
      %add3A_99 = arith.constant 128 : i32
      %add3A_100 = arith.addi %add3A_99, %mul3A_93 : i32
      %get3A_101 = arith.index_cast %add3A_100 : i32 to index
      %get3A_102 = tpu.vector_load %arg6[%get3A_101] {strides = array<i32>} : memref<192xf32, #tpu.memory_space<vmem>>, vector<16xf32>,
      %get3A_103 = arith.index_cast %mul3A_93 : i32 to index
      %get3A_104 = tpu.vector_load %arg7[%get3A_103] {strides = array<i32>} : memref<64xf32, #tpu.memory_space<vmem>>, vector<16xf32>,
      %slice3A = vector.extract_strided_slice %get3A_94 {offsets = [0], sizes = [1], strides = [1]} : vector<16xf32> to vector<1xf32>
      %squeeze3A = vector.extract %slice3A[0] : f32 from vector<1xf32>
      %broadcast_in_dim3A_105 = vector.broadcast %squeeze3A : f32 to vector<16xf32>
      %slice3A_106 = vector.extract_strided_slice %get3A_98 {offsets = [0], sizes = [1], strides = [1]} : vector<16xf32> to vector<1xf32>
      %squeeze3A_107 = vector.extract %slice3A_106[0] : f32 from vector<1xf32>
      %broadcast_in_dim3A_108 = vector.broadcast %squeeze3A_107 : f32 to vector<16xf32>
      %slice3A_109 = vector.extract_strided_slice %get3A_102 {offsets = [0], sizes = [1], strides = [1]} : vector<16xf32> to vector<1xf32>
      %squeeze3A_110 = vector.extract %slice3A_109[0] : f32 from vector<1xf32>
      %broadcast_in_dim3A_111 = vector.broadcast %squeeze3A_110 : f32 to vector<16xf32>
      %slice3A_112 = vector.extract_strided_slice %get3A_104 {offsets = [0], sizes = [1], strides = [1]} : vector<16xf32> to vector<1xf32>
      %squeeze3A_113 = vector.extract %slice3A_112[0] : f32 from vector<1xf32>
      %broadcast_in_dim3A_114 = vector.broadcast %squeeze3A_113 : f32 to vector<16xf32>
      %slice3A_115 = vector.extract_strided_slice %get3A_94 {offsets = [1], sizes = [1], strides = [1]} : vector<16xf32> to vector<1xf32>
      %squeeze3A_116 = vector.extract %slice3A_115[0] : f32 from vector<1xf32>
      %broadcast_in_dim3A_117 = vector.broadcast %squeeze3A_116 : f32 to vector<16xf32>
      %slice3A_118 = vector.extract_strided_slice %get3A_98 {offsets = [1], sizes = [1], strides = [1]} : vector<16xf32> to vector<1xf32>
      %squeeze3A_119 = vector.extract %slice3A_118[0] : f32 from vector<1xf32>
      %broadcast_in_dim3A_120 = vector.broadcast %squeeze3A_119 : f32 to vector<16xf32>
      %slice3A_121 = vector.extract_strided_slice %get3A_102 {offsets = [1], sizes = [1], strides = [1]} : vector<16xf32> to vector<1xf32>
      %squeeze3A_122 = vector.extract %slice3A_121[0] : f32 from vector<1xf32>
      %broadcast_in_dim3A_123 = vector.broadcast %squeeze3A_122 : f32 to vector<16xf32>
      %slice3A_124 = vector.extract_strided_slice %get3A_104 {offsets = [1], sizes = [1], strides = [1]} : vector<16xf32> to vector<1xf32>
      %squeeze3A_125 = vector.extract %slice3A_124[0] : f32 from vector<1xf32>
      %broadcast_in_dim3A_126 = vector.broadcast %squeeze3A_125 : f32 to vector<16xf32>
      %slice3A_127 = vector.extract_strided_slice %get3A_94 {offsets = [2], sizes = [1], strides = [1]} : vector<16xf32> to vector<1xf32>
      %squeeze3A_128 = vector.extract %slice3A_127[0] : f32 from vector<1xf32>
      %broadcast_in_dim3A_129 = vector.broadcast %squeeze3A_128 : f32 to vector<16xf32>
      %slice3A_130 = vector.extract_strided_slice %get3A_98 {offsets = [2], sizes = [1], strides = [1]} : vector<16xf32> to vector<1xf32>
      %squeeze3A_131 = vector.extract %slice3A_130[0] : f32 from vector<1xf32>
      %broadcast_in_dim3A_132 = vector.broadcast %squeeze3A_131 : f32 to vector<16xf32>
      %slice3A_133 = vector.extract_strided_slice %get3A_102 {offsets = [2], sizes = [1], strides = [1]} : vector<16xf32> to vector<1xf32>
      %squeeze3A_134 = vector.extract %slice3A_133[0] : f32 from vector<1xf32>
      %broadcast_in_dim3A_135 = vector.broadcast %squeeze3A_134 : f32 to vector<16xf32>
      %slice3A_136 = vector.extract_strided_slice %get3A_104 {offsets = [2], sizes = [1], strides = [1]} : vector<16xf32> to vector<1xf32>
      %squeeze3A_137 = vector.extract %slice3A_136[0] : f32 from vector<1xf32>
      %broadcast_in_dim3A_138 = vector.broadcast %squeeze3A_137 : f32 to vector<16xf32>
      %slice3A_139 = vector.extract_strided_slice %get3A_94 {offsets = [3], sizes = [1], strides = [1]} : vector<16xf32> to vector<1xf32>
      %squeeze3A_140 = vector.extract %slice3A_139[0] : f32 from vector<1xf32>
      %broadcast_in_dim3A_141 = vector.broadcast %squeeze3A_140 : f32 to vector<16xf32>
      %slice3A_142 = vector.extract_strided_slice %get3A_98 {offsets = [3], sizes = [1], strides = [1]} : vector<16xf32> to vector<1xf32>
      %squeeze3A_143 = vector.extract %slice3A_142[0] : f32 from vector<1xf32>
      %broadcast_in_dim3A_144 = vector.broadcast %squeeze3A_143 : f32 to vector<16xf32>
      %slice3A_145 = vector.extract_strided_slice %get3A_102 {offsets = [3], sizes = [1], strides = [1]} : vector<16xf32> to vector<1xf32>
      %squeeze3A_146 = vector.extract %slice3A_145[0] : f32 from vector<1xf32>
      %broadcast_in_dim3A_147 = vector.broadcast %squeeze3A_146 : f32 to vector<16xf32>
      %slice3A_148 = vector.extract_strided_slice %get3A_104 {offsets = [3], sizes = [1], strides = [1]} : vector<16xf32> to vector<1xf32>
      %squeeze3A_149 = vector.extract %slice3A_148[0] : f32 from vector<1xf32>
      %broadcast_in_dim3A_150 = vector.broadcast %squeeze3A_149 : f32 to vector<16xf32>
      %slice3A_151 = vector.extract_strided_slice %get3A_94 {offsets = [4], sizes = [1], strides = [1]} : vector<16xf32> to vector<1xf32>
      %squeeze3A_152 = vector.extract %slice3A_151[0] : f32 from vector<1xf32>
      %broadcast_in_dim3A_153 = vector.broadcast %squeeze3A_152 : f32 to vector<16xf32>
      %slice3A_154 = vector.extract_strided_slice %get3A_98 {offsets = [4], sizes = [1], strides = [1]} : vector<16xf32> to vector<1xf32>
      %squeeze3A_155 = vector.extract %slice3A_154[0] : f32 from vector<1xf32>
      %broadcast_in_dim3A_156 = vector.broadcast %squeeze3A_155 : f32 to vector<16xf32>
      %slice3A_157 = vector.extract_strided_slice %get3A_102 {offsets = [4], sizes = [1], strides = [1]} : vector<16xf32> to vector<1xf32>
      %squeeze3A_158 = vector.extract %slice3A_157[0] : f32 from vector<1xf32>
      %broadcast_in_dim3A_159 = vector.broadcast %squeeze3A_158 : f32 to vector<16xf32>
      %slice3A_160 = vector.extract_strided_slice %get3A_104 {offsets = [4], sizes = [1], strides = [1]} : vector<16xf32> to vector<1xf32>
      %squeeze3A_161 = vector.extract %slice3A_160[0] : f32 from vector<1xf32>
      %broadcast_in_dim3A_162 = vector.broadcast %squeeze3A_161 : f32 to vector<16xf32>
      %slice3A_163 = vector.extract_strided_slice %get3A_94 {offsets = [5], sizes = [1], strides = [1]} : vector<16xf32> to vector<1xf32>
      %squeeze3A_164 = vector.extract %slice3A_163[0] : f32 from vector<1xf32>
      %broadcast_in_dim3A_165 = vector.broadcast %squeeze3A_164 : f32 to vector<16xf32>
      %slice3A_166 = vector.extract_strided_slice %get3A_98 {offsets = [5], sizes = [1], strides = [1]} : vector<16xf32> to vector<1xf32>
      %squeeze3A_167 = vector.extract %slice3A_166[0] : f32 from vector<1xf32>
      %broadcast_in_dim3A_168 = vector.broadcast %squeeze3A_167 : f32 to vector<16xf32>
      %slice3A_169 = vector.extract_strided_slice %get3A_102 {offsets = [5], sizes = [1], strides = [1]} : vector<16xf32> to vector<1xf32>
      %squeeze3A_170 = vector.extract %slice3A_169[0] : f32 from vector<1xf32>
      %broadcast_in_dim3A_171 = vector.broadcast %squeeze3A_170 : f32 to vector<16xf32>
      %slice3A_172 = vector.extract_strided_slice %get3A_104 {offsets = [5], sizes = [1], strides = [1]} : vector<16xf32> to vector<1xf32>
      %squeeze3A_173 = vector.extract %slice3A_172[0] : f32 from vector<1xf32>
      %broadcast_in_dim3A_174 = vector.broadcast %squeeze3A_173 : f32 to vector<16xf32>
      %slice3A_175 = vector.extract_strided_slice %get3A_94 {offsets = [6], sizes = [1], strides = [1]} : vector<16xf32> to vector<1xf32>
      %squeeze3A_176 = vector.extract %slice3A_175[0] : f32 from vector<1xf32>
      %broadcast_in_dim3A_177 = vector.broadcast %squeeze3A_176 : f32 to vector<16xf32>
      %slice3A_178 = vector.extract_strided_slice %get3A_98 {offsets = [6], sizes = [1], strides = [1]} : vector<16xf32> to vector<1xf32>
      %squeeze3A_179 = vector.extract %slice3A_178[0] : f32 from vector<1xf32>
      %broadcast_in_dim3A_180 = vector.broadcast %squeeze3A_179 : f32 to vector<16xf32>
      %slice3A_181 = vector.extract_strided_slice %get3A_102 {offsets = [6], sizes = [1], strides = [1]} : vector<16xf32> to vector<1xf32>
      %squeeze3A_182 = vector.extract %slice3A_181[0] : f32 from vector<1xf32>
      %broadcast_in_dim3A_183 = vector.broadcast %squeeze3A_182 : f32 to vector<16xf32>
      %slice3A_184 = vector.extract_strided_slice %get3A_104 {offsets = [6], sizes = [1], strides = [1]} : vector<16xf32> to vector<1xf32>
      %squeeze3A_185 = vector.extract %slice3A_184[0] : f32 from vector<1xf32>
      %broadcast_in_dim3A_186 = vector.broadcast %squeeze3A_185 : f32 to vector<16xf32>
      %slice3A_187 = vector.extract_strided_slice %get3A_94 {offsets = [7], sizes = [1], strides = [1]} : vector<16xf32> to vector<1xf32>
      %squeeze3A_188 = vector.extract %slice3A_187[0] : f32 from vector<1xf32>
      %broadcast_in_dim3A_189 = vector.broadcast %squeeze3A_188 : f32 to vector<16xf32>
      %slice3A_190 = vector.extract_strided_slice %get3A_98 {offsets = [7], sizes = [1], strides = [1]} : vector<16xf32> to vector<1xf32>
      %squeeze3A_191 = vector.extract %slice3A_190[0] : f32 from vector<1xf32>
      %broadcast_in_dim3A_192 = vector.broadcast %squeeze3A_191 : f32 to vector<16xf32>
      %slice3A_193 = vector.extract_strided_slice %get3A_102 {offsets = [7], sizes = [1], strides = [1]} : vector<16xf32> to vector<1xf32>
      %squeeze3A_194 = vector.extract %slice3A_193[0] : f32 from vector<1xf32>
      %broadcast_in_dim3A_195 = vector.broadcast %squeeze3A_194 : f32 to vector<16xf32>
      %slice3A_196 = vector.extract_strided_slice %get3A_104 {offsets = [7], sizes = [1], strides = [1]} : vector<16xf32> to vector<1xf32>
      %squeeze3A_197 = vector.extract %slice3A_196[0] : f32 from vector<1xf32>
      %broadcast_in_dim3A_198 = vector.broadcast %squeeze3A_197 : f32 to vector<16xf32>
      %broadcast_in_dim3A_199 = arith.constant 3.000000e+38 : f32
      %broadcast_in_dim3A_200 = vector.broadcast %broadcast_in_dim3A_199 : f32 to vector<16xf32>
      %broadcast_in_dim3A_201 = arith.constant 3.000000e+38 : f32
      %broadcast_in_dim3A_202 = vector.broadcast %broadcast_in_dim3A_201 : f32 to vector<16xf32>
      %broadcast_in_dim3A_203 = arith.constant 3.000000e+38 : f32
      %broadcast_in_dim3A_204 = vector.broadcast %broadcast_in_dim3A_203 : f32 to vector<16xf32>
      %broadcast_in_dim3A_205 = arith.constant 3.000000e+38 : f32
      %broadcast_in_dim3A_206 = vector.broadcast %broadcast_in_dim3A_205 : f32 to vector<16xf32>
      %broadcast_in_dim3A_207 = arith.constant 3.000000e+38 : f32
      %broadcast_in_dim3A_208 = vector.broadcast %broadcast_in_dim3A_207 : f32 to vector<16xf32>
      %broadcast_in_dim3A_209 = arith.constant 3.000000e+38 : f32
      %broadcast_in_dim3A_210 = vector.broadcast %broadcast_in_dim3A_209 : f32 to vector<16xf32>
      %broadcast_in_dim3A_211 = arith.constant 3.000000e+38 : f32
      %broadcast_in_dim3A_212 = vector.broadcast %broadcast_in_dim3A_211 : f32 to vector<16xf32>
      %broadcast_in_dim3A_213 = arith.constant 3.000000e+38 : f32
      %broadcast_in_dim3A_214 = vector.broadcast %broadcast_in_dim3A_213 : f32 to vector<16xf32>
      %scan3A_215 = arith.constant 0 : i32
      %scan3A_216 = arith.constant 256 : i32
      %scan3A_217 = arith.addi %scan3A_215, %scan3A_216 : i32
      %scan3A_218 = arith.constant 1 : i32
      %scan3A_219:8 = scf.for %scan3A_481 = %scan3A_215 to %scan3A_217 step %scan3A_218 iter_args(%scan3A_482 = %broadcast_in_dim3A_200, %scan3A_483 = %broadcast_in_dim3A_202, %scan3A_484 = %broadcast_in_dim3A_204, %scan3A_485 = %broadcast_in_dim3A_206, %scan3A_486 = %broadcast_in_dim3A_208, %scan3A_487 = %broadcast_in_dim3A_210, %scan3A_488 = %broadcast_in_dim3A_212, %scan3A_489 = %broadcast_in_dim3A_214) -> (vector<16xf32>, vector<16xf32>, vector<16xf32>, vector<16xf32>, vector<16xf32>, vector<16xf32>, vector<16xf32>, vector<16xf32>)  : i32 {
        %mul3A_490 = arith.constant 16 : i32
        %mul3A_491 = arith.muli %scan3A_481, %mul3A_490 : i32
        %get3A_492 = arith.index_cast %mul3A_491 : i32 to index
        %get3A_493 = tpu.vector_load %arg8[%get3A_492] {strides = array<i32>} : memref<12288xf32, #tpu.memory_space<vmem>>, vector<16xf32>,
        %add3A_494 = arith.constant 4096 : i32
        %add3A_495 = arith.addi %add3A_494, %mul3A_491 : i32
        %get3A_496 = arith.index_cast %add3A_495 : i32 to index
        %get3A_497 = tpu.vector_load %arg8[%get3A_496] {strides = array<i32>} : memref<12288xf32, #tpu.memory_space<vmem>>, vector<16xf32>,
        %add3A_498 = arith.constant 8192 : i32
        %add3A_499 = arith.addi %add3A_498, %mul3A_491 : i32
        %get3A_500 = arith.index_cast %add3A_499 : i32 to index
        %get3A_501 = tpu.vector_load %arg8[%get3A_500] {strides = array<i32>} : memref<12288xf32, #tpu.memory_space<vmem>>, vector<16xf32>,
        %get3A_502 = arith.index_cast %mul3A_491 : i32 to index
        %get3A_503 = tpu.vector_load %arg9[%get3A_502] {strides = array<i32>} : memref<4096xf32, #tpu.memory_space<vmem>>, vector<16xf32>,
        %get3A_504 = arith.index_cast %mul3A_491 : i32 to index
        %get3A_505 = tpu.vector_load %arg11[%get3A_504] {strides = array<i32>} : memref<4096xf32, #tpu.memory_space<vmem>>, vector<16xf32>,
        %mul3A_506 = arith.mulf %broadcast_in_dim3A_105, %get3A_493 : vector<16xf32>
        %mul3A_507 = arith.mulf %broadcast_in_dim3A_108, %get3A_497 : vector<16xf32>
        %add3A_508 = arith.addf %mul3A_506, %mul3A_507 : vector<16xf32>
        %mul3A_509 = arith.mulf %broadcast_in_dim3A_111, %get3A_501 : vector<16xf32>
        %add3A_510 = arith.addf %add3A_508, %mul3A_509 : vector<16xf32>
        %add3A_511 = arith.addf %get3A_503, %broadcast_in_dim3A_114 : vector<16xf32>
        %sub3A = arith.subf %add3A_511, %add3A_510 : vector<16xf32>
        %min3A = arith.minimumf %scan3A_482, %sub3A : vector<16xf32>
        %mul3A_512 = arith.mulf %broadcast_in_dim3A_117, %get3A_493 : vector<16xf32>
        %mul3A_513 = arith.mulf %broadcast_in_dim3A_120, %get3A_497 : vector<16xf32>
        %add3A_514 = arith.addf %mul3A_512, %mul3A_513 : vector<16xf32>
        %mul3A_515 = arith.mulf %broadcast_in_dim3A_123, %get3A_501 : vector<16xf32>
        %add3A_516 = arith.addf %add3A_514, %mul3A_515 : vector<16xf32>
        %add3A_517 = arith.addf %get3A_503, %broadcast_in_dim3A_126 : vector<16xf32>
        %sub3A_518 = arith.subf %add3A_517, %add3A_516 : vector<16xf32>
        %min3A_519 = arith.minimumf %scan3A_483, %sub3A_518 : vector<16xf32>
        %mul3A_520 = arith.mulf %broadcast_in_dim3A_129, %get3A_493 : vector<16xf32>
        %mul3A_521 = arith.mulf %broadcast_in_dim3A_132, %get3A_497 : vector<16xf32>
        %add3A_522 = arith.addf %mul3A_520, %mul3A_521 : vector<16xf32>
        %mul3A_523 = arith.mulf %broadcast_in_dim3A_135, %get3A_501 : vector<16xf32>
        %add3A_524 = arith.addf %add3A_522, %mul3A_523 : vector<16xf32>
        %add3A_525 = arith.addf %get3A_503, %broadcast_in_dim3A_138 : vector<16xf32>
        %sub3A_526 = arith.subf %add3A_525, %add3A_524 : vector<16xf32>
        %min3A_527 = arith.minimumf %scan3A_484, %sub3A_526 : vector<16xf32>
        %mul3A_528 = arith.mulf %broadcast_in_dim3A_141, %get3A_493 : vector<16xf32>
        %mul3A_529 = arith.mulf %broadcast_in_dim3A_144, %get3A_497 : vector<16xf32>
        %add3A_530 = arith.addf %mul3A_528, %mul3A_529 : vector<16xf32>
        %mul3A_531 = arith.mulf %broadcast_in_dim3A_147, %get3A_501 : vector<16xf32>
        %add3A_532 = arith.addf %add3A_530, %mul3A_531 : vector<16xf32>
        %add3A_533 = arith.addf %get3A_503, %broadcast_in_dim3A_150 : vector<16xf32>
        %sub3A_534 = arith.subf %add3A_533, %add3A_532 : vector<16xf32>
        %min3A_535 = arith.minimumf %scan3A_485, %sub3A_534 : vector<16xf32>
        %mul3A_536 = arith.mulf %broadcast_in_dim3A_153, %get3A_493 : vector<16xf32>
        %mul3A_537 = arith.mulf %broadcast_in_dim3A_156, %get3A_497 : vector<16xf32>
        %add3A_538 = arith.addf %mul3A_536, %mul3A_537 : vector<16xf32>
        %mul3A_539 = arith.mulf %broadcast_in_dim3A_159, %get3A_501 : vector<16xf32>
        %add3A_540 = arith.addf %add3A_538, %mul3A_539 : vector<16xf32>
        %add3A_541 = arith.addf %get3A_503, %broadcast_in_dim3A_162 : vector<16xf32>
        %sub3A_542 = arith.subf %add3A_541, %add3A_540 : vector<16xf32>
        %min3A_543 = arith.minimumf %scan3A_486, %sub3A_542 : vector<16xf32>
        %mul3A_544 = arith.mulf %broadcast_in_dim3A_165, %get3A_493 : vector<16xf32>
        %mul3A_545 = arith.mulf %broadcast_in_dim3A_168, %get3A_497 : vector<16xf32>
        %add3A_546 = arith.addf %mul3A_544, %mul3A_545 : vector<16xf32>
        %mul3A_547 = arith.mulf %broadcast_in_dim3A_171, %get3A_501 : vector<16xf32>
        %add3A_548 = arith.addf %add3A_546, %mul3A_547 : vector<16xf32>
        %add3A_549 = arith.addf %get3A_503, %broadcast_in_dim3A_174 : vector<16xf32>
        %sub3A_550 = arith.subf %add3A_549, %add3A_548 : vector<16xf32>
        %min3A_551 = arith.minimumf %scan3A_487, %sub3A_550 : vector<16xf32>
        %mul3A_552 = arith.mulf %broadcast_in_dim3A_177, %get3A_493 : vector<16xf32>
        %mul3A_553 = arith.mulf %broadcast_in_dim3A_180, %get3A_497 : vector<16xf32>
        %add3A_554 = arith.addf %mul3A_552, %mul3A_553 : vector<16xf32>
        %mul3A_555 = arith.mulf %broadcast_in_dim3A_183, %get3A_501 : vector<16xf32>
        %add3A_556 = arith.addf %add3A_554, %mul3A_555 : vector<16xf32>
        %add3A_557 = arith.addf %get3A_503, %broadcast_in_dim3A_186 : vector<16xf32>
        %sub3A_558 = arith.subf %add3A_557, %add3A_556 : vector<16xf32>
        %min3A_559 = arith.minimumf %scan3A_488, %sub3A_558 : vector<16xf32>
        %mul3A_560 = arith.mulf %broadcast_in_dim3A_189, %get3A_493 : vector<16xf32>
        %mul3A_561 = arith.mulf %broadcast_in_dim3A_192, %get3A_497 : vector<16xf32>
        %add3A_562 = arith.addf %mul3A_560, %mul3A_561 : vector<16xf32>
        %mul3A_563 = arith.mulf %broadcast_in_dim3A_195, %get3A_501 : vector<16xf32>
        %add3A_564 = arith.addf %add3A_562, %mul3A_563 : vector<16xf32>
        %add3A_565 = arith.addf %get3A_503, %broadcast_in_dim3A_198 : vector<16xf32>
        %sub3A_566 = arith.subf %add3A_565, %add3A_564 : vector<16xf32>
        %min3A_567 = arith.minimumf %scan3A_489, %sub3A_566 : vector<16xf32>
        %min3A_568 = arith.minimumf %sub3A, %sub3A_518 : vector<16xf32>
        %min3A_569 = arith.minimumf %sub3A_526, %sub3A_534 : vector<16xf32>
        %min3A_570 = arith.minimumf %sub3A_542, %sub3A_550 : vector<16xf32>
        %min3A_571 = arith.minimumf %sub3A_558, %sub3A_566 : vector<16xf32>
        %min3A_572 = arith.minimumf %min3A_568, %min3A_569 : vector<16xf32>
        %min3A_573 = arith.minimumf %min3A_570, %min3A_571 : vector<16xf32>
        %min3A_574 = arith.minimumf %min3A_572, %min3A_573 : vector<16xf32>
        %min3A_575 = arith.minimumf %get3A_505, %min3A_574 : vector<16xf32>
        %swap3A_576 = arith.index_cast %mul3A_491 : i32 to index
        %swap3A_577 = tpu.vector_load %arg11[%swap3A_576] {strides = array<i32>} : memref<4096xf32, #tpu.memory_space<vmem>>, vector<16xf32>,
        tpu.vector_store %arg11[%swap3A_576], %min3A_575 {strides = array<i32>} : memref<4096xf32, #tpu.memory_space<vmem>>, vector<16xf32>,
        scf.yield %min3A, %min3A_519, %min3A_527, %min3A_535, %min3A_543, %min3A_551, %min3A_559, %min3A_567 : vector<16xf32>, vector<16xf32>, vector<16xf32>, vector<16xf32>, vector<16xf32>, vector<16xf32>, vector<16xf32>, vector<16xf32>
      }
      %scan3A_220 = arith.constant 256 : i32
      %max3A = arith.constant 0.000000e+00 : f32
      %max3A_221 = vector.broadcast %max3A : f32 to vector<16xf32>
      %max3A_222 = arith.maximumf %scan3A_219#0, %max3A_221 : vector<16xf32>
      %reduce_min3A = arith.constant true
      %reduce_min3A_223 = vector.broadcast %reduce_min3A : i1 to vector<16xi1>
      %reduce_min3A_224 = tpu.scan <min>, %max3A_222 masked %reduce_min3A_223 : vector<16xf32>, vector<16xi1> -> vector<16xf32>
      %reduce_min3A_225 = vector.extract %reduce_min3A_224[15] : f32 from vector<16xf32>
      %broadcast_in_dim3A_226 = vector.broadcast %reduce_min3A_225 : f32 to vector<16xf32>
      %add3A_227 = arith.addf %scan3A_91, %broadcast_in_dim3A_226 : vector<16xf32>
      %max3A_228 = arith.constant 0.000000e+00 : f32
      %max3A_229 = vector.broadcast %max3A_228 : f32 to vector<16xf32>
      %max3A_230 = arith.maximumf %scan3A_219#1, %max3A_229 : vector<16xf32>
      %reduce_min3A_231 = arith.constant true
      %reduce_min3A_232 = vector.broadcast %reduce_min3A_231 : i1 to vector<16xi1>
      %reduce_min3A_233 = tpu.scan <min>, %max3A_230 masked %reduce_min3A_232 : vector<16xf32>, vector<16xi1> -> vector<16xf32>
      %reduce_min3A_234 = vector.extract %reduce_min3A_233[15] : f32 from vector<16xf32>
      %broadcast_in_dim3A_235 = vector.broadcast %reduce_min3A_234 : f32 to vector<16xf32>
      %add3A_236 = arith.addf %add3A_227, %broadcast_in_dim3A_235 : vector<16xf32>
      %max3A_237 = arith.constant 0.000000e+00 : f32
      %max3A_238 = vector.broadcast %max3A_237 : f32 to vector<16xf32>
      %max3A_239 = arith.maximumf %scan3A_219#2, %max3A_238 : vector<16xf32>
      %reduce_min3A_240 = arith.constant true
      %reduce_min3A_241 = vector.broadcast %reduce_min3A_240 : i1 to vector<16xi1>
      %reduce_min3A_242 = tpu.scan <min>, %max3A_239 masked %reduce_min3A_241 : vector<16xf32>, vector<16xi1> -> vector<16xf32>
      %reduce_min3A_243 = vector.extract %reduce_min3A_242[15] : f32 from vector<16xf32>
      %broadcast_in_dim3A_244 = vector.broadcast %reduce_min3A_243 : f32 to vector<16xf32>
      %add3A_245 = arith.addf %add3A_236, %broadcast_in_dim3A_244 : vector<16xf32>
      %max3A_246 = arith.constant 0.000000e+00 : f32
      %max3A_247 = vector.broadcast %max3A_246 : f32 to vector<16xf32>
      %max3A_248 = arith.maximumf %scan3A_219#3, %max3A_247 : vector<16xf32>
      %reduce_min3A_249 = arith.constant true
      %reduce_min3A_250 = vector.broadcast %reduce_min3A_249 : i1 to vector<16xi1>
      %reduce_min3A_251 = tpu.scan <min>, %max3A_248 masked %reduce_min3A_250 : vector<16xf32>, vector<16xi1> -> vector<16xf32>
      %reduce_min3A_252 = vector.extract %reduce_min3A_251[15] : f32 from vector<16xf32>
      %broadcast_in_dim3A_253 = vector.broadcast %reduce_min3A_252 : f32 to vector<16xf32>
      %add3A_254 = arith.addf %add3A_245, %broadcast_in_dim3A_253 : vector<16xf32>
      %max3A_255 = arith.constant 0.000000e+00 : f32
      %max3A_256 = vector.broadcast %max3A_255 : f32 to vector<16xf32>
      %max3A_257 = arith.maximumf %scan3A_219#4, %max3A_256 : vector<16xf32>
      %reduce_min3A_258 = arith.constant true
      %reduce_min3A_259 = vector.broadcast %reduce_min3A_258 : i1 to vector<16xi1>
      %reduce_min3A_260 = tpu.scan <min>, %max3A_257 masked %reduce_min3A_259 : vector<16xf32>, vector<16xi1> -> vector<16xf32>
      %reduce_min3A_261 = vector.extract %reduce_min3A_260[15] : f32 from vector<16xf32>
      %broadcast_in_dim3A_262 = vector.broadcast %reduce_min3A_261 : f32 to vector<16xf32>
      %add3A_263 = arith.addf %add3A_254, %broadcast_in_dim3A_262 : vector<16xf32>
      %max3A_264 = arith.constant 0.000000e+00 : f32
      %max3A_265 = vector.broadcast %max3A_264 : f32 to vector<16xf32>
      %max3A_266 = arith.maximumf %scan3A_219#5, %max3A_265 : vector<16xf32>
      %reduce_min3A_267 = arith.constant true
      %reduce_min3A_268 = vector.broadcast %reduce_min3A_267 : i1 to vector<16xi1>
      %reduce_min3A_269 = tpu.scan <min>, %max3A_266 masked %reduce_min3A_268 : vector<16xf32>, vector<16xi1> -> vector<16xf32>
      %reduce_min3A_270 = vector.extract %reduce_min3A_269[15] : f32 from vector<16xf32>
      %broadcast_in_dim3A_271 = vector.broadcast %reduce_min3A_270 : f32 to vector<16xf32>
      %add3A_272 = arith.addf %add3A_263, %broadcast_in_dim3A_271 : vector<16xf32>
      %max3A_273 = arith.constant 0.000000e+00 : f32
      %max3A_274 = vector.broadcast %max3A_273 : f32 to vector<16xf32>
      %max3A_275 = arith.maximumf %scan3A_219#6, %max3A_274 : vector<16xf32>
      %reduce_min3A_276 = arith.constant true
      %reduce_min3A_277 = vector.broadcast %reduce_min3A_276 : i1 to vector<16xi1>
      %reduce_min3A_278 = tpu.scan <min>, %max3A_275 masked %reduce_min3A_277 : vector<16xf32>, vector<16xi1> -> vector<16xf32>
      %reduce_min3A_279 = vector.extract %reduce_min3A_278[15] : f32 from vector<16xf32>
      %broadcast_in_dim3A_280 = vector.broadcast %reduce_min3A_279 : f32 to vector<16xf32>
      %add3A_281 = arith.addf %add3A_272, %broadcast_in_dim3A_280 : vector<16xf32>
      %max3A_282 = arith.constant 0.000000e+00 : f32
      %max3A_283 = vector.broadcast %max3A_282 : f32 to vector<16xf32>
      %max3A_284 = arith.maximumf %scan3A_219#7, %max3A_283 : vector<16xf32>
      %reduce_min3A_285 = arith.constant true
      %reduce_min3A_286 = vector.broadcast %reduce_min3A_285 : i1 to vector<16xi1>
      %reduce_min3A_287 = tpu.scan <min>, %max3A_284 masked %reduce_min3A_286 : vector<16xf32>, vector<16xi1> -> vector<16xf32>
      %reduce_min3A_288 = vector.extract %reduce_min3A_287[15] : f32 from vector<16xf32>
      %broadcast_in_dim3A_289 = vector.broadcast %reduce_min3A_288 : f32 to vector<16xf32>
      %add3A_290 = arith.addf %add3A_281, %broadcast_in_dim3A_289 : vector<16xf32>
      %slice3A_291 = vector.extract_strided_slice %get3A_94 {offsets = [8], sizes = [1], strides = [1]} : vector<16xf32> to vector<1xf32>
      %squeeze3A_292 = vector.extract %slice3A_291[0] : f32 from vector<1xf32>
      %broadcast_in_dim3A_293 = vector.broadcast %squeeze3A_292 : f32 to vector<16xf32>
      %slice3A_294 = vector.extract_strided_slice %get3A_98 {offsets = [8], sizes = [1], strides = [1]} : vector<16xf32> to vector<1xf32>
      %squeeze3A_295 = vector.extract %slice3A_294[0] : f32 from vector<1xf32>
      %broadcast_in_dim3A_296 = vector.broadcast %squeeze3A_295 : f32 to vector<16xf32>
      %slice3A_297 = vector.extract_strided_slice %get3A_102 {offsets = [8], sizes = [1], strides = [1]} : vector<16xf32> to vector<1xf32>
      %squeeze3A_298 = vector.extract %slice3A_297[0] : f32 from vector<1xf32>
      %broadcast_in_dim3A_299 = vector.broadcast %squeeze3A_298 : f32 to vector<16xf32>
      %slice3A_300 = vector.extract_strided_slice %get3A_104 {offsets = [8], sizes = [1], strides = [1]} : vector<16xf32> to vector<1xf32>
      %squeeze3A_301 = vector.extract %slice3A_300[0] : f32 from vector<1xf32>
      %broadcast_in_dim3A_302 = vector.broadcast %squeeze3A_301 : f32 to vector<16xf32>
      %slice3A_303 = vector.extract_strided_slice %get3A_94 {offsets = [9], sizes = [1], strides = [1]} : vector<16xf32> to vector<1xf32>
      %squeeze3A_304 = vector.extract %slice3A_303[0] : f32 from vector<1xf32>
      %broadcast_in_dim3A_305 = vector.broadcast %squeeze3A_304 : f32 to vector<16xf32>
      %slice3A_306 = vector.extract_strided_slice %get3A_98 {offsets = [9], sizes = [1], strides = [1]} : vector<16xf32> to vector<1xf32>
      %squeeze3A_307 = vector.extract %slice3A_306[0] : f32 from vector<1xf32>
      %broadcast_in_dim3A_308 = vector.broadcast %squeeze3A_307 : f32 to vector<16xf32>
      %slice3A_309 = vector.extract_strided_slice %get3A_102 {offsets = [9], sizes = [1], strides = [1]} : vector<16xf32> to vector<1xf32>
      %squeeze3A_310 = vector.extract %slice3A_309[0] : f32 from vector<1xf32>
      %broadcast_in_dim3A_311 = vector.broadcast %squeeze3A_310 : f32 to vector<16xf32>
      %slice3A_312 = vector.extract_strided_slice %get3A_104 {offsets = [9], sizes = [1], strides = [1]} : vector<16xf32> to vector<1xf32>
      %squeeze3A_313 = vector.extract %slice3A_312[0] : f32 from vector<1xf32>
      %broadcast_in_dim3A_314 = vector.broadcast %squeeze3A_313 : f32 to vector<16xf32>
      %slice3A_315 = vector.extract_strided_slice %get3A_94 {offsets = [10], sizes = [1], strides = [1]} : vector<16xf32> to vector<1xf32>
      %squeeze3A_316 = vector.extract %slice3A_315[0] : f32 from vector<1xf32>
      %broadcast_in_dim3A_317 = vector.broadcast %squeeze3A_316 : f32 to vector<16xf32>
      %slice3A_318 = vector.extract_strided_slice %get3A_98 {offsets = [10], sizes = [1], strides = [1]} : vector<16xf32> to vector<1xf32>
      %squeeze3A_319 = vector.extract %slice3A_318[0] : f32 from vector<1xf32>
      %broadcast_in_dim3A_320 = vector.broadcast %squeeze3A_319 : f32 to vector<16xf32>
      %slice3A_321 = vector.extract_strided_slice %get3A_102 {offsets = [10], sizes = [1], strides = [1]} : vector<16xf32> to vector<1xf32>
      %squeeze3A_322 = vector.extract %slice3A_321[0] : f32 from vector<1xf32>
      %broadcast_in_dim3A_323 = vector.broadcast %squeeze3A_322 : f32 to vector<16xf32>
      %slice3A_324 = vector.extract_strided_slice %get3A_104 {offsets = [10], sizes = [1], strides = [1]} : vector<16xf32> to vector<1xf32>
      %squeeze3A_325 = vector.extract %slice3A_324[0] : f32 from vector<1xf32>
      %broadcast_in_dim3A_326 = vector.broadcast %squeeze3A_325 : f32 to vector<16xf32>
      %slice3A_327 = vector.extract_strided_slice %get3A_94 {offsets = [11], sizes = [1], strides = [1]} : vector<16xf32> to vector<1xf32>
      %squeeze3A_328 = vector.extract %slice3A_327[0] : f32 from vector<1xf32>
      %broadcast_in_dim3A_329 = vector.broadcast %squeeze3A_328 : f32 to vector<16xf32>
      %slice3A_330 = vector.extract_strided_slice %get3A_98 {offsets = [11], sizes = [1], strides = [1]} : vector<16xf32> to vector<1xf32>
      %squeeze3A_331 = vector.extract %slice3A_330[0] : f32 from vector<1xf32>
      %broadcast_in_dim3A_332 = vector.broadcast %squeeze3A_331 : f32 to vector<16xf32>
      %slice3A_333 = vector.extract_strided_slice %get3A_102 {offsets = [11], sizes = [1], strides = [1]} : vector<16xf32> to vector<1xf32>
      %squeeze3A_334 = vector.extract %slice3A_333[0] : f32 from vector<1xf32>
      %broadcast_in_dim3A_335 = vector.broadcast %squeeze3A_334 : f32 to vector<16xf32>
      %slice3A_336 = vector.extract_strided_slice %get3A_104 {offsets = [11], sizes = [1], strides = [1]} : vector<16xf32> to vector<1xf32>
      %squeeze3A_337 = vector.extract %slice3A_336[0] : f32 from vector<1xf32>
      %broadcast_in_dim3A_338 = vector.broadcast %squeeze3A_337 : f32 to vector<16xf32>
      %slice3A_339 = vector.extract_strided_slice %get3A_94 {offsets = [12], sizes = [1], strides = [1]} : vector<16xf32> to vector<1xf32>
      %squeeze3A_340 = vector.extract %slice3A_339[0] : f32 from vector<1xf32>
      %broadcast_in_dim3A_341 = vector.broadcast %squeeze3A_340 : f32 to vector<16xf32>
      %slice3A_342 = vector.extract_strided_slice %get3A_98 {offsets = [12], sizes = [1], strides = [1]} : vector<16xf32> to vector<1xf32>
      %squeeze3A_343 = vector.extract %slice3A_342[0] : f32 from vector<1xf32>
      %broadcast_in_dim3A_344 = vector.broadcast %squeeze3A_343 : f32 to vector<16xf32>
      %slice3A_345 = vector.extract_strided_slice %get3A_102 {offsets = [12], sizes = [1], strides = [1]} : vector<16xf32> to vector<1xf32>
      %squeeze3A_346 = vector.extract %slice3A_345[0] : f32 from vector<1xf32>
      %broadcast_in_dim3A_347 = vector.broadcast %squeeze3A_346 : f32 to vector<16xf32>
      %slice3A_348 = vector.extract_strided_slice %get3A_104 {offsets = [12], sizes = [1], strides = [1]} : vector<16xf32> to vector<1xf32>
      %squeeze3A_349 = vector.extract %slice3A_348[0] : f32 from vector<1xf32>
      %broadcast_in_dim3A_350 = vector.broadcast %squeeze3A_349 : f32 to vector<16xf32>
      %slice3A_351 = vector.extract_strided_slice %get3A_94 {offsets = [13], sizes = [1], strides = [1]} : vector<16xf32> to vector<1xf32>
      %squeeze3A_352 = vector.extract %slice3A_351[0] : f32 from vector<1xf32>
      %broadcast_in_dim3A_353 = vector.broadcast %squeeze3A_352 : f32 to vector<16xf32>
      %slice3A_354 = vector.extract_strided_slice %get3A_98 {offsets = [13], sizes = [1], strides = [1]} : vector<16xf32> to vector<1xf32>
      %squeeze3A_355 = vector.extract %slice3A_354[0] : f32 from vector<1xf32>
      %broadcast_in_dim3A_356 = vector.broadcast %squeeze3A_355 : f32 to vector<16xf32>
      %slice3A_357 = vector.extract_strided_slice %get3A_102 {offsets = [13], sizes = [1], strides = [1]} : vector<16xf32> to vector<1xf32>
      %squeeze3A_358 = vector.extract %slice3A_357[0] : f32 from vector<1xf32>
      %broadcast_in_dim3A_359 = vector.broadcast %squeeze3A_358 : f32 to vector<16xf32>
      %slice3A_360 = vector.extract_strided_slice %get3A_104 {offsets = [13], sizes = [1], strides = [1]} : vector<16xf32> to vector<1xf32>
      %squeeze3A_361 = vector.extract %slice3A_360[0] : f32 from vector<1xf32>
      %broadcast_in_dim3A_362 = vector.broadcast %squeeze3A_361 : f32 to vector<16xf32>
      %slice3A_363 = vector.extract_strided_slice %get3A_94 {offsets = [14], sizes = [1], strides = [1]} : vector<16xf32> to vector<1xf32>
      %squeeze3A_364 = vector.extract %slice3A_363[0] : f32 from vector<1xf32>
      %broadcast_in_dim3A_365 = vector.broadcast %squeeze3A_364 : f32 to vector<16xf32>
      %slice3A_366 = vector.extract_strided_slice %get3A_98 {offsets = [14], sizes = [1], strides = [1]} : vector<16xf32> to vector<1xf32>
      %squeeze3A_367 = vector.extract %slice3A_366[0] : f32 from vector<1xf32>
      %broadcast_in_dim3A_368 = vector.broadcast %squeeze3A_367 : f32 to vector<16xf32>
      %slice3A_369 = vector.extract_strided_slice %get3A_102 {offsets = [14], sizes = [1], strides = [1]} : vector<16xf32> to vector<1xf32>
      %squeeze3A_370 = vector.extract %slice3A_369[0] : f32 from vector<1xf32>
      %broadcast_in_dim3A_371 = vector.broadcast %squeeze3A_370 : f32 to vector<16xf32>
      %slice3A_372 = vector.extract_strided_slice %get3A_104 {offsets = [14], sizes = [1], strides = [1]} : vector<16xf32> to vector<1xf32>
      %squeeze3A_373 = vector.extract %slice3A_372[0] : f32 from vector<1xf32>
      %broadcast_in_dim3A_374 = vector.broadcast %squeeze3A_373 : f32 to vector<16xf32>
      %slice3A_375 = vector.extract_strided_slice %get3A_94 {offsets = [15], sizes = [1], strides = [1]} : vector<16xf32> to vector<1xf32>
      %squeeze3A_376 = vector.extract %slice3A_375[0] : f32 from vector<1xf32>
      %broadcast_in_dim3A_377 = vector.broadcast %squeeze3A_376 : f32 to vector<16xf32>
      %slice3A_378 = vector.extract_strided_slice %get3A_98 {offsets = [15], sizes = [1], strides = [1]} : vector<16xf32> to vector<1xf32>
      %squeeze3A_379 = vector.extract %slice3A_378[0] : f32 from vector<1xf32>
      %broadcast_in_dim3A_380 = vector.broadcast %squeeze3A_379 : f32 to vector<16xf32>
      %slice3A_381 = vector.extract_strided_slice %get3A_102 {offsets = [15], sizes = [1], strides = [1]} : vector<16xf32> to vector<1xf32>
      %squeeze3A_382 = vector.extract %slice3A_381[0] : f32 from vector<1xf32>
      %broadcast_in_dim3A_383 = vector.broadcast %squeeze3A_382 : f32 to vector<16xf32>
      %slice3A_384 = vector.extract_strided_slice %get3A_104 {offsets = [15], sizes = [1], strides = [1]} : vector<16xf32> to vector<1xf32>
      %squeeze3A_385 = vector.extract %slice3A_384[0] : f32 from vector<1xf32>
      %broadcast_in_dim3A_386 = vector.broadcast %squeeze3A_385 : f32 to vector<16xf32>
      %broadcast_in_dim3A_387 = arith.constant 3.000000e+38 : f32
      %broadcast_in_dim3A_388 = vector.broadcast %broadcast_in_dim3A_387 : f32 to vector<16xf32>
      %broadcast_in_dim3A_389 = arith.constant 3.000000e+38 : f32
      %broadcast_in_dim3A_390 = vector.broadcast %broadcast_in_dim3A_389 : f32 to vector<16xf32>
      %broadcast_in_dim3A_391 = arith.constant 3.000000e+38 : f32
      %broadcast_in_dim3A_392 = vector.broadcast %broadcast_in_dim3A_391 : f32 to vector<16xf32>
      %broadcast_in_dim3A_393 = arith.constant 3.000000e+38 : f32
      %broadcast_in_dim3A_394 = vector.broadcast %broadcast_in_dim3A_393 : f32 to vector<16xf32>
      %broadcast_in_dim3A_395 = arith.constant 3.000000e+38 : f32
      %broadcast_in_dim3A_396 = vector.broadcast %broadcast_in_dim3A_395 : f32 to vector<16xf32>
      %broadcast_in_dim3A_397 = arith.constant 3.000000e+38 : f32
      %broadcast_in_dim3A_398 = vector.broadcast %broadcast_in_dim3A_397 : f32 to vector<16xf32>
      %broadcast_in_dim3A_399 = arith.constant 3.000000e+38 : f32
      %broadcast_in_dim3A_400 = vector.broadcast %broadcast_in_dim3A_399 : f32 to vector<16xf32>
      %broadcast_in_dim3A_401 = arith.constant 3.000000e+38 : f32
      %broadcast_in_dim3A_402 = vector.broadcast %broadcast_in_dim3A_401 : f32 to vector<16xf32>
      %scan3A_403 = arith.constant 0 : i32
      %scan3A_404 = arith.constant 256 : i32
      %scan3A_405 = arith.addi %scan3A_403, %scan3A_404 : i32
      %scan3A_406 = arith.constant 1 : i32
      %scan3A_407:8 = scf.for %scan3A_481 = %scan3A_403 to %scan3A_405 step %scan3A_406 iter_args(%scan3A_482 = %broadcast_in_dim3A_388, %scan3A_483 = %broadcast_in_dim3A_390, %scan3A_484 = %broadcast_in_dim3A_392, %scan3A_485 = %broadcast_in_dim3A_394, %scan3A_486 = %broadcast_in_dim3A_396, %scan3A_487 = %broadcast_in_dim3A_398, %scan3A_488 = %broadcast_in_dim3A_400, %scan3A_489 = %broadcast_in_dim3A_402) -> (vector<16xf32>, vector<16xf32>, vector<16xf32>, vector<16xf32>, vector<16xf32>, vector<16xf32>, vector<16xf32>, vector<16xf32>)  : i32 {
        %mul3A_490 = arith.constant 16 : i32
        %mul3A_491 = arith.muli %scan3A_481, %mul3A_490 : i32
        %get3A_492 = arith.index_cast %mul3A_491 : i32 to index
        %get3A_493 = tpu.vector_load %arg8[%get3A_492] {strides = array<i32>} : memref<12288xf32, #tpu.memory_space<vmem>>, vector<16xf32>,
        %add3A_494 = arith.constant 4096 : i32
        %add3A_495 = arith.addi %add3A_494, %mul3A_491 : i32
        %get3A_496 = arith.index_cast %add3A_495 : i32 to index
        %get3A_497 = tpu.vector_load %arg8[%get3A_496] {strides = array<i32>} : memref<12288xf32, #tpu.memory_space<vmem>>, vector<16xf32>,
        %add3A_498 = arith.constant 8192 : i32
        %add3A_499 = arith.addi %add3A_498, %mul3A_491 : i32
        %get3A_500 = arith.index_cast %add3A_499 : i32 to index
        %get3A_501 = tpu.vector_load %arg8[%get3A_500] {strides = array<i32>} : memref<12288xf32, #tpu.memory_space<vmem>>, vector<16xf32>,
        %get3A_502 = arith.index_cast %mul3A_491 : i32 to index
        %get3A_503 = tpu.vector_load %arg9[%get3A_502] {strides = array<i32>} : memref<4096xf32, #tpu.memory_space<vmem>>, vector<16xf32>,
        %get3A_504 = arith.index_cast %mul3A_491 : i32 to index
        %get3A_505 = tpu.vector_load %arg11[%get3A_504] {strides = array<i32>} : memref<4096xf32, #tpu.memory_space<vmem>>, vector<16xf32>,
        %mul3A_506 = arith.mulf %broadcast_in_dim3A_293, %get3A_493 : vector<16xf32>
        %mul3A_507 = arith.mulf %broadcast_in_dim3A_296, %get3A_497 : vector<16xf32>
        %add3A_508 = arith.addf %mul3A_506, %mul3A_507 : vector<16xf32>
        %mul3A_509 = arith.mulf %broadcast_in_dim3A_299, %get3A_501 : vector<16xf32>
        %add3A_510 = arith.addf %add3A_508, %mul3A_509 : vector<16xf32>
        %add3A_511 = arith.addf %get3A_503, %broadcast_in_dim3A_302 : vector<16xf32>
        %sub3A = arith.subf %add3A_511, %add3A_510 : vector<16xf32>
        %min3A = arith.minimumf %scan3A_482, %sub3A : vector<16xf32>
        %mul3A_512 = arith.mulf %broadcast_in_dim3A_305, %get3A_493 : vector<16xf32>
        %mul3A_513 = arith.mulf %broadcast_in_dim3A_308, %get3A_497 : vector<16xf32>
        %add3A_514 = arith.addf %mul3A_512, %mul3A_513 : vector<16xf32>
        %mul3A_515 = arith.mulf %broadcast_in_dim3A_311, %get3A_501 : vector<16xf32>
        %add3A_516 = arith.addf %add3A_514, %mul3A_515 : vector<16xf32>
        %add3A_517 = arith.addf %get3A_503, %broadcast_in_dim3A_314 : vector<16xf32>
        %sub3A_518 = arith.subf %add3A_517, %add3A_516 : vector<16xf32>
        %min3A_519 = arith.minimumf %scan3A_483, %sub3A_518 : vector<16xf32>
        %mul3A_520 = arith.mulf %broadcast_in_dim3A_317, %get3A_493 : vector<16xf32>
        %mul3A_521 = arith.mulf %broadcast_in_dim3A_320, %get3A_497 : vector<16xf32>
        %add3A_522 = arith.addf %mul3A_520, %mul3A_521 : vector<16xf32>
        %mul3A_523 = arith.mulf %broadcast_in_dim3A_323, %get3A_501 : vector<16xf32>
        %add3A_524 = arith.addf %add3A_522, %mul3A_523 : vector<16xf32>
        %add3A_525 = arith.addf %get3A_503, %broadcast_in_dim3A_326 : vector<16xf32>
        %sub3A_526 = arith.subf %add3A_525, %add3A_524 : vector<16xf32>
        %min3A_527 = arith.minimumf %scan3A_484, %sub3A_526 : vector<16xf32>
        %mul3A_528 = arith.mulf %broadcast_in_dim3A_329, %get3A_493 : vector<16xf32>
        %mul3A_529 = arith.mulf %broadcast_in_dim3A_332, %get3A_497 : vector<16xf32>
        %add3A_530 = arith.addf %mul3A_528, %mul3A_529 : vector<16xf32>
        %mul3A_531 = arith.mulf %broadcast_in_dim3A_335, %get3A_501 : vector<16xf32>
        %add3A_532 = arith.addf %add3A_530, %mul3A_531 : vector<16xf32>
        %add3A_533 = arith.addf %get3A_503, %broadcast_in_dim3A_338 : vector<16xf32>
        %sub3A_534 = arith.subf %add3A_533, %add3A_532 : vector<16xf32>
        %min3A_535 = arith.minimumf %scan3A_485, %sub3A_534 : vector<16xf32>
        %mul3A_536 = arith.mulf %broadcast_in_dim3A_341, %get3A_493 : vector<16xf32>
        %mul3A_537 = arith.mulf %broadcast_in_dim3A_344, %get3A_497 : vector<16xf32>
        %add3A_538 = arith.addf %mul3A_536, %mul3A_537 : vector<16xf32>
        %mul3A_539 = arith.mulf %broadcast_in_dim3A_347, %get3A_501 : vector<16xf32>
        %add3A_540 = arith.addf %add3A_538, %mul3A_539 : vector<16xf32>
        %add3A_541 = arith.addf %get3A_503, %broadcast_in_dim3A_350 : vector<16xf32>
        %sub3A_542 = arith.subf %add3A_541, %add3A_540 : vector<16xf32>
        %min3A_543 = arith.minimumf %scan3A_486, %sub3A_542 : vector<16xf32>
        %mul3A_544 = arith.mulf %broadcast_in_dim3A_353, %get3A_493 : vector<16xf32>
        %mul3A_545 = arith.mulf %broadcast_in_dim3A_356, %get3A_497 : vector<16xf32>
        %add3A_546 = arith.addf %mul3A_544, %mul3A_545 : vector<16xf32>
        %mul3A_547 = arith.mulf %broadcast_in_dim3A_359, %get3A_501 : vector<16xf32>
        %add3A_548 = arith.addf %add3A_546, %mul3A_547 : vector<16xf32>
        %add3A_549 = arith.addf %get3A_503, %broadcast_in_dim3A_362 : vector<16xf32>
        %sub3A_550 = arith.subf %add3A_549, %add3A_548 : vector<16xf32>
        %min3A_551 = arith.minimumf %scan3A_487, %sub3A_550 : vector<16xf32>
        %mul3A_552 = arith.mulf %broadcast_in_dim3A_365, %get3A_493 : vector<16xf32>
        %mul3A_553 = arith.mulf %broadcast_in_dim3A_368, %get3A_497 : vector<16xf32>
        %add3A_554 = arith.addf %mul3A_552, %mul3A_553 : vector<16xf32>
        %mul3A_555 = arith.mulf %broadcast_in_dim3A_371, %get3A_501 : vector<16xf32>
        %add3A_556 = arith.addf %add3A_554, %mul3A_555 : vector<16xf32>
        %add3A_557 = arith.addf %get3A_503, %broadcast_in_dim3A_374 : vector<16xf32>
        %sub3A_558 = arith.subf %add3A_557, %add3A_556 : vector<16xf32>
        %min3A_559 = arith.minimumf %scan3A_488, %sub3A_558 : vector<16xf32>
        %mul3A_560 = arith.mulf %broadcast_in_dim3A_377, %get3A_493 : vector<16xf32>
        %mul3A_561 = arith.mulf %broadcast_in_dim3A_380, %get3A_497 : vector<16xf32>
        %add3A_562 = arith.addf %mul3A_560, %mul3A_561 : vector<16xf32>
        %mul3A_563 = arith.mulf %broadcast_in_dim3A_383, %get3A_501 : vector<16xf32>
        %add3A_564 = arith.addf %add3A_562, %mul3A_563 : vector<16xf32>
        %add3A_565 = arith.addf %get3A_503, %broadcast_in_dim3A_386 : vector<16xf32>
        %sub3A_566 = arith.subf %add3A_565, %add3A_564 : vector<16xf32>
        %min3A_567 = arith.minimumf %scan3A_489, %sub3A_566 : vector<16xf32>
        %min3A_568 = arith.minimumf %sub3A, %sub3A_518 : vector<16xf32>
        %min3A_569 = arith.minimumf %sub3A_526, %sub3A_534 : vector<16xf32>
        %min3A_570 = arith.minimumf %sub3A_542, %sub3A_550 : vector<16xf32>
        %min3A_571 = arith.minimumf %sub3A_558, %sub3A_566 : vector<16xf32>
        %min3A_572 = arith.minimumf %min3A_568, %min3A_569 : vector<16xf32>
        %min3A_573 = arith.minimumf %min3A_570, %min3A_571 : vector<16xf32>
        %min3A_574 = arith.minimumf %min3A_572, %min3A_573 : vector<16xf32>
        %min3A_575 = arith.minimumf %get3A_505, %min3A_574 : vector<16xf32>
        %swap3A_576 = arith.index_cast %mul3A_491 : i32 to index
        %swap3A_577 = tpu.vector_load %arg11[%swap3A_576] {strides = array<i32>} : memref<4096xf32, #tpu.memory_space<vmem>>, vector<16xf32>,
        tpu.vector_store %arg11[%swap3A_576], %min3A_575 {strides = array<i32>} : memref<4096xf32, #tpu.memory_space<vmem>>, vector<16xf32>,
        scf.yield %min3A, %min3A_519, %min3A_527, %min3A_535, %min3A_543, %min3A_551, %min3A_559, %min3A_567 : vector<16xf32>, vector<16xf32>, vector<16xf32>, vector<16xf32>, vector<16xf32>, vector<16xf32>, vector<16xf32>, vector<16xf32>
      }
      %scan3A_408 = arith.constant 256 : i32
      %max3A_409 = arith.constant 0.000000e+00 : f32
      %max3A_410 = vector.broadcast %max3A_409 : f32 to vector<16xf32>
      %max3A_411 = arith.maximumf %scan3A_407#0, %max3A_410 : vector<16xf32>
      %reduce_min3A_412 = arith.constant true
      %reduce_min3A_413 = vector.broadcast %reduce_min3A_412 : i1 to vector<16xi1>
      %reduce_min3A_414 = tpu.scan <min>, %max3A_411 masked %reduce_min3A_413 : vector<16xf32>, vector<16xi1> -> vector<16xf32>
      %reduce_min3A_415 = vector.extract %reduce_min3A_414[15] : f32 from vector<16xf32>
      %broadcast_in_dim3A_416 = vector.broadcast %reduce_min3A_415 : f32 to vector<16xf32>
      %add3A_417 = arith.addf %add3A_290, %broadcast_in_dim3A_416 : vector<16xf32>
      %max3A_418 = arith.constant 0.000000e+00 : f32
      %max3A_419 = vector.broadcast %max3A_418 : f32 to vector<16xf32>
      %max3A_420 = arith.maximumf %scan3A_407#1, %max3A_419 : vector<16xf32>
      %reduce_min3A_421 = arith.constant true
      %reduce_min3A_422 = vector.broadcast %reduce_min3A_421 : i1 to vector<16xi1>
      %reduce_min3A_423 = tpu.scan <min>, %max3A_420 masked %reduce_min3A_422 : vector<16xf32>, vector<16xi1> -> vector<16xf32>
      %reduce_min3A_424 = vector.extract %reduce_min3A_423[15] : f32 from vector<16xf32>
      %broadcast_in_dim3A_425 = vector.broadcast %reduce_min3A_424 : f32 to vector<16xf32>
      %add3A_426 = arith.addf %add3A_417, %broadcast_in_dim3A_425 : vector<16xf32>
      %max3A_427 = arith.constant 0.000000e+00 : f32
      %max3A_428 = vector.broadcast %max3A_427 : f32 to vector<16xf32>
      %max3A_429 = arith.maximumf %scan3A_407#2, %max3A_428 : vector<16xf32>
      %reduce_min3A_430 = arith.constant true
      %reduce_min3A_431 = vector.broadcast %reduce_min3A_430 : i1 to vector<16xi1>
      %reduce_min3A_432 = tpu.scan <min>, %max3A_429 masked %reduce_min3A_431 : vector<16xf32>, vector<16xi1> -> vector<16xf32>
      %reduce_min3A_433 = vector.extract %reduce_min3A_432[15] : f32 from vector<16xf32>
      %broadcast_in_dim3A_434 = vector.broadcast %reduce_min3A_433 : f32 to vector<16xf32>
      %add3A_435 = arith.addf %add3A_426, %broadcast_in_dim3A_434 : vector<16xf32>
      %max3A_436 = arith.constant 0.000000e+00 : f32
      %max3A_437 = vector.broadcast %max3A_436 : f32 to vector<16xf32>
      %max3A_438 = arith.maximumf %scan3A_407#3, %max3A_437 : vector<16xf32>
      %reduce_min3A_439 = arith.constant true
      %reduce_min3A_440 = vector.broadcast %reduce_min3A_439 : i1 to vector<16xi1>
      %reduce_min3A_441 = tpu.scan <min>, %max3A_438 masked %reduce_min3A_440 : vector<16xf32>, vector<16xi1> -> vector<16xf32>
      %reduce_min3A_442 = vector.extract %reduce_min3A_441[15] : f32 from vector<16xf32>
      %broadcast_in_dim3A_443 = vector.broadcast %reduce_min3A_442 : f32 to vector<16xf32>
      %add3A_444 = arith.addf %add3A_435, %broadcast_in_dim3A_443 : vector<16xf32>
      %max3A_445 = arith.constant 0.000000e+00 : f32
      %max3A_446 = vector.broadcast %max3A_445 : f32 to vector<16xf32>
      %max3A_447 = arith.maximumf %scan3A_407#4, %max3A_446 : vector<16xf32>
      %reduce_min3A_448 = arith.constant true
      %reduce_min3A_449 = vector.broadcast %reduce_min3A_448 : i1 to vector<16xi1>
      %reduce_min3A_450 = tpu.scan <min>, %max3A_447 masked %reduce_min3A_449 : vector<16xf32>, vector<16xi1> -> vector<16xf32>
      %reduce_min3A_451 = vector.extract %reduce_min3A_450[15] : f32 from vector<16xf32>
      %broadcast_in_dim3A_452 = vector.broadcast %reduce_min3A_451 : f32 to vector<16xf32>
      %add3A_453 = arith.addf %add3A_444, %broadcast_in_dim3A_452 : vector<16xf32>
      %max3A_454 = arith.constant 0.000000e+00 : f32
      %max3A_455 = vector.broadcast %max3A_454 : f32 to vector<16xf32>
      %max3A_456 = arith.maximumf %scan3A_407#5, %max3A_455 : vector<16xf32>
      %reduce_min3A_457 = arith.constant true
      %reduce_min3A_458 = vector.broadcast %reduce_min3A_457 : i1 to vector<16xi1>
      %reduce_min3A_459 = tpu.scan <min>, %max3A_456 masked %reduce_min3A_458 : vector<16xf32>, vector<16xi1> -> vector<16xf32>
      %reduce_min3A_460 = vector.extract %reduce_min3A_459[15] : f32 from vector<16xf32>
      %broadcast_in_dim3A_461 = vector.broadcast %reduce_min3A_460 : f32 to vector<16xf32>
      %add3A_462 = arith.addf %add3A_453, %broadcast_in_dim3A_461 : vector<16xf32>
      %max3A_463 = arith.constant 0.000000e+00 : f32
      %max3A_464 = vector.broadcast %max3A_463 : f32 to vector<16xf32>
      %max3A_465 = arith.maximumf %scan3A_407#6, %max3A_464 : vector<16xf32>
      %reduce_min3A_466 = arith.constant true
      %reduce_min3A_467 = vector.broadcast %reduce_min3A_466 : i1 to vector<16xi1>
      %reduce_min3A_468 = tpu.scan <min>, %max3A_465 masked %reduce_min3A_467 : vector<16xf32>, vector<16xi1> -> vector<16xf32>
      %reduce_min3A_469 = vector.extract %reduce_min3A_468[15] : f32 from vector<16xf32>
      %broadcast_in_dim3A_470 = vector.broadcast %reduce_min3A_469 : f32 to vector<16xf32>
      %add3A_471 = arith.addf %add3A_462, %broadcast_in_dim3A_470 : vector<16xf32>
      %max3A_472 = arith.constant 0.000000e+00 : f32
      %max3A_473 = vector.broadcast %max3A_472 : f32 to vector<16xf32>
      %max3A_474 = arith.maximumf %scan3A_407#7, %max3A_473 : vector<16xf32>
      %reduce_min3A_475 = arith.constant true
      %reduce_min3A_476 = vector.broadcast %reduce_min3A_475 : i1 to vector<16xi1>
      %reduce_min3A_477 = tpu.scan <min>, %max3A_474 masked %reduce_min3A_476 : vector<16xf32>, vector<16xi1> -> vector<16xf32>
      %reduce_min3A_478 = vector.extract %reduce_min3A_477[15] : f32 from vector<16xf32>
      %broadcast_in_dim3A_479 = vector.broadcast %reduce_min3A_478 : f32 to vector<16xf32>
      %add3A_480 = arith.addf %add3A_471, %broadcast_in_dim3A_479 : vector<16xf32>
      scf.yield %add3A_480 : vector<16xf32>
    }
    %scan3A_30 = arith.constant 4 : i32
    %mul3A_31 = arith.constant 4096 : i32
    %mul3A_32 = arith.muli %arg1, %mul3A_31 : i32
    "tpu.region"() ({
      %run_scoped3A = tpu.sem_alloc : memref<!tpu.dma_semaphore, #tpu.memory_space<semaphore_mem>>
      %dma_start3A = tpu.memref_slice %arg15[%mul3A_32] : memref<65536xf32, #tpu.memory_space<vmem_shared>> -> memref<4096xf32, #tpu.memory_space<vmem_shared>>
      %dma_start3A_90 = tpu.memref_slice %arg15[%mul3A_32] : memref<65536xf32, #tpu.memory_space<vmem_shared>> -> memref<4096xf32, #tpu.memory_space<vmem_shared>>
      tpu.enqueue_dma source(%arg11 : memref<4096xf32, #tpu.memory_space<vmem>>) target(%dma_start3A_90 : memref<4096xf32, #tpu.memory_space<vmem_shared>>) target_semaphore(%run_scoped3A : memref<!tpu.dma_semaphore, #tpu.memory_space<semaphore_mem>>)
      %dma_wait3A = tpu.memref_slice %arg15[%mul3A_32] : memref<65536xf32, #tpu.memory_space<vmem_shared>> -> memref<4096xf32, #tpu.memory_space<vmem_shared>>
      %dma_wait3A_91 = tpu.memref_slice %arg15[%mul3A_32] : memref<65536xf32, #tpu.memory_space<vmem_shared>> -> memref<4096xf32, #tpu.memory_space<vmem_shared>>
      tpu.wait_dma2 semaphore(%run_scoped3A : memref<!tpu.dma_semaphore, #tpu.memory_space<semaphore_mem>>) src(%arg11 : memref<4096xf32, #tpu.memory_space<vmem>>) dst(%dma_wait3A_91 : memref<4096xf32, #tpu.memory_space<vmem_shared>>)
      tpu.yield
    }) : () -> ()
    %barrier3A = arith.constant 0 : index
    tpu.barrier barrier_id(%barrier3A)
    %mul3A_33 = arith.constant 256 : i32
    %mul3A_34 = arith.muli %arg1, %mul3A_33 : i32
    %add3A_35 = arith.constant 0 : i32
    %add3A_36 = arith.addi %add3A_35, %mul3A_34 : i32
    "tpu.region"() ({
      %run_scoped3A = tpu.sem_alloc : memref<!tpu.dma_semaphore, #tpu.memory_space<semaphore_mem>>
      %dma_start3A = arith.constant 0 : i32
      %dma_start3A_90 = tpu.memref_slice %arg12[%dma_start3A] : memref<4096xf32, #tpu.memory_space<vmem>> -> memref<256xf32, #tpu.memory_space<vmem>>
      %dma_start3A_91 = tpu.memref_slice %arg15[%add3A_36] : memref<65536xf32, #tpu.memory_space<vmem_shared>> -> memref<256xf32, #tpu.memory_space<vmem_shared>>
      %dma_start3A_92 = arith.constant 0 : i32
      %dma_start3A_93 = tpu.memref_slice %arg12[%dma_start3A_92] : memref<4096xf32, #tpu.memory_space<vmem>> -> memref<256xf32, #tpu.memory_space<vmem>>
      %dma_start3A_94 = tpu.memref_slice %arg15[%add3A_36] : memref<65536xf32, #tpu.memory_space<vmem_shared>> -> memref<256xf32, #tpu.memory_space<vmem_shared>>
      tpu.enqueue_dma source(%dma_start3A_94 : memref<256xf32, #tpu.memory_space<vmem_shared>>) target(%dma_start3A_93 : memref<256xf32, #tpu.memory_space<vmem>>) target_semaphore(%run_scoped3A : memref<!tpu.dma_semaphore, #tpu.memory_space<semaphore_mem>>)
      %dma_wait3A = arith.constant 0 : i32
      %dma_wait3A_95 = tpu.memref_slice %arg12[%dma_wait3A] : memref<4096xf32, #tpu.memory_space<vmem>> -> memref<256xf32, #tpu.memory_space<vmem>>
      %dma_wait3A_96 = tpu.memref_slice %arg15[%add3A_36] : memref<65536xf32, #tpu.memory_space<vmem_shared>> -> memref<256xf32, #tpu.memory_space<vmem_shared>>
      %dma_wait3A_97 = arith.constant 0 : i32
      %dma_wait3A_98 = tpu.memref_slice %arg12[%dma_wait3A_97] : memref<4096xf32, #tpu.memory_space<vmem>> -> memref<256xf32, #tpu.memory_space<vmem>>
      %dma_wait3A_99 = tpu.memref_slice %arg15[%add3A_36] : memref<65536xf32, #tpu.memory_space<vmem_shared>> -> memref<256xf32, #tpu.memory_space<vmem_shared>>
      tpu.wait_dma2 semaphore(%run_scoped3A : memref<!tpu.dma_semaphore, #tpu.memory_space<semaphore_mem>>) src(%dma_wait3A_99 : memref<256xf32, #tpu.memory_space<vmem_shared>>) dst(%dma_wait3A_98 : memref<256xf32, #tpu.memory_space<vmem>>)
      tpu.yield
    }) : () -> ()
    %add3A_37 = arith.constant 4096 : i32
    %add3A_38 = arith.addi %add3A_37, %mul3A_34 : i32
    "tpu.region"() ({
      %run_scoped3A = tpu.sem_alloc : memref<!tpu.dma_semaphore, #tpu.memory_space<semaphore_mem>>
      %dma_start3A = arith.constant 256 : i32
      %dma_start3A_90 = tpu.memref_slice %arg12[%dma_start3A] : memref<4096xf32, #tpu.memory_space<vmem>> -> memref<256xf32, #tpu.memory_space<vmem>>
      %dma_start3A_91 = tpu.memref_slice %arg15[%add3A_38] : memref<65536xf32, #tpu.memory_space<vmem_shared>> -> memref<256xf32, #tpu.memory_space<vmem_shared>>
      %dma_start3A_92 = arith.constant 256 : i32
      %dma_start3A_93 = tpu.memref_slice %arg12[%dma_start3A_92] : memref<4096xf32, #tpu.memory_space<vmem>> -> memref<256xf32, #tpu.memory_space<vmem>>
      %dma_start3A_94 = tpu.memref_slice %arg15[%add3A_38] : memref<65536xf32, #tpu.memory_space<vmem_shared>> -> memref<256xf32, #tpu.memory_space<vmem_shared>>
      tpu.enqueue_dma source(%dma_start3A_94 : memref<256xf32, #tpu.memory_space<vmem_shared>>) target(%dma_start3A_93 : memref<256xf32, #tpu.memory_space<vmem>>) target_semaphore(%run_scoped3A : memref<!tpu.dma_semaphore, #tpu.memory_space<semaphore_mem>>)
      %dma_wait3A = arith.constant 256 : i32
      %dma_wait3A_95 = tpu.memref_slice %arg12[%dma_wait3A] : memref<4096xf32, #tpu.memory_space<vmem>> -> memref<256xf32, #tpu.memory_space<vmem>>
      %dma_wait3A_96 = tpu.memref_slice %arg15[%add3A_38] : memref<65536xf32, #tpu.memory_space<vmem_shared>> -> memref<256xf32, #tpu.memory_space<vmem_shared>>
      %dma_wait3A_97 = arith.constant 256 : i32
      %dma_wait3A_98 = tpu.memref_slice %arg12[%dma_wait3A_97] : memref<4096xf32, #tpu.memory_space<vmem>> -> memref<256xf32, #tpu.memory_space<vmem>>
      %dma_wait3A_99 = tpu.memref_slice %arg15[%add3A_38] : memref<65536xf32, #tpu.memory_space<vmem_shared>> -> memref<256xf32, #tpu.memory_space<vmem_shared>>
      tpu.wait_dma2 semaphore(%run_scoped3A : memref<!tpu.dma_semaphore, #tpu.memory_space<semaphore_mem>>) src(%dma_wait3A_99 : memref<256xf32, #tpu.memory_space<vmem_shared>>) dst(%dma_wait3A_98 : memref<256xf32, #tpu.memory_space<vmem>>)
      tpu.yield
    }) : () -> ()
    %add3A_39 = arith.constant 8192 : i32
    %add3A_40 = arith.addi %add3A_39, %mul3A_34 : i32
    "tpu.region"() ({
      %run_scoped3A = tpu.sem_alloc : memref<!tpu.dma_semaphore, #tpu.memory_space<semaphore_mem>>
      %dma_start3A = arith.constant 512 : i32
      %dma_start3A_90 = tpu.memref_slice %arg12[%dma_start3A] : memref<4096xf32, #tpu.memory_space<vmem>> -> memref<256xf32, #tpu.memory_space<vmem>>
      %dma_start3A_91 = tpu.memref_slice %arg15[%add3A_40] : memref<65536xf32, #tpu.memory_space<vmem_shared>> -> memref<256xf32, #tpu.memory_space<vmem_shared>>
      %dma_start3A_92 = arith.constant 512 : i32
      %dma_start3A_93 = tpu.memref_slice %arg12[%dma_start3A_92] : memref<4096xf32, #tpu.memory_space<vmem>> -> memref<256xf32, #tpu.memory_space<vmem>>
      %dma_start3A_94 = tpu.memref_slice %arg15[%add3A_40] : memref<65536xf32, #tpu.memory_space<vmem_shared>> -> memref<256xf32, #tpu.memory_space<vmem_shared>>
      tpu.enqueue_dma source(%dma_start3A_94 : memref<256xf32, #tpu.memory_space<vmem_shared>>) target(%dma_start3A_93 : memref<256xf32, #tpu.memory_space<vmem>>) target_semaphore(%run_scoped3A : memref<!tpu.dma_semaphore, #tpu.memory_space<semaphore_mem>>)
      %dma_wait3A = arith.constant 512 : i32
      %dma_wait3A_95 = tpu.memref_slice %arg12[%dma_wait3A] : memref<4096xf32, #tpu.memory_space<vmem>> -> memref<256xf32, #tpu.memory_space<vmem>>
      %dma_wait3A_96 = tpu.memref_slice %arg15[%add3A_40] : memref<65536xf32, #tpu.memory_space<vmem_shared>> -> memref<256xf32, #tpu.memory_space<vmem_shared>>
      %dma_wait3A_97 = arith.constant 512 : i32
      %dma_wait3A_98 = tpu.memref_slice %arg12[%dma_wait3A_97] : memref<4096xf32, #tpu.memory_space<vmem>> -> memref<256xf32, #tpu.memory_space<vmem>>
      %dma_wait3A_99 = tpu.memref_slice %arg15[%add3A_40] : memref<65536xf32, #tpu.memory_space<vmem_shared>> -> memref<256xf32, #tpu.memory_space<vmem_shared>>
      tpu.wait_dma2 semaphore(%run_scoped3A : memref<!tpu.dma_semaphore, #tpu.memory_space<semaphore_mem>>) src(%dma_wait3A_99 : memref<256xf32, #tpu.memory_space<vmem_shared>>) dst(%dma_wait3A_98 : memref<256xf32, #tpu.memory_space<vmem>>)
      tpu.yield
    }) : () -> ()
    %add3A_41 = arith.constant 12288 : i32
    %add3A_42 = arith.addi %add3A_41, %mul3A_34 : i32
    "tpu.region"() ({
      %run_scoped3A = tpu.sem_alloc : memref<!tpu.dma_semaphore, #tpu.memory_space<semaphore_mem>>
      %dma_start3A = arith.constant 768 : i32
      %dma_start3A_90 = tpu.memref_slice %arg12[%dma_start3A] : memref<4096xf32, #tpu.memory_space<vmem>> -> memref<256xf32, #tpu.memory_space<vmem>>
      %dma_start3A_91 = tpu.memref_slice %arg15[%add3A_42] : memref<65536xf32, #tpu.memory_space<vmem_shared>> -> memref<256xf32, #tpu.memory_space<vmem_shared>>
      %dma_start3A_92 = arith.constant 768 : i32
      %dma_start3A_93 = tpu.memref_slice %arg12[%dma_start3A_92] : memref<4096xf32, #tpu.memory_space<vmem>> -> memref<256xf32, #tpu.memory_space<vmem>>
      %dma_start3A_94 = tpu.memref_slice %arg15[%add3A_42] : memref<65536xf32, #tpu.memory_space<vmem_shared>> -> memref<256xf32, #tpu.memory_space<vmem_shared>>
      tpu.enqueue_dma source(%dma_start3A_94 : memref<256xf32, #tpu.memory_space<vmem_shared>>) target(%dma_start3A_93 : memref<256xf32, #tpu.memory_space<vmem>>) target_semaphore(%run_scoped3A : memref<!tpu.dma_semaphore, #tpu.memory_space<semaphore_mem>>)
      %dma_wait3A = arith.constant 768 : i32
      %dma_wait3A_95 = tpu.memref_slice %arg12[%dma_wait3A] : memref<4096xf32, #tpu.memory_space<vmem>> -> memref<256xf32, #tpu.memory_space<vmem>>
      %dma_wait3A_96 = tpu.memref_slice %arg15[%add3A_42] : memref<65536xf32, #tpu.memory_space<vmem_shared>> -> memref<256xf32, #tpu.memory_space<vmem_shared>>
      %dma_wait3A_97 = arith.constant 768 : i32
      %dma_wait3A_98 = tpu.memref_slice %arg12[%dma_wait3A_97] : memref<4096xf32, #tpu.memory_space<vmem>> -> memref<256xf32, #tpu.memory_space<vmem>>
      %dma_wait3A_99 = tpu.memref_slice %arg15[%add3A_42] : memref<65536xf32, #tpu.memory_space<vmem_shared>> -> memref<256xf32, #tpu.memory_space<vmem_shared>>
      tpu.wait_dma2 semaphore(%run_scoped3A : memref<!tpu.dma_semaphore, #tpu.memory_space<semaphore_mem>>) src(%dma_wait3A_99 : memref<256xf32, #tpu.memory_space<vmem_shared>>) dst(%dma_wait3A_98 : memref<256xf32, #tpu.memory_space<vmem>>)
      tpu.yield
    }) : () -> ()
    %add3A_43 = arith.constant 16384 : i32
    %add3A_44 = arith.addi %add3A_43, %mul3A_34 : i32
    "tpu.region"() ({
      %run_scoped3A = tpu.sem_alloc : memref<!tpu.dma_semaphore, #tpu.memory_space<semaphore_mem>>
      %dma_start3A = arith.constant 1024 : i32
      %dma_start3A_90 = tpu.memref_slice %arg12[%dma_start3A] : memref<4096xf32, #tpu.memory_space<vmem>> -> memref<256xf32, #tpu.memory_space<vmem>>
      %dma_start3A_91 = tpu.memref_slice %arg15[%add3A_44] : memref<65536xf32, #tpu.memory_space<vmem_shared>> -> memref<256xf32, #tpu.memory_space<vmem_shared>>
      %dma_start3A_92 = arith.constant 1024 : i32
      %dma_start3A_93 = tpu.memref_slice %arg12[%dma_start3A_92] : memref<4096xf32, #tpu.memory_space<vmem>> -> memref<256xf32, #tpu.memory_space<vmem>>
      %dma_start3A_94 = tpu.memref_slice %arg15[%add3A_44] : memref<65536xf32, #tpu.memory_space<vmem_shared>> -> memref<256xf32, #tpu.memory_space<vmem_shared>>
      tpu.enqueue_dma source(%dma_start3A_94 : memref<256xf32, #tpu.memory_space<vmem_shared>>) target(%dma_start3A_93 : memref<256xf32, #tpu.memory_space<vmem>>) target_semaphore(%run_scoped3A : memref<!tpu.dma_semaphore, #tpu.memory_space<semaphore_mem>>)
      %dma_wait3A = arith.constant 1024 : i32
      %dma_wait3A_95 = tpu.memref_slice %arg12[%dma_wait3A] : memref<4096xf32, #tpu.memory_space<vmem>> -> memref<256xf32, #tpu.memory_space<vmem>>
      %dma_wait3A_96 = tpu.memref_slice %arg15[%add3A_44] : memref<65536xf32, #tpu.memory_space<vmem_shared>> -> memref<256xf32, #tpu.memory_space<vmem_shared>>
      %dma_wait3A_97 = arith.constant 1024 : i32
      %dma_wait3A_98 = tpu.memref_slice %arg12[%dma_wait3A_97] : memref<4096xf32, #tpu.memory_space<vmem>> -> memref<256xf32, #tpu.memory_space<vmem>>
      %dma_wait3A_99 = tpu.memref_slice %arg15[%add3A_44] : memref<65536xf32, #tpu.memory_space<vmem_shared>> -> memref<256xf32, #tpu.memory_space<vmem_shared>>
      tpu.wait_dma2 semaphore(%run_scoped3A : memref<!tpu.dma_semaphore, #tpu.memory_space<semaphore_mem>>) src(%dma_wait3A_99 : memref<256xf32, #tpu.memory_space<vmem_shared>>) dst(%dma_wait3A_98 : memref<256xf32, #tpu.memory_space<vmem>>)
      tpu.yield
    }) : () -> ()
    %add3A_45 = arith.constant 20480 : i32
    %add3A_46 = arith.addi %add3A_45, %mul3A_34 : i32
    "tpu.region"() ({
      %run_scoped3A = tpu.sem_alloc : memref<!tpu.dma_semaphore, #tpu.memory_space<semaphore_mem>>
      %dma_start3A = arith.constant 1280 : i32
      %dma_start3A_90 = tpu.memref_slice %arg12[%dma_start3A] : memref<4096xf32, #tpu.memory_space<vmem>> -> memref<256xf32, #tpu.memory_space<vmem>>
      %dma_start3A_91 = tpu.memref_slice %arg15[%add3A_46] : memref<65536xf32, #tpu.memory_space<vmem_shared>> -> memref<256xf32, #tpu.memory_space<vmem_shared>>
      %dma_start3A_92 = arith.constant 1280 : i32
      %dma_start3A_93 = tpu.memref_slice %arg12[%dma_start3A_92] : memref<4096xf32, #tpu.memory_space<vmem>> -> memref<256xf32, #tpu.memory_space<vmem>>
      %dma_start3A_94 = tpu.memref_slice %arg15[%add3A_46] : memref<65536xf32, #tpu.memory_space<vmem_shared>> -> memref<256xf32, #tpu.memory_space<vmem_shared>>
      tpu.enqueue_dma source(%dma_start3A_94 : memref<256xf32, #tpu.memory_space<vmem_shared>>) target(%dma_start3A_93 : memref<256xf32, #tpu.memory_space<vmem>>) target_semaphore(%run_scoped3A : memref<!tpu.dma_semaphore, #tpu.memory_space<semaphore_mem>>)
      %dma_wait3A = arith.constant 1280 : i32
      %dma_wait3A_95 = tpu.memref_slice %arg12[%dma_wait3A] : memref<4096xf32, #tpu.memory_space<vmem>> -> memref<256xf32, #tpu.memory_space<vmem>>
      %dma_wait3A_96 = tpu.memref_slice %arg15[%add3A_46] : memref<65536xf32, #tpu.memory_space<vmem_shared>> -> memref<256xf32, #tpu.memory_space<vmem_shared>>
      %dma_wait3A_97 = arith.constant 1280 : i32
      %dma_wait3A_98 = tpu.memref_slice %arg12[%dma_wait3A_97] : memref<4096xf32, #tpu.memory_space<vmem>> -> memref<256xf32, #tpu.memory_space<vmem>>
      %dma_wait3A_99 = tpu.memref_slice %arg15[%add3A_46] : memref<65536xf32, #tpu.memory_space<vmem_shared>> -> memref<256xf32, #tpu.memory_space<vmem_shared>>
      tpu.wait_dma2 semaphore(%run_scoped3A : memref<!tpu.dma_semaphore, #tpu.memory_space<semaphore_mem>>) src(%dma_wait3A_99 : memref<256xf32, #tpu.memory_space<vmem_shared>>) dst(%dma_wait3A_98 : memref<256xf32, #tpu.memory_space<vmem>>)
      tpu.yield
    }) : () -> ()
    %add3A_47 = arith.constant 24576 : i32
    %add3A_48 = arith.addi %add3A_47, %mul3A_34 : i32
    "tpu.region"() ({
      %run_scoped3A = tpu.sem_alloc : memref<!tpu.dma_semaphore, #tpu.memory_space<semaphore_mem>>
      %dma_start3A = arith.constant 1536 : i32
      %dma_start3A_90 = tpu.memref_slice %arg12[%dma_start3A] : memref<4096xf32, #tpu.memory_space<vmem>> -> memref<256xf32, #tpu.memory_space<vmem>>
      %dma_start3A_91 = tpu.memref_slice %arg15[%add3A_48] : memref<65536xf32, #tpu.memory_space<vmem_shared>> -> memref<256xf32, #tpu.memory_space<vmem_shared>>
      %dma_start3A_92 = arith.constant 1536 : i32
      %dma_start3A_93 = tpu.memref_slice %arg12[%dma_start3A_92] : memref<4096xf32, #tpu.memory_space<vmem>> -> memref<256xf32, #tpu.memory_space<vmem>>
      %dma_start3A_94 = tpu.memref_slice %arg15[%add3A_48] : memref<65536xf32, #tpu.memory_space<vmem_shared>> -> memref<256xf32, #tpu.memory_space<vmem_shared>>
      tpu.enqueue_dma source(%dma_start3A_94 : memref<256xf32, #tpu.memory_space<vmem_shared>>) target(%dma_start3A_93 : memref<256xf32, #tpu.memory_space<vmem>>) target_semaphore(%run_scoped3A : memref<!tpu.dma_semaphore, #tpu.memory_space<semaphore_mem>>)
      %dma_wait3A = arith.constant 1536 : i32
      %dma_wait3A_95 = tpu.memref_slice %arg12[%dma_wait3A] : memref<4096xf32, #tpu.memory_space<vmem>> -> memref<256xf32, #tpu.memory_space<vmem>>
      %dma_wait3A_96 = tpu.memref_slice %arg15[%add3A_48] : memref<65536xf32, #tpu.memory_space<vmem_shared>> -> memref<256xf32, #tpu.memory_space<vmem_shared>>
      %dma_wait3A_97 = arith.constant 1536 : i32
      %dma_wait3A_98 = tpu.memref_slice %arg12[%dma_wait3A_97] : memref<4096xf32, #tpu.memory_space<vmem>> -> memref<256xf32, #tpu.memory_space<vmem>>
      %dma_wait3A_99 = tpu.memref_slice %arg15[%add3A_48] : memref<65536xf32, #tpu.memory_space<vmem_shared>> -> memref<256xf32, #tpu.memory_space<vmem_shared>>
      tpu.wait_dma2 semaphore(%run_scoped3A : memref<!tpu.dma_semaphore, #tpu.memory_space<semaphore_mem>>) src(%dma_wait3A_99 : memref<256xf32, #tpu.memory_space<vmem_shared>>) dst(%dma_wait3A_98 : memref<256xf32, #tpu.memory_space<vmem>>)
      tpu.yield
    }) : () -> ()
    %add3A_49 = arith.constant 28672 : i32
    %add3A_50 = arith.addi %add3A_49, %mul3A_34 : i32
    "tpu.region"() ({
      %run_scoped3A = tpu.sem_alloc : memref<!tpu.dma_semaphore, #tpu.memory_space<semaphore_mem>>
      %dma_start3A = arith.constant 1792 : i32
      %dma_start3A_90 = tpu.memref_slice %arg12[%dma_start3A] : memref<4096xf32, #tpu.memory_space<vmem>> -> memref<256xf32, #tpu.memory_space<vmem>>
      %dma_start3A_91 = tpu.memref_slice %arg15[%add3A_50] : memref<65536xf32, #tpu.memory_space<vmem_shared>> -> memref<256xf32, #tpu.memory_space<vmem_shared>>
      %dma_start3A_92 = arith.constant 1792 : i32
      %dma_start3A_93 = tpu.memref_slice %arg12[%dma_start3A_92] : memref<4096xf32, #tpu.memory_space<vmem>> -> memref<256xf32, #tpu.memory_space<vmem>>
      %dma_start3A_94 = tpu.memref_slice %arg15[%add3A_50] : memref<65536xf32, #tpu.memory_space<vmem_shared>> -> memref<256xf32, #tpu.memory_space<vmem_shared>>
      tpu.enqueue_dma source(%dma_start3A_94 : memref<256xf32, #tpu.memory_space<vmem_shared>>) target(%dma_start3A_93 : memref<256xf32, #tpu.memory_space<vmem>>) target_semaphore(%run_scoped3A : memref<!tpu.dma_semaphore, #tpu.memory_space<semaphore_mem>>)
      %dma_wait3A = arith.constant 1792 : i32
      %dma_wait3A_95 = tpu.memref_slice %arg12[%dma_wait3A] : memref<4096xf32, #tpu.memory_space<vmem>> -> memref<256xf32, #tpu.memory_space<vmem>>
      %dma_wait3A_96 = tpu.memref_slice %arg15[%add3A_50] : memref<65536xf32, #tpu.memory_space<vmem_shared>> -> memref<256xf32, #tpu.memory_space<vmem_shared>>
      %dma_wait3A_97 = arith.constant 1792 : i32
      %dma_wait3A_98 = tpu.memref_slice %arg12[%dma_wait3A_97] : memref<4096xf32, #tpu.memory_space<vmem>> -> memref<256xf32, #tpu.memory_space<vmem>>
      %dma_wait3A_99 = tpu.memref_slice %arg15[%add3A_50] : memref<65536xf32, #tpu.memory_space<vmem_shared>> -> memref<256xf32, #tpu.memory_space<vmem_shared>>
      tpu.wait_dma2 semaphore(%run_scoped3A : memref<!tpu.dma_semaphore, #tpu.memory_space<semaphore_mem>>) src(%dma_wait3A_99 : memref<256xf32, #tpu.memory_space<vmem_shared>>) dst(%dma_wait3A_98 : memref<256xf32, #tpu.memory_space<vmem>>)
      tpu.yield
    }) : () -> ()
    %add3A_51 = arith.constant 32768 : i32
    %add3A_52 = arith.addi %add3A_51, %mul3A_34 : i32
    "tpu.region"() ({
      %run_scoped3A = tpu.sem_alloc : memref<!tpu.dma_semaphore, #tpu.memory_space<semaphore_mem>>
      %dma_start3A = arith.constant 2048 : i32
      %dma_start3A_90 = tpu.memref_slice %arg12[%dma_start3A] : memref<4096xf32, #tpu.memory_space<vmem>> -> memref<256xf32, #tpu.memory_space<vmem>>
      %dma_start3A_91 = tpu.memref_slice %arg15[%add3A_52] : memref<65536xf32, #tpu.memory_space<vmem_shared>> -> memref<256xf32, #tpu.memory_space<vmem_shared>>
      %dma_start3A_92 = arith.constant 2048 : i32
      %dma_start3A_93 = tpu.memref_slice %arg12[%dma_start3A_92] : memref<4096xf32, #tpu.memory_space<vmem>> -> memref<256xf32, #tpu.memory_space<vmem>>
      %dma_start3A_94 = tpu.memref_slice %arg15[%add3A_52] : memref<65536xf32, #tpu.memory_space<vmem_shared>> -> memref<256xf32, #tpu.memory_space<vmem_shared>>
      tpu.enqueue_dma source(%dma_start3A_94 : memref<256xf32, #tpu.memory_space<vmem_shared>>) target(%dma_start3A_93 : memref<256xf32, #tpu.memory_space<vmem>>) target_semaphore(%run_scoped3A : memref<!tpu.dma_semaphore, #tpu.memory_space<semaphore_mem>>)
      %dma_wait3A = arith.constant 2048 : i32
      %dma_wait3A_95 = tpu.memref_slice %arg12[%dma_wait3A] : memref<4096xf32, #tpu.memory_space<vmem>> -> memref<256xf32, #tpu.memory_space<vmem>>
      %dma_wait3A_96 = tpu.memref_slice %arg15[%add3A_52] : memref<65536xf32, #tpu.memory_space<vmem_shared>> -> memref<256xf32, #tpu.memory_space<vmem_shared>>
      %dma_wait3A_97 = arith.constant 2048 : i32
      %dma_wait3A_98 = tpu.memref_slice %arg12[%dma_wait3A_97] : memref<4096xf32, #tpu.memory_space<vmem>> -> memref<256xf32, #tpu.memory_space<vmem>>
      %dma_wait3A_99 = tpu.memref_slice %arg15[%add3A_52] : memref<65536xf32, #tpu.memory_space<vmem_shared>> -> memref<256xf32, #tpu.memory_space<vmem_shared>>
      tpu.wait_dma2 semaphore(%run_scoped3A : memref<!tpu.dma_semaphore, #tpu.memory_space<semaphore_mem>>) src(%dma_wait3A_99 : memref<256xf32, #tpu.memory_space<vmem_shared>>) dst(%dma_wait3A_98 : memref<256xf32, #tpu.memory_space<vmem>>)
      tpu.yield
    }) : () -> ()
    %add3A_53 = arith.constant 36864 : i32
    %add3A_54 = arith.addi %add3A_53, %mul3A_34 : i32
    "tpu.region"() ({
      %run_scoped3A = tpu.sem_alloc : memref<!tpu.dma_semaphore, #tpu.memory_space<semaphore_mem>>
      %dma_start3A = arith.constant 2304 : i32
      %dma_start3A_90 = tpu.memref_slice %arg12[%dma_start3A] : memref<4096xf32, #tpu.memory_space<vmem>> -> memref<256xf32, #tpu.memory_space<vmem>>
      %dma_start3A_91 = tpu.memref_slice %arg15[%add3A_54] : memref<65536xf32, #tpu.memory_space<vmem_shared>> -> memref<256xf32, #tpu.memory_space<vmem_shared>>
      %dma_start3A_92 = arith.constant 2304 : i32
      %dma_start3A_93 = tpu.memref_slice %arg12[%dma_start3A_92] : memref<4096xf32, #tpu.memory_space<vmem>> -> memref<256xf32, #tpu.memory_space<vmem>>
      %dma_start3A_94 = tpu.memref_slice %arg15[%add3A_54] : memref<65536xf32, #tpu.memory_space<vmem_shared>> -> memref<256xf32, #tpu.memory_space<vmem_shared>>
      tpu.enqueue_dma source(%dma_start3A_94 : memref<256xf32, #tpu.memory_space<vmem_shared>>) target(%dma_start3A_93 : memref<256xf32, #tpu.memory_space<vmem>>) target_semaphore(%run_scoped3A : memref<!tpu.dma_semaphore, #tpu.memory_space<semaphore_mem>>)
      %dma_wait3A = arith.constant 2304 : i32
      %dma_wait3A_95 = tpu.memref_slice %arg12[%dma_wait3A] : memref<4096xf32, #tpu.memory_space<vmem>> -> memref<256xf32, #tpu.memory_space<vmem>>
      %dma_wait3A_96 = tpu.memref_slice %arg15[%add3A_54] : memref<65536xf32, #tpu.memory_space<vmem_shared>> -> memref<256xf32, #tpu.memory_space<vmem_shared>>
      %dma_wait3A_97 = arith.constant 2304 : i32
      %dma_wait3A_98 = tpu.memref_slice %arg12[%dma_wait3A_97] : memref<4096xf32, #tpu.memory_space<vmem>> -> memref<256xf32, #tpu.memory_space<vmem>>
      %dma_wait3A_99 = tpu.memref_slice %arg15[%add3A_54] : memref<65536xf32, #tpu.memory_space<vmem_shared>> -> memref<256xf32, #tpu.memory_space<vmem_shared>>
      tpu.wait_dma2 semaphore(%run_scoped3A : memref<!tpu.dma_semaphore, #tpu.memory_space<semaphore_mem>>) src(%dma_wait3A_99 : memref<256xf32, #tpu.memory_space<vmem_shared>>) dst(%dma_wait3A_98 : memref<256xf32, #tpu.memory_space<vmem>>)
      tpu.yield
    }) : () -> ()
    %add3A_55 = arith.constant 40960 : i32
    %add3A_56 = arith.addi %add3A_55, %mul3A_34 : i32
    "tpu.region"() ({
      %run_scoped3A = tpu.sem_alloc : memref<!tpu.dma_semaphore, #tpu.memory_space<semaphore_mem>>
      %dma_start3A = arith.constant 2560 : i32
      %dma_start3A_90 = tpu.memref_slice %arg12[%dma_start3A] : memref<4096xf32, #tpu.memory_space<vmem>> -> memref<256xf32, #tpu.memory_space<vmem>>
      %dma_start3A_91 = tpu.memref_slice %arg15[%add3A_56] : memref<65536xf32, #tpu.memory_space<vmem_shared>> -> memref<256xf32, #tpu.memory_space<vmem_shared>>
      %dma_start3A_92 = arith.constant 2560 : i32
      %dma_start3A_93 = tpu.memref_slice %arg12[%dma_start3A_92] : memref<4096xf32, #tpu.memory_space<vmem>> -> memref<256xf32, #tpu.memory_space<vmem>>
      %dma_start3A_94 = tpu.memref_slice %arg15[%add3A_56] : memref<65536xf32, #tpu.memory_space<vmem_shared>> -> memref<256xf32, #tpu.memory_space<vmem_shared>>
      tpu.enqueue_dma source(%dma_start3A_94 : memref<256xf32, #tpu.memory_space<vmem_shared>>) target(%dma_start3A_93 : memref<256xf32, #tpu.memory_space<vmem>>) target_semaphore(%run_scoped3A : memref<!tpu.dma_semaphore, #tpu.memory_space<semaphore_mem>>)
      %dma_wait3A = arith.constant 2560 : i32
      %dma_wait3A_95 = tpu.memref_slice %arg12[%dma_wait3A] : memref<4096xf32, #tpu.memory_space<vmem>> -> memref<256xf32, #tpu.memory_space<vmem>>
      %dma_wait3A_96 = tpu.memref_slice %arg15[%add3A_56] : memref<65536xf32, #tpu.memory_space<vmem_shared>> -> memref<256xf32, #tpu.memory_space<vmem_shared>>
      %dma_wait3A_97 = arith.constant 2560 : i32
      %dma_wait3A_98 = tpu.memref_slice %arg12[%dma_wait3A_97] : memref<4096xf32, #tpu.memory_space<vmem>> -> memref<256xf32, #tpu.memory_space<vmem>>
      %dma_wait3A_99 = tpu.memref_slice %arg15[%add3A_56] : memref<65536xf32, #tpu.memory_space<vmem_shared>> -> memref<256xf32, #tpu.memory_space<vmem_shared>>
      tpu.wait_dma2 semaphore(%run_scoped3A : memref<!tpu.dma_semaphore, #tpu.memory_space<semaphore_mem>>) src(%dma_wait3A_99 : memref<256xf32, #tpu.memory_space<vmem_shared>>) dst(%dma_wait3A_98 : memref<256xf32, #tpu.memory_space<vmem>>)
      tpu.yield
    }) : () -> ()
    %add3A_57 = arith.constant 45056 : i32
    %add3A_58 = arith.addi %add3A_57, %mul3A_34 : i32
    "tpu.region"() ({
      %run_scoped3A = tpu.sem_alloc : memref<!tpu.dma_semaphore, #tpu.memory_space<semaphore_mem>>
      %dma_start3A = arith.constant 2816 : i32
      %dma_start3A_90 = tpu.memref_slice %arg12[%dma_start3A] : memref<4096xf32, #tpu.memory_space<vmem>> -> memref<256xf32, #tpu.memory_space<vmem>>
      %dma_start3A_91 = tpu.memref_slice %arg15[%add3A_58] : memref<65536xf32, #tpu.memory_space<vmem_shared>> -> memref<256xf32, #tpu.memory_space<vmem_shared>>
      %dma_start3A_92 = arith.constant 2816 : i32
      %dma_start3A_93 = tpu.memref_slice %arg12[%dma_start3A_92] : memref<4096xf32, #tpu.memory_space<vmem>> -> memref<256xf32, #tpu.memory_space<vmem>>
      %dma_start3A_94 = tpu.memref_slice %arg15[%add3A_58] : memref<65536xf32, #tpu.memory_space<vmem_shared>> -> memref<256xf32, #tpu.memory_space<vmem_shared>>
      tpu.enqueue_dma source(%dma_start3A_94 : memref<256xf32, #tpu.memory_space<vmem_shared>>) target(%dma_start3A_93 : memref<256xf32, #tpu.memory_space<vmem>>) target_semaphore(%run_scoped3A : memref<!tpu.dma_semaphore, #tpu.memory_space<semaphore_mem>>)
      %dma_wait3A = arith.constant 2816 : i32
      %dma_wait3A_95 = tpu.memref_slice %arg12[%dma_wait3A] : memref<4096xf32, #tpu.memory_space<vmem>> -> memref<256xf32, #tpu.memory_space<vmem>>
      %dma_wait3A_96 = tpu.memref_slice %arg15[%add3A_58] : memref<65536xf32, #tpu.memory_space<vmem_shared>> -> memref<256xf32, #tpu.memory_space<vmem_shared>>
      %dma_wait3A_97 = arith.constant 2816 : i32
      %dma_wait3A_98 = tpu.memref_slice %arg12[%dma_wait3A_97] : memref<4096xf32, #tpu.memory_space<vmem>> -> memref<256xf32, #tpu.memory_space<vmem>>
      %dma_wait3A_99 = tpu.memref_slice %arg15[%add3A_58] : memref<65536xf32, #tpu.memory_space<vmem_shared>> -> memref<256xf32, #tpu.memory_space<vmem_shared>>
      tpu.wait_dma2 semaphore(%run_scoped3A : memref<!tpu.dma_semaphore, #tpu.memory_space<semaphore_mem>>) src(%dma_wait3A_99 : memref<256xf32, #tpu.memory_space<vmem_shared>>) dst(%dma_wait3A_98 : memref<256xf32, #tpu.memory_space<vmem>>)
      tpu.yield
    }) : () -> ()
    %add3A_59 = arith.constant 49152 : i32
    %add3A_60 = arith.addi %add3A_59, %mul3A_34 : i32
    "tpu.region"() ({
      %run_scoped3A = tpu.sem_alloc : memref<!tpu.dma_semaphore, #tpu.memory_space<semaphore_mem>>
      %dma_start3A = arith.constant 3072 : i32
      %dma_start3A_90 = tpu.memref_slice %arg12[%dma_start3A] : memref<4096xf32, #tpu.memory_space<vmem>> -> memref<256xf32, #tpu.memory_space<vmem>>
      %dma_start3A_91 = tpu.memref_slice %arg15[%add3A_60] : memref<65536xf32, #tpu.memory_space<vmem_shared>> -> memref<256xf32, #tpu.memory_space<vmem_shared>>
      %dma_start3A_92 = arith.constant 3072 : i32
      %dma_start3A_93 = tpu.memref_slice %arg12[%dma_start3A_92] : memref<4096xf32, #tpu.memory_space<vmem>> -> memref<256xf32, #tpu.memory_space<vmem>>
      %dma_start3A_94 = tpu.memref_slice %arg15[%add3A_60] : memref<65536xf32, #tpu.memory_space<vmem_shared>> -> memref<256xf32, #tpu.memory_space<vmem_shared>>
      tpu.enqueue_dma source(%dma_start3A_94 : memref<256xf32, #tpu.memory_space<vmem_shared>>) target(%dma_start3A_93 : memref<256xf32, #tpu.memory_space<vmem>>) target_semaphore(%run_scoped3A : memref<!tpu.dma_semaphore, #tpu.memory_space<semaphore_mem>>)
      %dma_wait3A = arith.constant 3072 : i32
      %dma_wait3A_95 = tpu.memref_slice %arg12[%dma_wait3A] : memref<4096xf32, #tpu.memory_space<vmem>> -> memref<256xf32, #tpu.memory_space<vmem>>
      %dma_wait3A_96 = tpu.memref_slice %arg15[%add3A_60] : memref<65536xf32, #tpu.memory_space<vmem_shared>> -> memref<256xf32, #tpu.memory_space<vmem_shared>>
      %dma_wait3A_97 = arith.constant 3072 : i32
      %dma_wait3A_98 = tpu.memref_slice %arg12[%dma_wait3A_97] : memref<4096xf32, #tpu.memory_space<vmem>> -> memref<256xf32, #tpu.memory_space<vmem>>
      %dma_wait3A_99 = tpu.memref_slice %arg15[%add3A_60] : memref<65536xf32, #tpu.memory_space<vmem_shared>> -> memref<256xf32, #tpu.memory_space<vmem_shared>>
      tpu.wait_dma2 semaphore(%run_scoped3A : memref<!tpu.dma_semaphore, #tpu.memory_space<semaphore_mem>>) src(%dma_wait3A_99 : memref<256xf32, #tpu.memory_space<vmem_shared>>) dst(%dma_wait3A_98 : memref<256xf32, #tpu.memory_space<vmem>>)
      tpu.yield
    }) : () -> ()
    %add3A_61 = arith.constant 53248 : i32
    %add3A_62 = arith.addi %add3A_61, %mul3A_34 : i32
    "tpu.region"() ({
      %run_scoped3A = tpu.sem_alloc : memref<!tpu.dma_semaphore, #tpu.memory_space<semaphore_mem>>
      %dma_start3A = arith.constant 3328 : i32
      %dma_start3A_90 = tpu.memref_slice %arg12[%dma_start3A] : memref<4096xf32, #tpu.memory_space<vmem>> -> memref<256xf32, #tpu.memory_space<vmem>>
      %dma_start3A_91 = tpu.memref_slice %arg15[%add3A_62] : memref<65536xf32, #tpu.memory_space<vmem_shared>> -> memref<256xf32, #tpu.memory_space<vmem_shared>>
      %dma_start3A_92 = arith.constant 3328 : i32
      %dma_start3A_93 = tpu.memref_slice %arg12[%dma_start3A_92] : memref<4096xf32, #tpu.memory_space<vmem>> -> memref<256xf32, #tpu.memory_space<vmem>>
      %dma_start3A_94 = tpu.memref_slice %arg15[%add3A_62] : memref<65536xf32, #tpu.memory_space<vmem_shared>> -> memref<256xf32, #tpu.memory_space<vmem_shared>>
      tpu.enqueue_dma source(%dma_start3A_94 : memref<256xf32, #tpu.memory_space<vmem_shared>>) target(%dma_start3A_93 : memref<256xf32, #tpu.memory_space<vmem>>) target_semaphore(%run_scoped3A : memref<!tpu.dma_semaphore, #tpu.memory_space<semaphore_mem>>)
      %dma_wait3A = arith.constant 3328 : i32
      %dma_wait3A_95 = tpu.memref_slice %arg12[%dma_wait3A] : memref<4096xf32, #tpu.memory_space<vmem>> -> memref<256xf32, #tpu.memory_space<vmem>>
      %dma_wait3A_96 = tpu.memref_slice %arg15[%add3A_62] : memref<65536xf32, #tpu.memory_space<vmem_shared>> -> memref<256xf32, #tpu.memory_space<vmem_shared>>
      %dma_wait3A_97 = arith.constant 3328 : i32
      %dma_wait3A_98 = tpu.memref_slice %arg12[%dma_wait3A_97] : memref<4096xf32, #tpu.memory_space<vmem>> -> memref<256xf32, #tpu.memory_space<vmem>>
      %dma_wait3A_99 = tpu.memref_slice %arg15[%add3A_62] : memref<65536xf32, #tpu.memory_space<vmem_shared>> -> memref<256xf32, #tpu.memory_space<vmem_shared>>
      tpu.wait_dma2 semaphore(%run_scoped3A : memref<!tpu.dma_semaphore, #tpu.memory_space<semaphore_mem>>) src(%dma_wait3A_99 : memref<256xf32, #tpu.memory_space<vmem_shared>>) dst(%dma_wait3A_98 : memref<256xf32, #tpu.memory_space<vmem>>)
      tpu.yield
    }) : () -> ()
    %add3A_63 = arith.constant 57344 : i32
    %add3A_64 = arith.addi %add3A_63, %mul3A_34 : i32
    "tpu.region"() ({
      %run_scoped3A = tpu.sem_alloc : memref<!tpu.dma_semaphore, #tpu.memory_space<semaphore_mem>>
      %dma_start3A = arith.constant 3584 : i32
      %dma_start3A_90 = tpu.memref_slice %arg12[%dma_start3A] : memref<4096xf32, #tpu.memory_space<vmem>> -> memref<256xf32, #tpu.memory_space<vmem>>
      %dma_start3A_91 = tpu.memref_slice %arg15[%add3A_64] : memref<65536xf32, #tpu.memory_space<vmem_shared>> -> memref<256xf32, #tpu.memory_space<vmem_shared>>
      %dma_start3A_92 = arith.constant 3584 : i32
      %dma_start3A_93 = tpu.memref_slice %arg12[%dma_start3A_92] : memref<4096xf32, #tpu.memory_space<vmem>> -> memref<256xf32, #tpu.memory_space<vmem>>
      %dma_start3A_94 = tpu.memref_slice %arg15[%add3A_64] : memref<65536xf32, #tpu.memory_space<vmem_shared>> -> memref<256xf32, #tpu.memory_space<vmem_shared>>
      tpu.enqueue_dma source(%dma_start3A_94 : memref<256xf32, #tpu.memory_space<vmem_shared>>) target(%dma_start3A_93 : memref<256xf32, #tpu.memory_space<vmem>>) target_semaphore(%run_scoped3A : memref<!tpu.dma_semaphore, #tpu.memory_space<semaphore_mem>>)
      %dma_wait3A = arith.constant 3584 : i32
      %dma_wait3A_95 = tpu.memref_slice %arg12[%dma_wait3A] : memref<4096xf32, #tpu.memory_space<vmem>> -> memref<256xf32, #tpu.memory_space<vmem>>
      %dma_wait3A_96 = tpu.memref_slice %arg15[%add3A_64] : memref<65536xf32, #tpu.memory_space<vmem_shared>> -> memref<256xf32, #tpu.memory_space<vmem_shared>>
      %dma_wait3A_97 = arith.constant 3584 : i32
      %dma_wait3A_98 = tpu.memref_slice %arg12[%dma_wait3A_97] : memref<4096xf32, #tpu.memory_space<vmem>> -> memref<256xf32, #tpu.memory_space<vmem>>
      %dma_wait3A_99 = tpu.memref_slice %arg15[%add3A_64] : memref<65536xf32, #tpu.memory_space<vmem_shared>> -> memref<256xf32, #tpu.memory_space<vmem_shared>>
      tpu.wait_dma2 semaphore(%run_scoped3A : memref<!tpu.dma_semaphore, #tpu.memory_space<semaphore_mem>>) src(%dma_wait3A_99 : memref<256xf32, #tpu.memory_space<vmem_shared>>) dst(%dma_wait3A_98 : memref<256xf32, #tpu.memory_space<vmem>>)
      tpu.yield
    }) : () -> ()
    %add3A_65 = arith.constant 61440 : i32
    %add3A_66 = arith.addi %add3A_65, %mul3A_34 : i32
    "tpu.region"() ({
      %run_scoped3A = tpu.sem_alloc : memref<!tpu.dma_semaphore, #tpu.memory_space<semaphore_mem>>
      %dma_start3A = arith.constant 3840 : i32
      %dma_start3A_90 = tpu.memref_slice %arg12[%dma_start3A] : memref<4096xf32, #tpu.memory_space<vmem>> -> memref<256xf32, #tpu.memory_space<vmem>>
      %dma_start3A_91 = tpu.memref_slice %arg15[%add3A_66] : memref<65536xf32, #tpu.memory_space<vmem_shared>> -> memref<256xf32, #tpu.memory_space<vmem_shared>>
      %dma_start3A_92 = arith.constant 3840 : i32
      %dma_start3A_93 = tpu.memref_slice %arg12[%dma_start3A_92] : memref<4096xf32, #tpu.memory_space<vmem>> -> memref<256xf32, #tpu.memory_space<vmem>>
      %dma_start3A_94 = tpu.memref_slice %arg15[%add3A_66] : memref<65536xf32, #tpu.memory_space<vmem_shared>> -> memref<256xf32, #tpu.memory_space<vmem_shared>>
      tpu.enqueue_dma source(%dma_start3A_94 : memref<256xf32, #tpu.memory_space<vmem_shared>>) target(%dma_start3A_93 : memref<256xf32, #tpu.memory_space<vmem>>) target_semaphore(%run_scoped3A : memref<!tpu.dma_semaphore, #tpu.memory_space<semaphore_mem>>)
      %dma_wait3A = arith.constant 3840 : i32
      %dma_wait3A_95 = tpu.memref_slice %arg12[%dma_wait3A] : memref<4096xf32, #tpu.memory_space<vmem>> -> memref<256xf32, #tpu.memory_space<vmem>>
      %dma_wait3A_96 = tpu.memref_slice %arg15[%add3A_66] : memref<65536xf32, #tpu.memory_space<vmem_shared>> -> memref<256xf32, #tpu.memory_space<vmem_shared>>
      %dma_wait3A_97 = arith.constant 3840 : i32
      %dma_wait3A_98 = tpu.memref_slice %arg12[%dma_wait3A_97] : memref<4096xf32, #tpu.memory_space<vmem>> -> memref<256xf32, #tpu.memory_space<vmem>>
      %dma_wait3A_99 = tpu.memref_slice %arg15[%add3A_66] : memref<65536xf32, #tpu.memory_space<vmem_shared>> -> memref<256xf32, #tpu.memory_space<vmem_shared>>
      tpu.wait_dma2 semaphore(%run_scoped3A : memref<!tpu.dma_semaphore, #tpu.memory_space<semaphore_mem>>) src(%dma_wait3A_99 : memref<256xf32, #tpu.memory_space<vmem_shared>>) dst(%dma_wait3A_98 : memref<256xf32, #tpu.memory_space<vmem>>)
      tpu.yield
    }) : () -> ()
    %scan3A_67 = arith.constant 2.000000e+00 : f32
    %scan3A_68 = arith.constant 0 : i32
    %scan3A_69 = arith.constant 0 : i32
    %scan3A_70 = arith.constant 16 : i32
    %scan3A_71 = arith.addi %scan3A_69, %scan3A_70 : i32
    %scan3A_72 = arith.constant 1 : i32
    %scan3A_73 = scf.for %scan3A_90 = %scan3A_69 to %scan3A_71 step %scan3A_72 iter_args(%scan3A_91 = %scan3A_68) -> (i32)  : i32 {
      %mul3A_92 = arith.constant 16 : i32
      %mul3A_93 = arith.muli %scan3A_90, %mul3A_92 : i32
      %add3A_94 = arith.constant 0 : i32
      %add3A_95 = arith.addi %add3A_94, %mul3A_93 : i32
      %get3A = arith.index_cast %add3A_95 : i32 to index
      %get3A_96 = tpu.vector_load %arg12[%get3A] {strides = array<i32>} : memref<4096xf32, #tpu.memory_space<vmem>>, vector<16xf32>,
      %add3A_97 = arith.constant 256 : i32
      %add3A_98 = arith.addi %add3A_97, %mul3A_93 : i32
      %get3A_99 = arith.index_cast %add3A_98 : i32 to index
      %get3A_100 = tpu.vector_load %arg12[%get3A_99] {strides = array<i32>} : memref<4096xf32, #tpu.memory_space<vmem>>, vector<16xf32>,
      %add3A_101 = arith.constant 512 : i32
      %add3A_102 = arith.addi %add3A_101, %mul3A_93 : i32
      %get3A_103 = arith.index_cast %add3A_102 : i32 to index
      %get3A_104 = tpu.vector_load %arg12[%get3A_103] {strides = array<i32>} : memref<4096xf32, #tpu.memory_space<vmem>>, vector<16xf32>,
      %add3A_105 = arith.constant 768 : i32
      %add3A_106 = arith.addi %add3A_105, %mul3A_93 : i32
      %get3A_107 = arith.index_cast %add3A_106 : i32 to index
      %get3A_108 = tpu.vector_load %arg12[%get3A_107] {strides = array<i32>} : memref<4096xf32, #tpu.memory_space<vmem>>, vector<16xf32>,
      %add3A_109 = arith.constant 1024 : i32
      %add3A_110 = arith.addi %add3A_109, %mul3A_93 : i32
      %get3A_111 = arith.index_cast %add3A_110 : i32 to index
      %get3A_112 = tpu.vector_load %arg12[%get3A_111] {strides = array<i32>} : memref<4096xf32, #tpu.memory_space<vmem>>, vector<16xf32>,
      %add3A_113 = arith.constant 1280 : i32
      %add3A_114 = arith.addi %add3A_113, %mul3A_93 : i32
      %get3A_115 = arith.index_cast %add3A_114 : i32 to index
      %get3A_116 = tpu.vector_load %arg12[%get3A_115] {strides = array<i32>} : memref<4096xf32, #tpu.memory_space<vmem>>, vector<16xf32>,
      %add3A_117 = arith.constant 1536 : i32
      %add3A_118 = arith.addi %add3A_117, %mul3A_93 : i32
      %get3A_119 = arith.index_cast %add3A_118 : i32 to index
      %get3A_120 = tpu.vector_load %arg12[%get3A_119] {strides = array<i32>} : memref<4096xf32, #tpu.memory_space<vmem>>, vector<16xf32>,
      %add3A_121 = arith.constant 1792 : i32
      %add3A_122 = arith.addi %add3A_121, %mul3A_93 : i32
      %get3A_123 = arith.index_cast %add3A_122 : i32 to index
      %get3A_124 = tpu.vector_load %arg12[%get3A_123] {strides = array<i32>} : memref<4096xf32, #tpu.memory_space<vmem>>, vector<16xf32>,
      %add3A_125 = arith.constant 2048 : i32
      %add3A_126 = arith.addi %add3A_125, %mul3A_93 : i32
      %get3A_127 = arith.index_cast %add3A_126 : i32 to index
      %get3A_128 = tpu.vector_load %arg12[%get3A_127] {strides = array<i32>} : memref<4096xf32, #tpu.memory_space<vmem>>, vector<16xf32>,
      %add3A_129 = arith.constant 2304 : i32
      %add3A_130 = arith.addi %add3A_129, %mul3A_93 : i32
      %get3A_131 = arith.index_cast %add3A_130 : i32 to index
      %get3A_132 = tpu.vector_load %arg12[%get3A_131] {strides = array<i32>} : memref<4096xf32, #tpu.memory_space<vmem>>, vector<16xf32>,
      %add3A_133 = arith.constant 2560 : i32
      %add3A_134 = arith.addi %add3A_133, %mul3A_93 : i32
      %get3A_135 = arith.index_cast %add3A_134 : i32 to index
      %get3A_136 = tpu.vector_load %arg12[%get3A_135] {strides = array<i32>} : memref<4096xf32, #tpu.memory_space<vmem>>, vector<16xf32>,
      %add3A_137 = arith.constant 2816 : i32
      %add3A_138 = arith.addi %add3A_137, %mul3A_93 : i32
      %get3A_139 = arith.index_cast %add3A_138 : i32 to index
      %get3A_140 = tpu.vector_load %arg12[%get3A_139] {strides = array<i32>} : memref<4096xf32, #tpu.memory_space<vmem>>, vector<16xf32>,
      %add3A_141 = arith.constant 3072 : i32
      %add3A_142 = arith.addi %add3A_141, %mul3A_93 : i32
      %get3A_143 = arith.index_cast %add3A_142 : i32 to index
      %get3A_144 = tpu.vector_load %arg12[%get3A_143] {strides = array<i32>} : memref<4096xf32, #tpu.memory_space<vmem>>, vector<16xf32>,
      %add3A_145 = arith.constant 3328 : i32
      %add3A_146 = arith.addi %add3A_145, %mul3A_93 : i32
      %get3A_147 = arith.index_cast %add3A_146 : i32 to index
      %get3A_148 = tpu.vector_load %arg12[%get3A_147] {strides = array<i32>} : memref<4096xf32, #tpu.memory_space<vmem>>, vector<16xf32>,
      %add3A_149 = arith.constant 3584 : i32
      %add3A_150 = arith.addi %add3A_149, %mul3A_93 : i32
      %get3A_151 = arith.index_cast %add3A_150 : i32 to index
      %get3A_152 = tpu.vector_load %arg12[%get3A_151] {strides = array<i32>} : memref<4096xf32, #tpu.memory_space<vmem>>, vector<16xf32>,
      %add3A_153 = arith.constant 3840 : i32
      %add3A_154 = arith.addi %add3A_153, %mul3A_93 : i32
      %get3A_155 = arith.index_cast %add3A_154 : i32 to index
      %get3A_156 = tpu.vector_load %arg12[%get3A_155] {strides = array<i32>} : memref<4096xf32, #tpu.memory_space<vmem>>, vector<16xf32>,
      %min3A = arith.minimumf %get3A_96, %get3A_128 : vector<16xf32>
      %min3A_157 = arith.minimumf %get3A_100, %get3A_132 : vector<16xf32>
      %min3A_158 = arith.minimumf %get3A_104, %get3A_136 : vector<16xf32>
      %min3A_159 = arith.minimumf %get3A_108, %get3A_140 : vector<16xf32>
      %min3A_160 = arith.minimumf %get3A_112, %get3A_144 : vector<16xf32>
      %min3A_161 = arith.minimumf %get3A_116, %get3A_148 : vector<16xf32>
      %min3A_162 = arith.minimumf %get3A_120, %get3A_152 : vector<16xf32>
      %min3A_163 = arith.minimumf %get3A_124, %get3A_156 : vector<16xf32>
      %min3A_164 = arith.minimumf %min3A, %min3A_160 : vector<16xf32>
      %min3A_165 = arith.minimumf %min3A_157, %min3A_161 : vector<16xf32>
      %min3A_166 = arith.minimumf %min3A_158, %min3A_162 : vector<16xf32>
      %min3A_167 = arith.minimumf %min3A_159, %min3A_163 : vector<16xf32>
      %min3A_168 = arith.minimumf %min3A_164, %min3A_166 : vector<16xf32>
      %min3A_169 = arith.minimumf %min3A_165, %min3A_167 : vector<16xf32>
      %min3A_170 = arith.minimumf %min3A_168, %min3A_169 : vector<16xf32>
      %mul3A_171 = vector.broadcast %scan3A_67 : f32 to vector<16xf32>
      %mul3A_172 = arith.mulf %min3A_170, %mul3A_171 : vector<16xf32>
      %swap3A_173 = arith.index_cast %mul3A_93 : i32 to index
      %swap3A_174 = tpu.vector_load %arg11[%swap3A_173] {strides = array<i32>} : memref<4096xf32, #tpu.memory_space<vmem>>, vector<16xf32>,
      tpu.vector_store %arg11[%swap3A_173], %mul3A_172 {strides = array<i32>} : memref<4096xf32, #tpu.memory_space<vmem>>, vector<16xf32>,
      %scan3A_175 = arith.constant 0 : i32
      scf.yield %scan3A_175 : i32
    }
    %scan3A_74 = arith.constant 16 : i32
    %mul3A_75 = arith.constant 4096 : i32
    %mul3A_76 = arith.muli %arg0, %mul3A_75 : i32
    %add3A_77 = arith.addi %mul3A_76, %mul3A_34 : i32
    "tpu.region"() ({
      %run_scoped3A = tpu.sem_alloc : memref<!tpu.dma_semaphore, #tpu.memory_space<semaphore_mem>>
      %dma_start3A = arith.constant 0 : i32
      %dma_start3A_90 = tpu.memref_slice %arg11[%dma_start3A] : memref<4096xf32, #tpu.memory_space<vmem>> -> memref<256xf32, #tpu.memory_space<vmem>>
      %dma_start3A_91 = tpu.memref_slice %arg4[%add3A_77] : memref<8192xf32, #tpu.memory_space<hbm>> -> memref<256xf32, #tpu.memory_space<hbm>>
      %dma_start3A_92 = tpu.memref_slice %arg4[%add3A_77] : memref<8192xf32, #tpu.memory_space<hbm>> -> memref<256xf32, #tpu.memory_space<hbm>>
      %dma_start3A_93 = arith.constant 0 : i32
      %dma_start3A_94 = tpu.memref_slice %arg11[%dma_start3A_93] : memref<4096xf32, #tpu.memory_space<vmem>> -> memref<256xf32, #tpu.memory_space<vmem>>
      tpu.enqueue_dma source(%dma_start3A_94 : memref<256xf32, #tpu.memory_space<vmem>>) target(%dma_start3A_92 : memref<256xf32, #tpu.memory_space<hbm>>) target_semaphore(%run_scoped3A : memref<!tpu.dma_semaphore, #tpu.memory_space<semaphore_mem>>)
      %dma_wait3A = arith.constant 0 : i32
      %dma_wait3A_95 = tpu.memref_slice %arg11[%dma_wait3A] : memref<4096xf32, #tpu.memory_space<vmem>> -> memref<256xf32, #tpu.memory_space<vmem>>
      %dma_wait3A_96 = tpu.memref_slice %arg4[%add3A_77] : memref<8192xf32, #tpu.memory_space<hbm>> -> memref<256xf32, #tpu.memory_space<hbm>>
      %dma_wait3A_97 = tpu.memref_slice %arg4[%add3A_77] : memref<8192xf32, #tpu.memory_space<hbm>> -> memref<256xf32, #tpu.memory_space<hbm>>
      %dma_wait3A_98 = arith.constant 0 : i32
      %dma_wait3A_99 = tpu.memref_slice %arg11[%dma_wait3A_98] : memref<4096xf32, #tpu.memory_space<vmem>> -> memref<256xf32, #tpu.memory_space<vmem>>
      tpu.wait_dma2 semaphore(%run_scoped3A : memref<!tpu.dma_semaphore, #tpu.memory_space<semaphore_mem>>) src(%dma_wait3A_99 : memref<256xf32, #tpu.memory_space<vmem>>) dst(%dma_wait3A_97 : memref<256xf32, #tpu.memory_space<hbm>>)
      tpu.yield
    }) : () -> ()
    %eq3A = arith.constant 0 : i32
    %eq3A_78 = vector.broadcast %eq3A : i32 to vector<16xi32>
    %eq3A_79 = arith.cmpi eq, %iota3A, %eq3A_78 : vector<16xi32>
    %mul3A_80 = arith.constant 2.000000e+00 : f32
    %mul3A_81 = vector.broadcast %mul3A_80 : f32 to vector<16xf32>
    %mul3A_82 = arith.mulf %scan3A_29, %mul3A_81 : vector<16xf32>
    %select_n3A = arith.select %eq3A_79, %mul3A_82, %broadcast_in_dim3A_24 : vector<16xi1>, vector<16xf32>
    %swap3A = arith.constant 0 : index
    %swap3A_83 = tpu.vector_load %arg14[%swap3A] {strides = array<i32>} : memref<16xf32, #tpu.memory_space<vmem>>, vector<16xf32>,
    tpu.vector_store %arg14[%swap3A], %select_n3A {strides = array<i32>} : memref<16xf32, #tpu.memory_space<vmem>>, vector<16xf32>,
    %mul3A_84 = arith.constant 16 : i32
    %mul3A_85 = arith.muli %arg1, %mul3A_84 : i32
    "tpu.region"() ({
      %run_scoped3A = tpu.sem_alloc : memref<!tpu.dma_semaphore, #tpu.memory_space<semaphore_mem>>
      %dma_start3A = tpu.memref_slice %arg16[%mul3A_85] : memref<256xf32, #tpu.memory_space<vmem_shared>> -> memref<16xf32, #tpu.memory_space<vmem_shared>>
      %dma_start3A_90 = tpu.memref_slice %arg16[%mul3A_85] : memref<256xf32, #tpu.memory_space<vmem_shared>> -> memref<16xf32, #tpu.memory_space<vmem_shared>>
      tpu.enqueue_dma source(%arg14 : memref<16xf32, #tpu.memory_space<vmem>>) target(%dma_start3A_90 : memref<16xf32, #tpu.memory_space<vmem_shared>>) target_semaphore(%run_scoped3A : memref<!tpu.dma_semaphore, #tpu.memory_space<semaphore_mem>>)
      %dma_wait3A = tpu.memref_slice %arg16[%mul3A_85] : memref<256xf32, #tpu.memory_space<vmem_shared>> -> memref<16xf32, #tpu.memory_space<vmem_shared>>
      %dma_wait3A_91 = tpu.memref_slice %arg16[%mul3A_85] : memref<256xf32, #tpu.memory_space<vmem_shared>> -> memref<16xf32, #tpu.memory_space<vmem_shared>>
      tpu.wait_dma2 semaphore(%run_scoped3A : memref<!tpu.dma_semaphore, #tpu.memory_space<semaphore_mem>>) src(%arg14 : memref<16xf32, #tpu.memory_space<vmem>>) dst(%dma_wait3A_91 : memref<16xf32, #tpu.memory_space<vmem_shared>>)
      tpu.yield
    }) : () -> ()
    %barrier3A_86 = arith.constant 0 : index
    tpu.barrier barrier_id(%barrier3A_86)
    %eq3A_87 = arith.constant 0 : i32
    %eq3A_88 = arith.cmpi eq, %arg1, %eq3A_87 : i32
    %convert_element_type3A = arith.extui %eq3A_88 : i1 to i32
    %cond3A = arith.constant 0 : i32
    %cond3A_89 = arith.cmpi ne, %convert_element_type3A, %cond3A : i32
    scf.if %cond3A_89 {
      "tpu.region"() ({
        %run_scoped3A = tpu.sem_alloc : memref<!tpu.dma_semaphore, #tpu.memory_space<semaphore_mem>>
        tpu.enqueue_dma source(%arg16 : memref<256xf32, #tpu.memory_space<vmem_shared>>) target(%arg13 : memref<256xf32, #tpu.memory_space<vmem>>) target_semaphore(%run_scoped3A : memref<!tpu.dma_semaphore, #tpu.memory_space<semaphore_mem>>)
        tpu.wait_dma2 semaphore(%run_scoped3A : memref<!tpu.dma_semaphore, #tpu.memory_space<semaphore_mem>>) src(%arg16 : memref<256xf32, #tpu.memory_space<vmem_shared>>) dst(%arg13 : memref<256xf32, #tpu.memory_space<vmem>>)
        tpu.yield
      }) : () -> ()
      %scan3A_90 = arith.constant 0 : i32
      %scan3A_91 = arith.constant 16 : i32
      %scan3A_92 = arith.addi %scan3A_90, %scan3A_91 : i32
      %scan3A_93 = arith.constant 1 : i32
      %scan3A_94 = scf.for %scan3A_100 = %scan3A_90 to %scan3A_92 step %scan3A_93 iter_args(%scan3A_101 = %broadcast_in_dim3A_24) -> (vector<16xf32>)  : i32 {
        %mul3A_102 = arith.constant 16 : i32
        %mul3A_103 = arith.muli %scan3A_100, %mul3A_102 : i32
        %get3A = arith.index_cast %mul3A_103 : i32 to index
        %get3A_104 = tpu.vector_load %arg13[%get3A] {strides = array<i32>} : memref<256xf32, #tpu.memory_space<vmem>>, vector<16xf32>,
        %add3A_105 = arith.addf %scan3A_101, %get3A_104 : vector<16xf32>
        scf.yield %add3A_105 : vector<16xf32>
      }
      %scan3A_95 = arith.constant 16 : i32
      %swap3A_96 = arith.constant 0 : index
      %swap3A_97 = tpu.vector_load %arg14[%swap3A_96] {strides = array<i32>} : memref<16xf32, #tpu.memory_space<vmem>>, vector<16xf32>,
      tpu.vector_store %arg14[%swap3A_96], %scan3A_94 {strides = array<i32>} : memref<16xf32, #tpu.memory_space<vmem>>, vector<16xf32>,
      %mul3A_98 = arith.constant 16 : i32
      %mul3A_99 = arith.muli %arg0, %mul3A_98 : i32
      "tpu.region"() ({
        %run_scoped3A = tpu.sem_alloc : memref<!tpu.dma_semaphore, #tpu.memory_space<semaphore_mem>>
        %dma_start3A = tpu.memref_slice %arg5[%mul3A_99] : memref<32xf32, #tpu.memory_space<hbm>> -> memref<16xf32, #tpu.memory_space<hbm>>
        %dma_start3A_100 = tpu.memref_slice %arg5[%mul3A_99] : memref<32xf32, #tpu.memory_space<hbm>> -> memref<16xf32, #tpu.memory_space<hbm>>
        tpu.enqueue_dma source(%arg14 : memref<16xf32, #tpu.memory_space<vmem>>) target(%dma_start3A_100 : memref<16xf32, #tpu.memory_space<hbm>>) target_semaphore(%run_scoped3A : memref<!tpu.dma_semaphore, #tpu.memory_space<semaphore_mem>>)
        %dma_wait3A = tpu.memref_slice %arg5[%mul3A_99] : memref<32xf32, #tpu.memory_space<hbm>> -> memref<16xf32, #tpu.memory_space<hbm>>
        %dma_wait3A_101 = tpu.memref_slice %arg5[%mul3A_99] : memref<32xf32, #tpu.memory_space<hbm>> -> memref<16xf32, #tpu.memory_space<hbm>>
        tpu.wait_dma2 semaphore(%run_scoped3A : memref<!tpu.dma_semaphore, #tpu.memory_space<semaphore_mem>>) src(%arg14 : memref<16xf32, #tpu.memory_space<vmem>>) dst(%dma_wait3A_101 : memref<16xf32, #tpu.memory_space<hbm>>)
        tpu.yield
      }) : () -> ()
    } else {
    }
    return
  }
}

module attributes {stable_mosaic.version = 14 : i64} {
  func.func @_tc_step(%arg0: i32, %arg1: memref<1x1024x3xf32, #tpu.memory_space<vmem>>, %arg2: memref<1x3x4096xf32, #tpu.memory_space<vmem>>, %arg3: memref<8x128xf32, #tpu.memory_space<vmem>>, %arg4: memref<1x4096xf32, #tpu.memory_space<vmem>>, %arg5: memref<1x4096xf32, #tpu.memory_space<vmem>>, %arg6: memref<1xf32, #tpu.memory_space<smem>>) attributes {dimension_semantics = [#tpu.dimension_semantics<arbitrary>], iteration_bounds = array<i64: 14>, scalar_prefetch = 0 : i64, scratch_operands = 2 : i64, tpu.core_type = #tpu.core_type<tc>, window_params = [{transform_indices = @transform_0, window_bounds = array<i64: 1, 1024, 3>}, {transform_indices = @transform_1, window_bounds = array<i64: 1, 3, 4096>}, {transform_indices = @transform_2, window_bounds = array<i64: 8, 128>}, {pipeline_mode = #tpu.pipeline_mode<synchronous>, transform_indices = @transform_3, window_bounds = array<i64: 1, 4096>}]} {
    %add3A = arith.constant 2 : i32
    %add3A_0 = arith.addi %arg0, %add3A : i32
    %jit3A = arith.constant 4 : i32
    %eq3A = arith.constant 0 : i32
    %eq3A_1 = arith.cmpi eq, %jit3A, %eq3A : i32
    %jit3A_2 = arith.constant 1 : i32
    %select_n3A = arith.select %eq3A_1, %jit3A_2, %jit3A : i32
    %rem3A = arith.remsi %add3A_0, %select_n3A : i32
    %ne3A = arith.constant 0 : i32
    %ne3A_3 = arith.cmpi ne, %rem3A, %ne3A : i32
    %lt3A = arith.constant 0 : i32
    %lt3A_4 = arith.cmpi slt, %rem3A, %lt3A : i32
    %lt3A_5 = arith.constant 0 : i32
    %lt3A_6 = arith.cmpi slt, %select_n3A, %lt3A_5 : i32
    %ne3A_7 = arith.xori %lt3A_4, %lt3A_6 : i1
    %and3A = arith.andi %ne3A_7, %ne3A_3 : i1
    %add3A_8 = arith.addi %rem3A, %select_n3A : i32
    %select_n3A_9 = arith.select %and3A, %add3A_8, %rem3A : i32
    %eq3A_10 = arith.constant 0 : i32
    %eq3A_11 = arith.cmpi eq, %arg0, %eq3A_10 : i32
    %eq3A_12 = arith.constant 0 : i32
    %eq3A_13 = arith.cmpi eq, %select_n3A_9, %eq3A_12 : i32
    %or3A = arith.ori %eq3A_11, %eq3A_13 : i1
    %eq3A_14 = arith.constant 3 : i32
    %eq3A_15 = arith.cmpi eq, %select_n3A_9, %eq3A_14 : i32
    %get3A = arith.constant 0 : index
    %get3A_16 = arith.constant 0 : index
    %get3A_17 = arith.constant 0 : index
    %get3A_18 = vector.load %arg1[%get3A, %get3A_16, %get3A_17] : memref<1x1024x3xf32, #tpu.memory_space<vmem>>, vector<1x1024x3xf32>
    %get3A_19 = vector.shape_cast %get3A_18 : vector<1x1024x3xf32> to vector<1024x3xf32>
    %get3A_20 = arith.constant 0 : index
    %get3A_21 = arith.constant 0 : index
    %get3A_22 = arith.constant 0 : index
    %get3A_23 = vector.load %arg2[%get3A_20, %get3A_21, %get3A_22] : memref<1x3x4096xf32, #tpu.memory_space<vmem>>, vector<1x3x4096xf32>
    %get3A_24 = vector.shape_cast %get3A_23 : vector<1x3x4096xf32> to vector<3x4096xf32>
    %mul3A = arith.mulf %get3A_19, %get3A_19 : vector<1024x3xf32>
    %reduce_sum3A = arith.constant dense<0.000000e+00> : vector<1024xf32>
    %reduce_sum3A_25 = vector.multi_reduction <add>, %mul3A, %reduce_sum3A [1] : vector<1024x3xf32> to vector<1024xf32>
    %broadcast_in_dim3A = vector.shape_cast %reduce_sum3A_25 : vector<1024xf32> to vector<1024x1xf32>
    %slice3A = vector.extract_strided_slice %get3A_24 {offsets = [0, 0], sizes = [1, 4096], strides = [1, 1]} : vector<3x4096xf32> to vector<1x4096xf32>
    %slice3A_26 = vector.extract_strided_slice %get3A_24 {offsets = [0, 0], sizes = [1, 4096], strides = [1, 1]} : vector<3x4096xf32> to vector<1x4096xf32>
    %mul3A_27 = arith.mulf %slice3A, %slice3A_26 : vector<1x4096xf32>
    %slice3A_28 = vector.extract_strided_slice %get3A_24 {offsets = [1, 0], sizes = [1, 4096], strides = [1, 1]} : vector<3x4096xf32> to vector<1x4096xf32>
    %slice3A_29 = vector.extract_strided_slice %get3A_24 {offsets = [1, 0], sizes = [1, 4096], strides = [1, 1]} : vector<3x4096xf32> to vector<1x4096xf32>
    %mul3A_30 = arith.mulf %slice3A_28, %slice3A_29 : vector<1x4096xf32>
    %add3A_31 = arith.addf %mul3A_27, %mul3A_30 : vector<1x4096xf32>
    %slice3A_32 = vector.extract_strided_slice %get3A_24 {offsets = [2, 0], sizes = [1, 4096], strides = [1, 1]} : vector<3x4096xf32> to vector<1x4096xf32>
    %slice3A_33 = vector.extract_strided_slice %get3A_24 {offsets = [2, 0], sizes = [1, 4096], strides = [1, 1]} : vector<3x4096xf32> to vector<1x4096xf32>
    %mul3A_34 = arith.mulf %slice3A_32, %slice3A_33 : vector<1x4096xf32>
    %add3A_35 = arith.addf %add3A_31, %mul3A_34 : vector<1x4096xf32>
    %add3A_36 = arith.addf %get3A_19, %get3A_19 : vector<1024x3xf32>
    %convert_element_type3A = arith.truncf %add3A_36 : vector<1024x3xf32> to vector<1024x3xbf16>
    %convert_element_type3A_37 = arith.truncf %get3A_24 : vector<3x4096xf32> to vector<3x4096xbf16>
    %dot_general3A = arith.constant dense<0.000000e+00> : vector<1024x4096xf32>
    %dot_general3A_38 = tpu.matmul %convert_element_type3A, %convert_element_type3A_37, %dot_general3A {dimension_numbers = #tpu.dot_dimension_numbers<[1], [0], [0], [1], [0, 0, 1, 1], [], []>, transpose_lhs_hint = false} : vector<1024x3xbf16>, vector<3x4096xbf16>, vector<1024x4096xf32> -> vector<1024x4096xf32>
    %add3A_39 = vector.broadcast %broadcast_in_dim3A : vector<1024x1xf32> to vector<1024x4096xf32>
    %add3A_40 = vector.broadcast %add3A_35 : vector<1x4096xf32> to vector<1024x4096xf32>
    %add3A_41 = arith.addf %add3A_39, %add3A_40 : vector<1024x4096xf32>
    %sub3A = arith.subf %add3A_41, %dot_general3A_38 : vector<1024x4096xf32>
    %reduce_min3A = arith.constant dense<0x7F800000> : vector<1024xf32>
    %reduce_min3A_42 = vector.multi_reduction <minimumf>, %sub3A, %reduce_min3A [1] : vector<1024x4096xf32> to vector<1024xf32>
    %max3A = arith.constant 0.000000e+00 : f32
    %max3A_43 = vector.broadcast %max3A : f32 to vector<1024xf32>
    %max3A_44 = arith.maximumf %reduce_min3A_42, %max3A_43 : vector<1024xf32>
    %reduce_sum3A_45 = vector.shape_cast %max3A_44 : vector<1024xf32> to vector<1x1024xf32>
    %reduce_sum3A_46 = arith.constant dense<0.000000e+00> : vector<1xf32>
    %reduce_sum3A_47 = vector.multi_reduction <add>, %reduce_sum3A_45, %reduce_sum3A_46 [1] : vector<1x1024xf32> to vector<1xf32>
    %reduce_sum3A_48 = vector.shape_cast %reduce_sum3A_47 : vector<1xf32> to vector<1x1xf32>
    %reduce_sum3A_49 = vector.extract %reduce_sum3A_48[0, 0] : f32 from vector<1x1xf32>
    %reduce_min3A_50 = arith.constant dense<0x7F800000> : vector<4096xf32>
    %reduce_min3A_51 = vector.multi_reduction <minimumf>, %sub3A, %reduce_min3A_50 [0] : vector<1024x4096xf32> to vector<4096xf32>
    %broadcast_in_dim3A_52 = vector.shape_cast %reduce_min3A_51 : vector<4096xf32> to vector<1x4096xf32>
    %convert_element_type3A_53 = arith.extui %or3A : i1 to i32
    %cond3A = arith.constant 0 : i32
    %cond3A_54 = arith.cmpi ne, %convert_element_type3A_53, %cond3A : i32
    scf.if %cond3A_54 {
      %swap3A = arith.constant 0 : index
      %swap3A_68 = memref.load %arg6[%swap3A] : memref<1xf32, #tpu.memory_space<smem>>
      memref.store %reduce_sum3A_49, %arg6[%swap3A] : memref<1xf32, #tpu.memory_space<smem>>
      %swap3A_69 = arith.constant 0 : index
      %swap3A_70 = arith.constant 0 : index
      %swap3A_71 = vector.load %arg5[%swap3A_69, %swap3A_70] : memref<1x4096xf32, #tpu.memory_space<vmem>>, vector<1x4096xf32>
      tpu.vector_store %arg5[%swap3A_69, %swap3A_70], %broadcast_in_dim3A_52 {strides = array<i32>} : memref<1x4096xf32, #tpu.memory_space<vmem>>, vector<1x4096xf32>,
    } else {
    }
    %not3A = arith.constant true
    %not3A_55 = arith.xori %or3A, %not3A : i1
    %convert_element_type3A_56 = arith.extui %not3A_55 : i1 to i32
    %cond3A_57 = arith.constant 0 : i32
    %cond3A_58 = arith.cmpi ne, %convert_element_type3A_56, %cond3A_57 : i32
    scf.if %cond3A_58 {
      %get3A_68 = arith.constant 0 : index
      %get3A_69 = memref.load %arg6[%get3A_68] : memref<1xf32, #tpu.memory_space<smem>>
      %add3A_70 = arith.addf %get3A_69, %reduce_sum3A_49 : f32
      %swap3A = arith.constant 0 : index
      %swap3A_71 = memref.load %arg6[%swap3A] : memref<1xf32, #tpu.memory_space<smem>>
      memref.store %add3A_70, %arg6[%swap3A] : memref<1xf32, #tpu.memory_space<smem>>
      %get3A_72 = arith.constant 0 : index
      %get3A_73 = arith.constant 0 : index
      %get3A_74 = vector.load %arg5[%get3A_72, %get3A_73] : memref<1x4096xf32, #tpu.memory_space<vmem>>, vector<1x4096xf32>
      %min3A = arith.minimumf %get3A_74, %broadcast_in_dim3A_52 : vector<1x4096xf32>
      %swap3A_75 = arith.constant 0 : index
      %swap3A_76 = arith.constant 0 : index
      %swap3A_77 = vector.load %arg5[%swap3A_75, %swap3A_76] : memref<1x4096xf32, #tpu.memory_space<vmem>>, vector<1x4096xf32>
      tpu.vector_store %arg5[%swap3A_75, %swap3A_76], %min3A {strides = array<i32>} : memref<1x4096xf32, #tpu.memory_space<vmem>>, vector<1x4096xf32>,
    } else {
    }
    %convert_element_type3A_59 = arith.extui %eq3A_15 : i1 to i32
    %cond3A_60 = arith.constant 0 : i32
    %cond3A_61 = arith.cmpi ne, %convert_element_type3A_59, %cond3A_60 : i32
    scf.if %cond3A_61 {
      %iota3A = tpu.iota {dimensions = array<i32: 1>} : vector<8x128xi32>
      %get3A_68 = arith.constant 0 : index
      %get3A_69 = arith.constant 0 : index
      %get3A_70 = vector.load %arg5[%get3A_68, %get3A_69] : memref<1x4096xf32, #tpu.memory_space<vmem>>, vector<1x4096xf32>
      %max3A_71 = arith.constant 0.000000e+00 : f32
      %max3A_72 = vector.broadcast %max3A_71 : f32 to vector<1x4096xf32>
      %max3A_73 = arith.maximumf %get3A_70, %max3A_72 : vector<1x4096xf32>
      %reduce_sum3A_74 = vector.shape_cast %max3A_73 : vector<1x4096xf32> to vector<1x1x4096xf32>
      %reduce_sum3A_75 = arith.constant dense<0.000000e+00> : vector<1xf32>
      %reduce_sum3A_76 = vector.multi_reduction <add>, %reduce_sum3A_74, %reduce_sum3A_75 [1, 2] : vector<1x1x4096xf32> to vector<1xf32>
      %reduce_sum3A_77 = vector.shape_cast %reduce_sum3A_76 : vector<1xf32> to vector<1x1x1xf32>
      %reduce_sum3A_78 = vector.extract %reduce_sum3A_77[0, 0, 0] : f32 from vector<1x1x1xf32>
      %eq3A_79 = arith.constant 0 : i32
      %eq3A_80 = vector.broadcast %eq3A_79 : i32 to vector<8x128xi32>
      %eq3A_81 = arith.cmpi eq, %iota3A, %eq3A_80 : vector<8x128xi32>
      %get3A_82 = arith.constant 0 : index
      %get3A_83 = memref.load %arg6[%get3A_82] : memref<1xf32, #tpu.memory_space<smem>>
      %jit3A_84 = arith.constant 0.000000e+00 : f32
      %broadcast_in_dim3A_85 = vector.broadcast %get3A_83 : f32 to vector<8x128xf32>
      %broadcast_in_dim3A_86 = vector.broadcast %jit3A_84 : f32 to vector<8x128xf32>
      %select_n3A_87 = arith.select %eq3A_81, %broadcast_in_dim3A_85, %broadcast_in_dim3A_86 : vector<8x128xi1>, vector<8x128xf32>
      %eq3A_88 = arith.constant 1 : i32
      %eq3A_89 = vector.broadcast %eq3A_88 : i32 to vector<8x128xi32>
      %eq3A_90 = arith.cmpi eq, %iota3A, %eq3A_89 : vector<8x128xi32>
      %jit3A_91 = arith.constant 0.000000e+00 : f32
      %broadcast_in_dim3A_92 = vector.broadcast %reduce_sum3A_78 : f32 to vector<8x128xf32>
      %broadcast_in_dim3A_93 = vector.broadcast %jit3A_91 : f32 to vector<8x128xf32>
      %select_n3A_94 = arith.select %eq3A_90, %broadcast_in_dim3A_92, %broadcast_in_dim3A_93 : vector<8x128xi1>, vector<8x128xf32>
      %add3A_95 = arith.addf %select_n3A_87, %select_n3A_94 : vector<8x128xf32>
      %swap3A = arith.constant 0 : index
      %swap3A_96 = arith.constant 0 : index
      %swap3A_97 = vector.load %arg3[%swap3A, %swap3A_96] : memref<8x128xf32, #tpu.memory_space<vmem>>, vector<8x128xf32>
      tpu.vector_store %arg3[%swap3A, %swap3A_96], %add3A_95 {strides = array<i32>} : memref<8x128xf32, #tpu.memory_space<vmem>>, vector<8x128xf32>,
    } else {
    }
    %eq3A_62 = arith.constant 1 : i32
    %eq3A_63 = arith.cmpi eq, %arg0, %eq3A_62 : i32
    %and3A_64 = arith.andi %eq3A_15, %eq3A_63 : i1
    %convert_element_type3A_65 = arith.extui %and3A_64 : i1 to i32
    %cond3A_66 = arith.constant 0 : i32
    %cond3A_67 = arith.cmpi ne, %convert_element_type3A_65, %cond3A_66 : i32
    scf.if %cond3A_67 {
      %get3A_68 = arith.constant 0 : index
      %get3A_69 = arith.constant 0 : index
      %get3A_70 = vector.load %arg5[%get3A_68, %get3A_69] : memref<1x4096xf32, #tpu.memory_space<vmem>>, vector<1x4096xf32>
      %swap3A = arith.constant 0 : index
      %swap3A_71 = arith.constant 0 : index
      %swap3A_72 = vector.load %arg4[%swap3A, %swap3A_71] : memref<1x4096xf32, #tpu.memory_space<vmem>>, vector<1x4096xf32>
      tpu.vector_store %arg4[%swap3A, %swap3A_71], %get3A_70 {strides = array<i32>} : memref<1x4096xf32, #tpu.memory_space<vmem>>, vector<1x4096xf32>,
    } else {
    }
    return
  }
  func.func @transform_0(%arg0: i32) -> (i32, i32, i32) {
    %add3A = arith.constant 2 : i32
    %add3A_0 = arith.addi %arg0, %add3A : i32
    %jit3A = arith.constant 4 : i32
    %div3A = arith.divsi %add3A_0, %jit3A : i32
    %sign3A = arith.constant 0 : i32
    %sign3A_1 = arith.cmpi sgt, %add3A_0, %sign3A : i32
    %sign3A_2 = arith.extui %sign3A_1 : i1 to i32
    %sign3A_3 = arith.constant 0 : i32
    %sign3A_4 = arith.cmpi slt, %add3A_0, %sign3A_3 : i32
    %sign3A_5 = arith.extui %sign3A_4 : i1 to i32
    %sign3A_6 = arith.subi %sign3A_2, %sign3A_5 : i32
    %sign3A_7 = arith.constant 0 : i32
    %sign3A_8 = arith.cmpi sgt, %jit3A, %sign3A_7 : i32
    %sign3A_9 = arith.extui %sign3A_8 : i1 to i32
    %sign3A_10 = arith.constant 0 : i32
    %sign3A_11 = arith.cmpi slt, %jit3A, %sign3A_10 : i32
    %sign3A_12 = arith.extui %sign3A_11 : i1 to i32
    %sign3A_13 = arith.subi %sign3A_9, %sign3A_12 : i32
    %ne3A = arith.cmpi ne, %sign3A_6, %sign3A_13 : i32
    %rem3A = arith.remsi %add3A_0, %jit3A : i32
    %ne3A_14 = arith.constant 0 : i32
    %ne3A_15 = arith.cmpi ne, %rem3A, %ne3A_14 : i32
    %and3A = arith.andi %ne3A, %ne3A_15 : i1
    %sub3A = arith.constant 1 : i32
    %sub3A_16 = arith.subi %div3A, %sub3A : i32
    %select_n3A = arith.select %and3A, %sub3A_16, %div3A : i32
    %add3A_17 = arith.constant 2 : i32
    %add3A_18 = arith.addi %arg0, %add3A_17 : i32
    %jit3A_19 = arith.constant 4 : i32
    %eq3A = arith.constant 0 : i32
    %eq3A_20 = arith.cmpi eq, %jit3A_19, %eq3A : i32
    %jit3A_21 = arith.constant 1 : i32
    %select_n3A_22 = arith.select %eq3A_20, %jit3A_21, %jit3A_19 : i32
    %rem3A_23 = arith.remsi %add3A_18, %select_n3A_22 : i32
    %ne3A_24 = arith.constant 0 : i32
    %ne3A_25 = arith.cmpi ne, %rem3A_23, %ne3A_24 : i32
    %lt3A = arith.constant 0 : i32
    %lt3A_26 = arith.cmpi slt, %rem3A_23, %lt3A : i32
    %lt3A_27 = arith.constant 0 : i32
    %lt3A_28 = arith.cmpi slt, %select_n3A_22, %lt3A_27 : i32
    %ne3A_29 = arith.xori %lt3A_26, %lt3A_28 : i1
    %and3A_30 = arith.andi %ne3A_29, %ne3A_25 : i1
    %add3A_31 = arith.addi %rem3A_23, %select_n3A_22 : i32
    %select_n3A_32 = arith.select %and3A_30, %add3A_31, %rem3A_23 : i32
    %c0_i32 = arith.constant 0 : i32
    %c0_i32_33 = arith.constant 0 : i32
    return %select_n3A, %select_n3A_32, %c0_i32 : i32, i32, i32
  }
  func.func @transform_1(%arg0: i32) -> (i32, i32, i32) {
    %add3A = arith.constant 2 : i32
    %add3A_0 = arith.addi %arg0, %add3A : i32
    %jit3A = arith.constant 4 : i32
    %div3A = arith.divsi %add3A_0, %jit3A : i32
    %sign3A = arith.constant 0 : i32
    %sign3A_1 = arith.cmpi sgt, %add3A_0, %sign3A : i32
    %sign3A_2 = arith.extui %sign3A_1 : i1 to i32
    %sign3A_3 = arith.constant 0 : i32
    %sign3A_4 = arith.cmpi slt, %add3A_0, %sign3A_3 : i32
    %sign3A_5 = arith.extui %sign3A_4 : i1 to i32
    %sign3A_6 = arith.subi %sign3A_2, %sign3A_5 : i32
    %sign3A_7 = arith.constant 0 : i32
    %sign3A_8 = arith.cmpi sgt, %jit3A, %sign3A_7 : i32
    %sign3A_9 = arith.extui %sign3A_8 : i1 to i32
    %sign3A_10 = arith.constant 0 : i32
    %sign3A_11 = arith.cmpi slt, %jit3A, %sign3A_10 : i32
    %sign3A_12 = arith.extui %sign3A_11 : i1 to i32
    %sign3A_13 = arith.subi %sign3A_9, %sign3A_12 : i32
    %ne3A = arith.cmpi ne, %sign3A_6, %sign3A_13 : i32
    %rem3A = arith.remsi %add3A_0, %jit3A : i32
    %ne3A_14 = arith.constant 0 : i32
    %ne3A_15 = arith.cmpi ne, %rem3A, %ne3A_14 : i32
    %and3A = arith.andi %ne3A, %ne3A_15 : i1
    %sub3A = arith.constant 1 : i32
    %sub3A_16 = arith.subi %div3A, %sub3A : i32
    %select_n3A = arith.select %and3A, %sub3A_16, %div3A : i32
    %c0_i32 = arith.constant 0 : i32
    %c0_i32_17 = arith.constant 0 : i32
    %c0_i32_18 = arith.constant 0 : i32
    return %select_n3A, %c0_i32, %c0_i32_17 : i32, i32, i32
  }
  func.func @transform_2(%arg0: i32) -> (i32, i32) {
    %add3A = arith.constant 2 : i32
    %add3A_0 = arith.addi %arg0, %add3A : i32
    %jit3A = arith.constant 4 : i32
    %div3A = arith.divsi %add3A_0, %jit3A : i32
    %sign3A = arith.constant 0 : i32
    %sign3A_1 = arith.cmpi sgt, %add3A_0, %sign3A : i32
    %sign3A_2 = arith.extui %sign3A_1 : i1 to i32
    %sign3A_3 = arith.constant 0 : i32
    %sign3A_4 = arith.cmpi slt, %add3A_0, %sign3A_3 : i32
    %sign3A_5 = arith.extui %sign3A_4 : i1 to i32
    %sign3A_6 = arith.subi %sign3A_2, %sign3A_5 : i32
    %sign3A_7 = arith.constant 0 : i32
    %sign3A_8 = arith.cmpi sgt, %jit3A, %sign3A_7 : i32
    %sign3A_9 = arith.extui %sign3A_8 : i1 to i32
    %sign3A_10 = arith.constant 0 : i32
    %sign3A_11 = arith.cmpi slt, %jit3A, %sign3A_10 : i32
    %sign3A_12 = arith.extui %sign3A_11 : i1 to i32
    %sign3A_13 = arith.subi %sign3A_9, %sign3A_12 : i32
    %ne3A = arith.cmpi ne, %sign3A_6, %sign3A_13 : i32
    %rem3A = arith.remsi %add3A_0, %jit3A : i32
    %ne3A_14 = arith.constant 0 : i32
    %ne3A_15 = arith.cmpi ne, %rem3A, %ne3A_14 : i32
    %and3A = arith.andi %ne3A, %ne3A_15 : i1
    %sub3A = arith.constant 1 : i32
    %sub3A_16 = arith.subi %div3A, %sub3A : i32
    %select_n3A = arith.select %and3A, %sub3A_16, %div3A : i32
    %c0_i32 = arith.constant 0 : i32
    %c0_i32_17 = arith.constant 0 : i32
    return %select_n3A, %c0_i32 : i32, i32
  }
  func.func @transform_3(%arg0: i32) -> (i32, i32) {
    %c0_i32 = arith.constant 0 : i32
    %c0_i32_0 = arith.constant 0 : i32
    %c0_i32_1 = arith.constant 0 : i32
    return %c0_i32, %c0_i32_0 : i32, i32
  }
}

module attributes {stable_mosaic.version = 14 : i64} {
  func.func @_merge_step(%arg0: memref<8192xf32, #tpu.memory_space<vmem>>, %arg1: memref<32xf32, #tpu.memory_space<vmem>>, %arg2: memref<32x128xf32, #tpu.memory_space<vmem>>, %arg3: memref<1x4096xf32, #tpu.memory_space<vmem>>, %arg4: memref<1x128xf32, #tpu.memory_space<vmem>>, %arg5: memref<1x128xf32, #tpu.memory_space<vmem>>) attributes {dimension_semantics = [], scalar_prefetch = 0 : i64, scratch_operands = 0 : i64, tpu.core_type = #tpu.core_type<tc>} {
    %get3A = arith.constant 0 : index
    %get3A_0 = vector.load %arg0[%get3A] : memref<8192xf32, #tpu.memory_space<vmem>>, vector<4096xf32>
    %get3A_1 = arith.constant 4096 : index
    %get3A_2 = vector.load %arg0[%get3A_1] : memref<8192xf32, #tpu.memory_space<vmem>>, vector<4096xf32>
    %min3A = arith.minimumf %get3A_0, %get3A_2 : vector<4096xf32>
    %get3A_3 = arith.constant 0 : index
    %get3A_4 = arith.constant 0 : index
    %get3A_5 = vector.load %arg3[%get3A_3, %get3A_4] : memref<1x4096xf32, #tpu.memory_space<vmem>>, vector<1x4096xf32>
    %get3A_6 = vector.shape_cast %get3A_5 : vector<1x4096xf32> to vector<4096xf32>
    %min3A_7 = arith.minimumf %min3A, %get3A_6 : vector<4096xf32>
    %max3A = arith.constant 0.000000e+00 : f32
    %max3A_8 = vector.broadcast %max3A : f32 to vector<4096xf32>
    %max3A_9 = arith.maximumf %min3A_7, %max3A_8 : vector<4096xf32>
    %reduce_sum3A = vector.shape_cast %max3A_9 : vector<4096xf32> to vector<1x4096xf32>
    %reduce_sum3A_10 = arith.constant dense<0.000000e+00> : vector<1xf32>
    %reduce_sum3A_11 = vector.multi_reduction <add>, %reduce_sum3A, %reduce_sum3A_10 [1] : vector<1x4096xf32> to vector<1xf32>
    %reduce_sum3A_12 = vector.shape_cast %reduce_sum3A_11 : vector<1xf32> to vector<1x1xf32>
    %reduce_sum3A_13 = vector.extract %reduce_sum3A_12[0, 0] : f32 from vector<1x1xf32>
    %get3A_14 = arith.constant 0 : index
    %get3A_15 = vector.load %arg1[%get3A_14] : memref<32xf32, #tpu.memory_space<vmem>>, vector<1xf32>
    %get3A_16 = vector.extract %get3A_15[0] : f32 from vector<1xf32>
    %get3A_17 = arith.constant 16 : index
    %get3A_18 = vector.load %arg1[%get3A_17] : memref<32xf32, #tpu.memory_space<vmem>>, vector<1xf32>
    %get3A_19 = vector.extract %get3A_18[0] : f32 from vector<1xf32>
    %add3A = arith.addf %get3A_16, %get3A_19 : f32
    %get3A_20 = arith.constant 0 : index
    %get3A_21 = arith.constant 0 : index
    %get3A_22 = vector.load %arg2[%get3A_20, %get3A_21] : memref<32x128xf32, #tpu.memory_space<vmem>>, vector<1x1xf32>
    %get3A_23 = vector.extract %get3A_22[0, 0] : f32 from vector<1x1xf32>
    %add3A_24 = arith.addf %add3A, %get3A_23 : f32
    %add3A_25 = arith.addf %add3A_24, %reduce_sum3A_13 : f32
    %mul3A = arith.constant 2.44140625E-4 : f32
    %mul3A_26 = arith.mulf %add3A_25, %mul3A : f32
    %get3A_27 = arith.constant 8 : index
    %get3A_28 = arith.constant 0 : index
    %get3A_29 = vector.load %arg2[%get3A_27, %get3A_28] : memref<32x128xf32, #tpu.memory_space<vmem>>, vector<1x1xf32>
    %get3A_30 = vector.extract %get3A_29[0, 0] : f32 from vector<1x1xf32>
    %get3A_31 = arith.constant 8 : index
    %get3A_32 = arith.constant 1 : index
    %get3A_33 = vector.load %arg2[%get3A_31, %get3A_32] : memref<32x128xf32, #tpu.memory_space<vmem>>, vector<1x1xf32>
    %get3A_34 = vector.extract %get3A_33[0, 0] : f32 from vector<1x1xf32>
    %add3A_35 = arith.addf %get3A_30, %get3A_34 : f32
    %get3A_36 = arith.constant 16 : index
    %get3A_37 = arith.constant 0 : index
    %get3A_38 = vector.load %arg2[%get3A_36, %get3A_37] : memref<32x128xf32, #tpu.memory_space<vmem>>, vector<1x1xf32>
    %get3A_39 = vector.extract %get3A_38[0, 0] : f32 from vector<1x1xf32>
    %add3A_40 = arith.addf %add3A_35, %get3A_39 : f32
    %get3A_41 = arith.constant 16 : index
    %get3A_42 = arith.constant 1 : index
    %get3A_43 = vector.load %arg2[%get3A_41, %get3A_42] : memref<32x128xf32, #tpu.memory_space<vmem>>, vector<1x1xf32>
    %get3A_44 = vector.extract %get3A_43[0, 0] : f32 from vector<1x1xf32>
    %add3A_45 = arith.addf %add3A_40, %get3A_44 : f32
    %get3A_46 = arith.constant 24 : index
    %get3A_47 = arith.constant 0 : index
    %get3A_48 = vector.load %arg2[%get3A_46, %get3A_47] : memref<32x128xf32, #tpu.memory_space<vmem>>, vector<1x1xf32>
    %get3A_49 = vector.extract %get3A_48[0, 0] : f32 from vector<1x1xf32>
    %add3A_50 = arith.addf %add3A_45, %get3A_49 : f32
    %get3A_51 = arith.constant 24 : index
    %get3A_52 = arith.constant 1 : index
    %get3A_53 = vector.load %arg2[%get3A_51, %get3A_52] : memref<32x128xf32, #tpu.memory_space<vmem>>, vector<1x1xf32>
    %get3A_54 = vector.extract %get3A_53[0, 0] : f32 from vector<1x1xf32>
    %add3A_55 = arith.addf %add3A_50, %get3A_54 : f32
    %mul3A_56 = arith.constant 2.44140625E-4 : f32
    %mul3A_57 = arith.mulf %add3A_55, %mul3A_56 : f32
    %add3A_58 = arith.addf %mul3A_26, %mul3A_57 : f32
    %mul3A_59 = arith.constant 2.500000e-01 : f32
    %mul3A_60 = arith.mulf %add3A_58, %mul3A_59 : f32
    %iota3A = tpu.iota {dimensions = array<i32: 1>} : vector<1x128xi32>
    %lt3A = arith.constant 4 : i32
    %lt3A_61 = vector.broadcast %lt3A : i32 to vector<1x128xi32>
    %lt3A_62 = arith.cmpi slt, %iota3A, %lt3A_61 : vector<1x128xi32>
    %get3A_63 = arith.constant 0 : index
    %get3A_64 = arith.constant 0 : index
    %get3A_65 = vector.load %arg4[%get3A_63, %get3A_64] : memref<1x128xf32, #tpu.memory_space<vmem>>, vector<1x128xf32>
    %jit3A = arith.constant 0.000000e+00 : f32
    %broadcast_in_dim3A = vector.broadcast %jit3A : f32 to vector<1x128xf32>
    %select_n3A = arith.select %lt3A_62, %get3A_65, %broadcast_in_dim3A : vector<1x128xi1>, vector<1x128xf32>
    %reduce_sum3A_66 = vector.shape_cast %select_n3A : vector<1x128xf32> to vector<1x1x128xf32>
    %reduce_sum3A_67 = arith.constant dense<0.000000e+00> : vector<1xf32>
    %reduce_sum3A_68 = vector.multi_reduction <add>, %reduce_sum3A_66, %reduce_sum3A_67 [1, 2] : vector<1x1x128xf32> to vector<1xf32>
    %reduce_sum3A_69 = vector.shape_cast %reduce_sum3A_68 : vector<1xf32> to vector<1x1x1xf32>
    %reduce_sum3A_70 = vector.extract %reduce_sum3A_69[0, 0, 0] : f32 from vector<1x1x1xf32>
    %mul3A_71 = arith.constant 2.500000e-01 : f32
    %mul3A_72 = arith.mulf %reduce_sum3A_70, %mul3A_71 : f32
    %add3A_73 = arith.addf %mul3A_60, %mul3A_72 : f32
    %iota3A_74 = tpu.iota {dimensions = array<i32: 1>} : vector<1x128xi32>
    %eq3A = arith.constant 0 : i32
    %eq3A_75 = vector.broadcast %eq3A : i32 to vector<1x128xi32>
    %eq3A_76 = arith.cmpi eq, %iota3A_74, %eq3A_75 : vector<1x128xi32>
    %jit3A_77 = arith.constant 0.000000e+00 : f32
    %broadcast_in_dim3A_78 = vector.broadcast %add3A_73 : f32 to vector<1x128xf32>
    %broadcast_in_dim3A_79 = vector.broadcast %jit3A_77 : f32 to vector<1x128xf32>
    %select_n3A_80 = arith.select %eq3A_76, %broadcast_in_dim3A_78, %broadcast_in_dim3A_79 : vector<1x128xi1>, vector<1x128xf32>
    %eq3A_81 = arith.constant 1 : i32
    %eq3A_82 = vector.broadcast %eq3A_81 : i32 to vector<1x128xi32>
    %eq3A_83 = arith.cmpi eq, %iota3A_74, %eq3A_82 : vector<1x128xi32>
    %jit3A_84 = arith.constant 0.000000e+00 : f32
    %broadcast_in_dim3A_85 = vector.broadcast %mul3A_60 : f32 to vector<1x128xf32>
    %broadcast_in_dim3A_86 = vector.broadcast %jit3A_84 : f32 to vector<1x128xf32>
    %select_n3A_87 = arith.select %eq3A_83, %broadcast_in_dim3A_85, %broadcast_in_dim3A_86 : vector<1x128xi1>, vector<1x128xf32>
    %add3A_88 = arith.addf %select_n3A_80, %select_n3A_87 : vector<1x128xf32>
    %eq3A_89 = arith.constant 2 : i32
    %eq3A_90 = vector.broadcast %eq3A_89 : i32 to vector<1x128xi32>
    %eq3A_91 = arith.cmpi eq, %iota3A_74, %eq3A_90 : vector<1x128xi32>
    %jit3A_92 = arith.constant 0.000000e+00 : f32
    %broadcast_in_dim3A_93 = vector.broadcast %mul3A_72 : f32 to vector<1x128xf32>
    %broadcast_in_dim3A_94 = vector.broadcast %jit3A_92 : f32 to vector<1x128xf32>
    %select_n3A_95 = arith.select %eq3A_91, %broadcast_in_dim3A_93, %broadcast_in_dim3A_94 : vector<1x128xi1>, vector<1x128xf32>
    %add3A_96 = arith.addf %add3A_88, %select_n3A_95 : vector<1x128xf32>
    %swap3A = arith.constant 0 : index
    %swap3A_97 = arith.constant 0 : index
    %swap3A_98 = vector.load %arg5[%swap3A, %swap3A_97] : memref<1x128xf32, #tpu.memory_space<vmem>>, vector<1x128xf32>
    tpu.vector_store %arg5[%swap3A, %swap3A_97], %add3A_96 {strides = array<i32>} : memref<1x128xf32, #tpu.memory_space<vmem>>, vector<1x128xf32>,
    return
  }
}

</mosaic_0001>

<sc_bundles>
// kernel: kernel.5.cloned.1.call-start
scs
__scs_entry_jumppad:
0x0: {  	(pc) =	sbr.rel $0x88, $3  }
0x1: {  	(tag) =	ssettag $0x0;
	lr =	simm.s32 $0x1  }
0x2: {  	[smem:$0x3F9E] =	sst lr;
	_ =	strace $0xD0000000  }
0x3: {  	_ = 	snop  }
0x4: {  	_ = 	snop  }
0x5: {  	_ = 	snop  }
0x6: {  	_ = 	snop  }
0x7: {  	_ = 	snop  }
__scs_overlays_trampoline_lowered:
0x8: {  	[smem:$0x3FAD] =	sst s0  }
0x9: {  	[smem:$0x3FAE] =	sst s1  }
0xa: {  	[smem:$0x3FAF] =	sst s2  }
0xb: {  	[smem:$0x3FB0] =	sst s3  }
0xc: {  	[smem:$0x3FB1] =	sst s4  }
0xd: {  	[smem:$0x3FB2] =	sst s5  }
0xe: {  	[smem:$0x3FB3] =	sst s6  }
0xf: {  	[smem:$0x3FB4] =	sst s7  }
0x10: {  	[smem:$0x3FB5] =	sst s8  }
0x11: {  	[smem:$0x3FB6] =	sst s9;
	s0 =	simm.s32 @!p0 $0x0  }
0x12: {  	s1 =	sld [smem:$0x3F9C];
	s0 =	simm.s32 @p0 $0x1  }
0x13: {  	[smem:$0x3FB7] =	sst s0;
	s0 =	simm.s32 @!p1 $0x0  }
0x14: {  	s2 =	sld [smem:$0x3F9B];
	s0 =	simm.s32 @p1 $0x1  }
0x15: {  	[smem:$0x3FB8] =	sst s0;
	s0 =	simm.s32 @!p2 $0x0  }
0x16: {  	s3 =	sld [smem:$0x3FDB];
	s0 =	simm.s32 @p2 $0x1  }
0x17: {  	s4 =	simm.s32 $0x1BF5;
	[smem:$0x3FBA] =	sst s0  }
0x18: {  	s0 =	sld [smem:$0x3F9D];
	_ =	swait.ge [sflag:s4], $0x0  }
0x19: {  	s7 =	sld [smem:$0x3F9E]  }
0x1a: {  	s8 =	sadd.s32 $0xFFFFE003, lr  }
0x1b: {  	s9 =	sadd.s32 $0xFFFFFEF7, lr;
	s5 =	simm.s32 $0xFFFFFFFF;
	p2 =	slt.u32 s8, $0xFFFFF086  }
0x1c: {  	p1 =	slt.u32 s9, $0xF7A;
	s5 =	simm.s32 @!p2 $0x0  }
0x1d: {  	s5 =	simm.s32 @p1 $0x1;
	p0 =	seq.s32 s7, s2  }
0x1e: {  	s7 =	smul.u32 @!p0 $0xF7A, s2;
	p2 =	seq.s32 @!p0 s5, $0x0  }
0x1f: {  	s9 =	smul.u32 $0xF7A, s1;
	s8 =	simm.s32 @!p0 $0x1BF5;
	p2 =	por !p2, p0  }
0x20: {  	[sflag:s8] =	ssyncset.s32 @!p0 $0xFFFFF086;
	s6 =	sadd.s32 @!p0 s3, s7;
	s7 =	simm.s32 @!p0 $0x108  }
0x21: {  	s3 =	sadd.s32 s3, s9;
	s6 =	sadd.s32 @!p0 $0x88, s6;
	s7 =	simm.s32 @p2 $0x1082  }
0x22: {  	[simem:s7], [sflag:s8] =	dma.local @!p0 [hbm:s6], $0xF7A  }
0x23: {  	s9 =	sor.u32 $0xD0000000, s2;
	s6 =	simm.s32 $0x108;
	_ =	swait.ge @!p0 [sflag:s8], $0x0  }
0x24: {  	s3 =	sadd.s32 $0x88, s3;
	s6 =	simm.s32 @!p1 $0x1082;
	[sflag:s4] =	ssyncset.s32 $0xFFFFF086  }
0x25: {  	[simem:s6], [sflag:s4] =	dma.local [hbm:s3], $0xF7A  }
0x26: {  	[smem:$0x3F9E] =	sst s1;
	(tag) =	ssettag s2;
	_ =	strace s9  }
0x27: {  	s1 =	sld [smem:$0x3FAE]  }
0x28: {  	s2 =	sld [smem:$0x3FAF]  }
0x29: {  	s4 =	sld [smem:$0x3FB1]  }
0x2a: {  	p0 =	seq.s32 s5, $0x0;
	s5 =	sld [smem:$0x3FB2]  }
0x2b: {  	s6 =	sld [smem:$0x3FB3]  }
0x2c: {  	s7 =	sld [smem:$0x3FB4]  }
0x2d: {  	s3 =	simm.s32 $0x108;
	s8 =	sld [smem:$0x3FB5]  }
0x2e: {  	s3 =	simm.s32 @!p0 $0x1082;
	s9 =	sld [smem:$0x3FB6]  }
0x2f: {  	lr =	sadd.s32 s0, s3;
	s0 =	sld [smem:$0x3FAD]  }
0x30: {  	s3 =	sld [smem:$0x3FB0]  }
0x31: {  	[smem:$0x3FB9] =	sst s10  }
0x32: {  	s10 =	sld [smem:$0x3FB7];
	_ =	sdelay $0x3  }
0x33: {  	p0 =	seq.s32 s10, $0x1;
	s10 =	sld [smem:$0x3FB9];
	_ =	sdelay $0x3  }
0x34: {  	[smem:$0x3FB9] =	sst s10  }
0x35: {  	s10 =	sld [smem:$0x3FB8];
	_ =	sdelay $0x3  }
0x36: {  	p1 =	seq.s32 s10, $0x1;
	s10 =	sld [smem:$0x3FB9];
	_ =	sdelay $0x3  }
0x37: {  	[smem:$0x3FB9] =	sst s10  }
0x38: {  	s10 =	sld [smem:$0x3FBA]  }
0x39: {  	_ = 	snop;
	(pc) =	sbr.ind lr, $3  }
0x3a: {  	_ = 	snop  }
0x3b: {  	_ = 	snop  }
0x3c: {  	p2 =	seq.s32 s10, $0x1;
	s10 =	sld [smem:$0x3FB9]  }
0x3d: {  	_ =	shalt  }
0x3e: {  	_ =	shalt  }
0x3f: {  	_ =	shalt  }
0x40: {  	_ =	shalt  }
0x41: {  	_ =	shalt  }
0x42: {  	_ =	shalt  }
0x43: {  	_ =	shalt  }
0x44: {  	_ =	shalt  }
0x45: {  	_ =	shalt  }
0x46: {  	_ =	shalt  }
0x47: {  	_ =	shalt  }
0x48: {  	_ =	shalt  }
0x49: {  	_ =	shalt  }
0x4a: {  	_ =	shalt  }
0x4b: {  	_ =	shalt  }
0x4c: {  	_ =	shalt  }
0x4d: {  	_ =	shalt  }
0x4e: {  	_ =	shalt  }
0x4f: {  	_ =	shalt  }
0x50: {  	_ =	shalt  }
0x51: {  	_ =	shalt  }
0x52: {  	_ =	shalt  }
0x53: {  	_ =	shalt  }
0x54: {  	_ =	shalt  }
0x55: {  	_ =	shalt  }
0x56: {  	_ =	shalt  }
0x57: {  	_ =	shalt  }
0x58: {  	_ =	shalt  }
0x59: {  	_ =	shalt  }
0x5a: {  	_ =	shalt  }
0x5b: {  	_ =	shalt  }
0x5c: {  	_ =	shalt  }
0x5d: {  	_ =	shalt  }
0x5e: {  	_ =	shalt  }
0x5f: {  	_ =	shalt  }
0x60: {  	_ =	shalt  }
0x61: {  	_ =	shalt  }
0x62: {  	_ =	shalt  }
0x63: {  	_ =	shalt  }
0x64: {  	_ =	shalt  }
0x65: {  	_ =	shalt  }
0x66: {  	_ =	shalt  }
0x67: {  	_ =	shalt  }
0x68: {  	_ =	shalt  }
0x69: {  	_ =	shalt  }
0x6a: {  	_ =	shalt  }
0x6b: {  	_ =	shalt  }
0x6c: {  	_ =	shalt  }
0x6d: {  	_ =	shalt  }
0x6e: {  	_ =	shalt  }
0x6f: {  	_ =	shalt  }
0x70: {  	_ =	shalt  }
0x71: {  	_ =	shalt  }
0x72: {  	_ =	shalt  }
0x73: {  	_ =	shalt  }
0x74: {  	_ =	shalt  }
0x75: {  	_ =	shalt  }
0x76: {  	_ =	shalt  }
0x77: {  	_ =	shalt  }
0x78: {  	_ =	shalt  }
0x79: {  	_ =	shalt  }
0x7a: {  	_ =	shalt  }
0x7b: {  	_ =	shalt  }
0x7c: {  	_ =	shalt  }
0x7d: {  	_ =	shalt  }
0x7e: {  	_ =	shalt  }
0x7f: {  	_ =	shalt  }
0x80: {  	_ =	shalt  }
0x81: {  	_ =	shalt  }
0x82: {  	_ =	shalt  }
0x83: {  	_ =	shalt  }
0x84: {  	_ =	shalt  }
0x85: {  	_ =	shalt  }
0x86: {  	_ =	shalt  }
0x87: {  	_ =	shalt  }
.Lfunc_end0:
.L_simem_size_0:
called_computation_lowered:
.L_overlay_start_0:
0x88: {  	s2 =	sld [smem:$0x3FD9]  }
0x89: {  	s3 =	sld [smem:$0x3FFE];
	_ =	sdelay $0x1  }
0x8a: {  	s1 =	srdreg.scid  }
0x8b: {  	s0 =	sand.u32 $0x1, s1  }
0x8c: {  	s14 =	sshll.u32 s0, $0xA;
	s2 =	sadd.s32 s3, s2  }
0x8d: {  	s2 =	sadd.s32 s2, s14  }
0x8e: {  	[smem:$0x3FC5] =	sst s2  }
0x8f: {  	_ = 	snop  }
0x90: {  	s2 =	sld [smem:$0x3FD0];
	_ =	sdelay $0x2  }
0x91: {  	s15 =	simm.s32 $0xA;
	s4 =	simm.s32 $0x10  }
0x92: {  	[smem:s4], [sflag:s15] =	dma.local [hbm:s2], $0x1  }
0x93: {  	_ =	swait.eq [sflag:s15], $0x1  }
0x94: {  	[sflag:s15] =	ssyncset.done $0x0  }
0x95: {  	[sflag:s15] =	ssyncadd.s32 $0xFFFFFFFF  }
0x96: {  	s16 =	sld [smem:$0x10];
	(tm) =	ssettm $0x1  }
0x97: {  	s17 =	sld [smem:$0x3FFB];
	_ =	sdelay $0x3  }
0x98: {  	_ =	strace s17  }
0x99: {  	s3 =	sld [smem:$0x3FFC];
	_ =	sdelay $0x3  }
0x9a: {  	_ =	strace s3  }
0x9b: {  	s3 =	sld [smem:$0x3FFD];
	_ =	sdelay $0x3  }
0x9c: {  	_ =	strace s3  }
0x9d: {  	_ =	strace $0x8FFFFFFF  }
0x9e: {  	s18 =	sld [smem:$0x3FDB];
	_ =	sdelay $0x1  }
0x9f: {  	s19 =	simm.s32 $_scs_section_size  }
0xa0: {  	s5 =	simm.s32 $_size__tile_overlayer_lowered;
	s6 =	simm.s32 $_tile_overlayer_lowered  }
0xa1: {  	s22 =	simm.s32 $0x1BFF;
	s21 =	sshll.u32 s6, $0x1;
	s3 =	sadd.s32 s19, s18  }
0xa2: {  	s7 =	simm.s32 $0x0;
	s20 =	sshll.u32 s5, $0x1;
	s5 =	sadd.s32 s21, s3  }
0xa3: {  	[timem:s7], [sflag:s22] =	dma.local [hbm:s5], s20  }
0xa4: {  	_ =	swait.ge [sflag:s22], s20  }
0xa5: {  	s4 =	ssub.s32 $0x0, s20;
	[sflag:s22] =	ssyncset.done $0x0  }
0xa6: {  	[sflag:s22] =	ssyncadd.s32 s4;
	_ =	sdelay $0x1  }
0xa7: {  	s23 =	simm.s32 $0x1B8B  }
0xa8: {  	_ =	swait.ge [sflag:s23], $0x1  }
0xa9: {  	[sflag:s23] =	ssyncset.done $0x0  }
0xaa: {  	s25 =	simm.s32 $0x1B8E;
	s24 =	sld [smem:$0x3FFE];
	[sflag:s23] =	ssyncadd.s32 $0xFFFFFFFF  }
0xab: {  	s26 =	simm.s32 $execute0_lowered;
	[smem:$0x3FD2] =	sst s25  }
0xac: {  	s5 =	sshll.u32 s26, $0x1;
	_ =	strace $0x80000046;
	[dreg:$0x1] =	wrdreg $0xFFFFFFFF  }
0xad: {  	s28 =	simm.s32 $_size_execute0_lowered;
	s3 =	sadd.s32 s3, s5;
	[dreg:$0x0] =	wrdreg $0x0  }
0xae: {  	s5 =	sshll.u32 s28, $0x1;
	[dreg:$0x2] =	wrdreg s3  }
0xaf: {  	[dreg:$0x3] =	wrdreg s5  }
0xb0: {  	[dreg:$0x4] =	wrdreg $0xC0  }
0xb1: {  	_ =	task [dreg:s7], $0x5FFFF  }
0xb2: {  	[dreg:$0x1] =	wrdreg $0xFFFFFFFF  }
0xb3: {  	[dreg:$0x0] =	wrdreg $0x60  }
0xb4: {  	[dreg:$0x2] =	wrdreg s24  }
0xb5: {  	[dreg:$0x3] =	wrdreg s16  }
0xb6: {  	[dreg:$0x4] =	wrdreg $0x93000  }
0xb7: {  	[dreg:$0x5] =	wrdreg $0xA3000  }
0xb8: {  	[dreg:$0x6] =	wrdreg $0x9  }
0xb9: {  	_ =	task.clear_ibuf [dreg:s7], $0x7FFFF;
	_ =	strace $0x90000046  }
0xba: {  	s29 =	simm.s32 $0x9;
	_ =	strace $0x80000048  }
0xbb: {  	_ =	swait.ge [sflag:s29], $0x1  }
0xbc: {  	[sflag:s29] =	ssyncadd.s32 $0xFFFFFFFF  }
0xbd: {  	_ =	strace $0x90000048  }
0xbe: {  	_ =	sfence  }
0xbf: {  	s30 =	sld [smem:$0x0];
	_ =	sdelay $0x2  }
0xc0: {  	s31 =	sshll.u32 s1, $0xD;
	s1 =	sshrl.u32 s1, $0x2  }
0xc1: {  	s3 =	sand.u32 $0x4000, s31;
	s1 =	sadd.s32 s1, s30  }
0xc2: {  	s0 =	sor.u32 s3, s0;
	s1 =	sshll.u32 s1, $0x11  }
0xc3: {  	s0 =	sor.u32 s1, s0  }
0xc4: {  	s0 =	sadd.s32 $0x8F2B, s0  }
0xc5: {  	[sflag:s0] =	ssyncadd.remote.s32 $0x1  }
0xc6: {  	_ =	sfence.sel $0xFFFF  }
0xc7: {  	[dreg:$0x0] =	wrdreg $0xFFFFFFFF;
	(pc) =	sbr.abs _section_cstart, $3  }
0xc8: {  	[dreg:$0x1] =	wrdreg $0xFFFFFFFF  }
0xc9: {  	_ =	task.clear_ibuf [dreg:s7], $0x2FFFF;
	_ =	strace $0x9FFFFFFF  }
0xca: {  	(tm) =	ssettm $0x7FFFFFFF  }
0xcb: {  	_ =	shalt  }
tec
execute0_lowered:
.L_overlay_start_1:
0x0: {  	(tag) =	ssettag $0x1  }
0x1: {  	s0 =	rddreg [dreg:$0x0]  }
0x2: {  	s1 =	rddreg [dreg:$0x1]  }
0x3: {  	s3 =	rddreg [dreg:$0x2]  }
0x4: {  	s24 =	rddreg [dreg:$0x3];
	s2 =	simm.s32 $0x0  }
0x5: {  	s4 =	srdreg.scid;
	s5 =	stileid.u32;
	s31 =	simm.s32 $0x0  }
0x6: {  	[smem:$0x7FF] =	sst s2;
	s4 =	sand.u32 $0x1, s4;
	s7 =	sshll.u32 s5, $0x3  }
0x7: {  	s16 =	sshll.u32 s5, $0x8;
	s10 =	sadd.s32 $0x1400, s0;
	s20 =	sadd.s32 $0x1600, s0  }
0x8: {  	s21 =	sshll.u32 s5, $0xC;
	s26 =	sshll.u32 s5, $0x4;
	p0 =	sne.s32 s5, $0x0  }
0x9: {  	_ =	strace $0x80000047;
	s6 =	sshll.u32 s4, $0x7;
	[dreg:$0x5] =	wrdreg s10  }
0xa: {  	s8 =	sshll.u32 s4, $0xC;
	s9 =	ssub.s32 $0x2, s4;
	[dreg:$0x8] =	wrdreg s20  }
0xb: {  	s10 =	sadd.s32 s21, s3;
	s22 =	sshll.u32 s4, $0x1;
	s24 =	sadd.s32 s26, s24  }
0xc: {  	s6 =	sor.u32 s7, s6;
	s8 =	sor.u32 s16, s8;
	s17 =	sshrl.u32 s9, $0x1  }
0xd: {  	s21 =	sadd.s32 s1, s22;
	s1 =	simm.s32 $0x0;
	s6 =	sadd.s32 s6, s0  }
0xe: {  	s8 =	sshrl.u32 s8, $0x3;
	s25 =	ssub.s32 s9, s17;
	s9 =	sadd.s32 s16, s3  }
0xf: {  	s23 =	sadd.s32 s8, s0;
	s18 =	sadd.s32 $0x1A00, s6;
	s19 =	sadd.s32 $0x1B00, s6  }
0x10: {  	s6 =	sadd.s32 $0x1C00, s6;
	s0 =	sadd.s32 $0x1800, s0;
	s11 =	sadd.s32 $0x1000, s9  }
0x11: {  	s12 =	sadd.s32 $0x2000, s9;
	s13 =	sadd.s32 $0x3000, s9;
	s14 =	sadd.s32 $0x4000, s9  }
0x12: {  	s15 =	sadd.s32 $0x5000, s9;
	s16 =	sadd.s32 $0x6000, s9;
	s17 =	sadd.s32 $0x7000, s9  }
0x13: {  	s20 =	sadd.s32 $0xA000, s9;
	s22 =	sadd.s32 $0xB000, s9;
	[dreg:$0x6] =	wrdreg s18  }
0x14: {  	s25 =	smax.u32 s25, $0x1;
	s26 =	sadd.s32 $0xC000, s9;
	[dreg:$0x7] =	wrdreg s19  }
0x15: {  	s28 =	sadd.s32 $0xD000, s9;
	s29 =	sadd.s32 $0xE000, s9;
	[dreg:$0x9] =	wrdreg s6  }
0x16: {  	s30 =	sadd.s32 $0xF000, s9;
	[dreg:$0xa] =	wrdreg s0;
	s18 =	sadd.s32 $0x8000, s9  }
0x17: {  	v14 =	vimm.f32 $3.000000010e+38;
	vm0 =	vmmov $0x1;
	s19 =	sadd.s32 $0x9000, s9;
	s23 =	sadd.s32 $0x1E00, s23;
	s0 =	simm.s32 $0x1  }
.LBB2_1:
0x18: {  	s3 =	rddreg [dreg:$0x6];
	s4 =	simm.s32 $0x8180  }
0x19: {  	[tilespmem:s4], [sflag:$0x1] =	stream.linear.gather [hbm4b:s3+s2], $0x40, $0x38;
	[tilespmem:$0xA310] =	vst v63  }
0x1a: {  	_ =	swait.ge [sflag:s0], $0x40  }
0x1b: {  	[sflag:s0] =	ssyncset.done $0x0  }
0x1c: {  	s8 =	simm.s32 $0x4180;
	s7 =	rddreg [dreg:$0x5];
	[sflag:s0] =	ssyncadd.s32 $0xFFFFFFC0  }
0x1d: {  	[tilespmem:s8], [sflag:$0x1] =	stream.linear.gather [hbm4b:s7+s2], $0x1000, $0x38;
	[tilespmem:$0xA310] =	vst v63  }
0x1e: {  	_ =	swait.ge [sflag:s0], $0x1000  }
0x1f: {  	[sflag:s0] =	ssyncset.done $0x0  }
0x20: {  	s6 =	simm.s32 $0x81C0;
	s5 =	rddreg [dreg:$0x7];
	[sflag:s0] =	ssyncadd.s32 $0xFFFFF000  }
0x21: {  	[tilespmem:s6], [sflag:$0x1] =	stream.linear.gather [hbm4b:s5+s2], $0x40, $0x38;
	[tilespmem:$0xA310] =	vst v63  }
0x22: {  	_ =	swait.ge [sflag:s0], $0x40  }
0x23: {  	[sflag:s0] =	ssyncset.done $0x0  }
0x24: {  	s8 =	simm.s32 $0x5180;
	s7 =	rddreg [dreg:$0x8];
	[sflag:s0] =	ssyncadd.s32 $0xFFFFFFC0  }
0x25: {  	[tilespmem:s8], [sflag:$0x1] =	stream.linear.gather [hbm4b:s7+s2], $0x1000, $0x38;
	[tilespmem:$0xA310] =	vst v63  }
0x26: {  	_ =	swait.ge [sflag:s0], $0x1000  }
0x27: {  	[sflag:s0] =	ssyncset.done $0x0  }
0x28: {  	s6 =	simm.s32 $0x8200;
	s5 =	rddreg [dreg:$0x9];
	[sflag:s0] =	ssyncadd.s32 $0xFFFFF000  }
0x29: {  	[tilespmem:s6], [sflag:$0x1] =	stream.linear.gather [hbm4b:s5+s2], $0x40, $0x38;
	[tilespmem:$0xA310] =	vst v63  }
0x2a: {  	_ =	swait.ge [sflag:s0], $0x40  }
0x2b: {  	[sflag:s0] =	ssyncset.done $0x0  }
0x2c: {  	s8 =	simm.s32 $0x6180;
	s7 =	rddreg [dreg:$0xa];
	[sflag:s0] =	ssyncadd.s32 $0xFFFFFFC0  }
0x2d: {  	[tilespmem:s8], [sflag:$0x1] =	stream.linear.gather [hbm4b:s7+s2], $0x1000, $0x38;
	[tilespmem:$0xA310] =	vst v63  }
0x2e: {  	_ =	swait.ge [sflag:s0], $0x1000  }
0x2f: {  	[sflag:s0] =	ssyncset.done $0x0  }
0x30: {  	[sflag:s0] =	ssyncadd.s32 $0xFFFFF000  }
0x31: {  	v0 =	vld [tilespmem:$0x8180]  }
0x32: {  	v1 =	vld [tilespmem:$0x81C0]  }
0x33: {  	v2 =	vld [tilespmem:$0x8200]  }
0x34: {  	v6 =	vld [tilespmem:$0x81D0];
	_ =	sdelay $0x3  }
0x35: {  	v3 =	vshrl.u32 v0, $0x10;
	v4 =	vshrl.u32 v1, $0x10  }
0x36: {  	v7 =	vshrl.u32 v2, $0x10;
	v8 =	vshrl.u32 v6, $0x10;
	v3 =	vand.u32 $0x1, v3  }
0x37: {  	v5 =	vld [tilespmem:$0x8190];
	v4 =	vand.u32 $0x1, v4;
	v8 =	vand.u32 $0x1, v8;
	v3 =	vadd.s32 v3, v0  }
0x38: {  	v4 =	vadd.s32 v4, v1;
	v0 =	vmul.f32 v0, v0;
	v1 =	vmul.f32 v1, v1  }
0x39: {  	v7 =	vand.u32 $0x1, v7;
	v8 =	vadd.s32 v8, v6;
	v6 =	vmul.f32 v6, v6  }
0x3a: {  	v0 =	vadd.f32 v1, v0;
	v1 =	vmul.f32 v2, v2;
	v2 =	vadd.s32 v7, v2;
	v7 =	vld [tilespmem:$0x8210]  }
0x3b: {  	v3 =	vadd.s32 $0x7FFF, v3;
	v4 =	vadd.s32 $0x7FFF, v4;
	v8 =	vadd.s32 $0x7FFF, v8  }
0x3c: {  	v3 =	vand.u32 $0xFFFF0000, v3;
	v0 =	vadd.f32 v1, v0;
	v1 =	vshrl.u32 v5, $0x10  }
0x3d: {  	v9 =	vld [tilespmem:$0x81A0];
	v4 =	vand.u32 $0xFFFF0000, v4;
	v8 =	vand.u32 $0xFFFF0000, v8;
	v1 =	vand.u32 $0x1, v1  }
0x3e: {  	v10 =	vld [tilespmem:$0x81E0];
	v2 =	vadd.s32 $0x7FFF, v2;
	v1 =	vadd.s32 v1, v5;
	v5 =	vmul.f32 v5, v5  }
0x3f: {  	v2 =	vand.u32 $0xFFFF0000, v2;
	v1 =	vadd.s32 $0x7FFF, v1;
	v11 =	vshrl.u32 v7, $0x10  }
0x40: {  	v12 =	vld [tilespmem:$0x8220];
	v11 =	vand.u32 $0x1, v11;
	v5 =	vadd.f32 v6, v5;
	v6 =	vmul.f32 v7, v7  }
0x41: {  	v0 =	vmul.f32 $5.000000000e-01, v0;
	v1 =	vand.u32 $0xFFFF0000, v1;
	v7 =	vadd.s32 v11, v7  }
0x42: {  	v13 =	vld [tilespmem:$0x81B0];
	v7 =	vadd.s32 $0x7FFF, v7;
	v5 =	vadd.f32 v6, v5;
	v6 =	vshrl.u32 v9, $0x10  }
0x43: {  	[tilespmem:$0x0] =	vst v3;
	v11 =	vshrl.u32 v10, $0x10;
	v7 =	vand.u32 $0xFFFF0000, v7;
	v6 =	vand.u32 $0x1, v6  }
0x44: {  	[tilespmem:$0x40] =	vst v4;
	v3 =	vmul.f32 $5.000000000e-01, v5;
	v5 =	vadd.s32 v6, v9;
	v6 =	vand.u32 $0x1, v11  }
0x45: {  	[tilespmem:$0x80] =	vst v2;
	v4 =	vadd.s32 $0x7FFF, v5;
	v5 =	vadd.s32 v6, v10;
	v6 =	vshrl.u32 v12, $0x10  }
0x46: {  	[tilespmem:$0x100] =	vst v0;
	v2 =	vand.u32 $0x1, v6;
	v6 =	vmul.f32 v9, v9;
	v9 =	vmul.f32 v10, v10;
	v10 =	vld [tilespmem:$0x81F0]  }
0x47: {  	[tilespmem:$0x90] =	vst v7;
	v7 =	vmul.f32 v13, v13;
	v0 =	vand.u32 $0xFFFF0000, v4;
	v4 =	vadd.s32 $0x7FFF, v5  }
0x48: {  	[tilespmem:$0x10] =	vst v1;
	v5 =	vmul.f32 v12, v12;
	v2 =	vadd.s32 v2, v12;
	v1 =	vadd.f32 v9, v6;
	v6 =	vld [tilespmem:$0x8230]  }
0x49: {  	v4 =	vand.u32 $0xFFFF0000, v4;
	v9 =	vshrl.u32 v13, $0x10;
	v2 =	vadd.s32 $0x7FFF, v2  }
0x4a: {  	[tilespmem:$0x50] =	vst v8;
	v8 =	vand.u32 $0x1, v9;
	v2 =	vand.u32 $0xFFFF0000, v2;
	v1 =	vadd.f32 v5, v1  }
0x4b: {  	[tilespmem:$0x110] =	vst v3;
	v5 =	vadd.s32 v8, v13;
	v3 =	vshrl.u32 v10, $0x10;
	v8 =	vmul.f32 v10, v10  }
0x4c: {  	[tilespmem:$0x20] =	vst v0;
	v0 =	vmul.f32 $5.000000000e-01, v1;
	v1 =	vadd.s32 $0x7FFF, v5;
	v3 =	vand.u32 $0x1, v3  }
0x4d: {  	[tilespmem:$0x60] =	vst v4;
	v4 =	vshrl.u32 v6, $0x10;
	v5 =	vadd.f32 v8, v7;
	v7 =	vmul.f32 v6, v6  }
0x4e: {  	[tilespmem:$0xA0] =	vst v2;
	v1 =	vand.u32 $0xFFFF0000, v1;
	v2 =	vadd.s32 v3, v10;
	v3 =	vand.u32 $0x1, v4  }
0x4f: {  	[tilespmem:$0x120] =	vst v0;
	v0 =	vadd.s32 $0x7FFF, v2;
	v2 =	vadd.s32 v3, v6;
	v3 =	vadd.f32 v7, v5  }
0x50: {  	[tilespmem:$0x30] =	vst v1;
	v0 =	vand.u32 $0xFFFF0000, v0;
	v1 =	vadd.s32 $0x7FFF, v2  }
0x51: {  	[tilespmem:$0x70] =	vst v0;
	v0 =	vand.u32 $0xFFFF0000, v1;
	v1 =	vmul.f32 $5.000000000e-01, v3  }
0x52: {  	[tilespmem:$0xB0] =	vst v0  }
0x53: {  	s4 =	simm.s32 $0x0;
	[tilespmem:$0x130] =	vst v1  }
0x54: {  	v0 =	vld [tilespmem:s4+$0x4180]  }
0x55: {  	v1 =	vld [tilespmem:s4+$0x5180]  }
0x56: {  	v2 =	vld [tilespmem:s4+$0x6180];
	_ =	sdelay $0x3  }
0x57: {  	s3 =	simm.s32 $0x10;
	[tilespmem:s4+$0x7180] =	vst v14;
	v4 =	vshrl.u32 v0, $0x10;
	v6 =	vmul.f32 v0, v0;
	v7 =	vmul.f32 v1, v1  }
0x58: {  	v3 =	vld [tilespmem:s3+$0x4180];
	v5 =	vshrl.u32 v1, $0x10;
	v9 =	vshrl.u32 v2, $0x10;
	v8 =	vand.u32 $0x1, v4  }
0x59: {  	v5 =	vand.u32 $0x1, v5;
	v4 =	vld [tilespmem:s3+$0x5180];
	v6 =	vadd.f32 v7, v6;
	v7 =	vmul.f32 v2, v2  }
0x5a: {  	v0 =	vadd.s32 v8, v0;
	v5 =	vadd.s32 v5, v1;
	v8 =	vand.u32 $0x1, v9  }
0x5b: {  	v1 =	vld [tilespmem:s3+$0x6180];
	v0 =	vadd.s32 $0x7FFF, v0;
	v2 =	vadd.s32 v8, v2;
	v6 =	vadd.f32 v7, v6  }
0x5c: {  	[tilespmem:s3+$0x7180] =	vst v14;
	v5 =	vadd.s32 $0x7FFF, v5;
	v0 =	vand.u32 $0xFFFF0000, v0;
	v8 =	vadd.s32 $0x7FFF, v2  }
0x5d: {  	[tilespmem:s4+$0x180] =	vst v0;
	v0 =	vand.u32 $0xFFFF0000, v5;
	v5 =	vshrl.u32 v3, $0x10;
	v9 =	vmul.f32 $5.000000000e-01, v6  }
0x5e: {  	s5 =	simm.s32 $0x20;
	[tilespmem:s4+$0x1180] =	vst v0;
	v6 =	vshrl.u32 v4, $0x10;
	v0 =	vmul.f32 v3, v3;
	v7 =	vmul.f32 v4, v4  }
0x5f: {  	s6 =	simm.s32 $0xC0;
	v8 =	vand.u32 $0xFFFF0000, v8;
	v5 =	vand.u32 $0x1, v5;
	v2 =	vld [tilespmem:s5+$0x4180];
	v6 =	vand.u32 $0x1, v6;
	[tilespmem:s4+$0x3180] =	vst v9  }
.LBB2_2:
0x60: {  	p1 =	sne.s32 s6, $0x3FC0;
	v9 =	vld [tilespmem:s5+$0x5180];
	v10 =	vshrl.u32 v1, $0x10;
	v0 =	vadd.f32 v7, v0;
	v7 =	vmul.f32 v1, v1;
	[tilespmem:s4+$0x2180] =	vst v8;
	s4 =	smov.u32 s3;
	s3 =	smov.u32 s5  }
0x61: {  	v3 =	vadd.s32 v5, v3;
	v4 =	vadd.s32 v6, v4;
	[tilespmem:s3+$0x7180] =	vst v14;
	v5 =	vand.u32 $0x1, v10  }
.Ltmp0:
0x62: {  	v12 =	vadd.s32 $0x7FFF, v3;
	v5 =	vadd.s32 v5, v1;
	v1 =	vld [tilespmem:s3+$0x6180];
	v0 =	vadd.f32 v7, v0;
	(pc) =	sbr.rel @p1 .LBB2_2-.Ltmp0, $4  }
0x63: {  	v6 =	vand.u32 $0xFFFF0000, v12;
	v12 =	vadd.s32 $0x7FFF, v4;
	v8 =	vadd.s32 $0x7FFF, v5  }
0x64: {  	v11 =	vand.u32 $0xFFFF0000, v12;
	v5 =	vshrl.u32 v2, $0x10;
	[tilespmem:s4+$0x180] =	vst v6;
	v10 =	vmul.f32 $5.000000000e-01, v0;
	v3 =	vmovc v2  }
0x65: {  	s5 =	sshra.s32 s6, $0x2;
	v6 =	vshrl.u32 v9, $0x10;
	v0 =	vmul.f32 v2, v3;
	v7 =	vmul.f32 v9, v9;
	[tilespmem:s4+$0x1180] =	vst v11;
	v4 =	vmovc v9  }
0x66: {  	s6 =	sadd.s32 $0x40, s6;
	v8 =	vand.u32 $0xFFFF0000, v8;
	v5 =	vand.u32 $0x1, v5;
	v2 =	vld [tilespmem:s5+$0x4180];
	v6 =	vand.u32 $0x1, v6;
	[tilespmem:s4+$0x3180] =	vst v10  }
0x67: {  	v10 =	vshrl.u32 v1, $0x10;
	v0 =	vadd.f32 v7, v0  }
0x68: {  	v9 =	vld [tilespmem:s5+$0x5180];
	[tilespmem:s4+$0x2180] =	vst v8;
	v47 =	vmul.f32 v1, v1;
	v3 =	vadd.s32 v5, v3;
	v4 =	vadd.s32 v6, v4  }
0x69: {  	v48 =	vand.u32 $0x1, v10;
	v49 =	vld [tilespmem:s5+$0x6180];
	v3 =	vadd.s32 $0x7FFF, v3;
	v4 =	vadd.s32 $0x7FFF, v4  }
0x6a: {  	v50 =	vadd.s32 v48, v1;
	v0 =	vadd.f32 v47, v0;
	v3 =	vand.u32 $0xFFFF0000, v3  }
0x6b: {  	v4 =	vand.u32 $0xFFFF0000, v4;
	v1 =	vadd.s32 $0x7FFF, v50;
	v51 =	vshrl.u32 v2, $0x10  }
0x6c: {  	v52 =	vmul.f32 v2, v2;
	v0 =	vmul.f32 $5.000000000e-01, v0;
	v1 =	vand.u32 $0xFFFF0000, v1  }
0x6d: {  	[tilespmem:s5+$0x7180] =	vst v14;
	v53 =	vmul.f32 v9, v9;
	v54 =	vshrl.u32 v9, $0x10;
	v5 =	vand.u32 $0x1, v51  }
0x6e: {  	[tilespmem:s3+$0x180] =	vst v3;
	v55 =	vand.u32 $0x1, v54;
	v56 =	vmul.f32 v49, v49;
	v58 =	vadd.s32 v5, v2  }
0x6f: {  	[tilespmem:s3+$0x1180] =	vst v4;
	v57 =	vshrl.u32 v49, $0x10;
	v7 =	vadd.f32 v53, v52;
	v2 =	vadd.s32 $0x7FFF, v58  }
0x70: {  	[tilespmem:s3+$0x2180] =	vst v1;
	v59 =	vadd.s32 v55, v9;
	v61 =	vand.u32 $0x1, v57;
	v2 =	vand.u32 $0xFFFF0000, v2  }
0x71: {  	[tilespmem:s3+$0x3180] =	vst v0;
	v0 =	vadd.s32 $0x7FFF, v59;
	v1 =	vadd.s32 v61, v49;
	v60 =	vadd.f32 v56, v7  }
0x72: {  	[tilespmem:s5+$0x180] =	vst v2;
	v0 =	vand.u32 $0xFFFF0000, v0;
	v1 =	vadd.s32 $0x7FFF, v1  }
0x73: {  	[tilespmem:s5+$0x1180] =	vst v0;
	v63 =	vand.u32 $0xFFFF0000, v1;
	v62 =	vmul.f32 $5.000000000e-01, v60  }
0x74: {  	[tilespmem:s5+$0x2180] =	vst v63  }
0x75: {  	v16 =	vimm.f32 $0.0e+00;
	s3 =	simm.s32 $0x0;
	[tilespmem:s5+$0x3180] =	vst v62  }
.LBB2_4:
0x76: {  	s4 =	sshll.u32 s3, $0x4  }
0x77: {  	v4 =	vld [tilespmem:s4+$0x0]  }
0x78: {  	v5 =	vld [tilespmem:s4+$0x40]  }
0x79: {  	v6 =	vld [tilespmem:s4+$0x80]  }
0x7a: {  	v3 =	vld [tilespmem:s4+$0x100];
	_ =	sdelay $0x3  }
0x7b: {  	v31 =	vbroadcast v4, $0x0;
	v34 =	vbroadcast v5, $0x0  }
0x7c: {  	v18 =	vbroadcast v6, $0x0;
	v19 =	vbroadcast v3, $0x0  }
0x7d: {  	v32 =	vbroadcast v4, $0x1;
	v35 =	vbroadcast v5, $0x1  }
0x7e: {  	v21 =	vbroadcast v6, $0x1;
	v23 =	vbroadcast v3, $0x1  }
0x7f: {  	v61 =	vbroadcast v4, $0x2;
	v37 =	vbroadcast v5, $0x2  }
0x80: {  	v22 =	vbroadcast v6, $0x2;
	v27 =	vbroadcast v3, $0x2  }
0x81: {  	v62 =	vbroadcast v4, $0x3;
	v57 =	vbroadcast v5, $0x3  }
0x82: {  	v25 =	vbroadcast v6, $0x3;
	v33 =	vbroadcast v3, $0x3  }
0x83: {  	v63 =	vbroadcast v4, $0x4;
	v39 =	vbroadcast v5, $0x4  }
0x84: {  	v20 =	vbroadcast v6, $0x4;
	v36 =	vbroadcast v3, $0x4  }
0x85: {  	s7 =	sand.u32 $0xFF0, s31;
	v40 =	vbroadcast v4, $0x5;
	v41 =	vbroadcast v5, $0x5  }
0x86: {  	s5 =	simm.s32 $0x3180;
	v0 =	vld [tilespmem:s7+$0x2180];
	v24 =	vbroadcast v6, $0x5;
	v42 =	vbroadcast v3, $0x5  }
0x87: {  	s6 =	simm.s32 $0x180;
	v1 =	vld [tilespmem:s5+$0x0];
	v43 =	vbroadcast v4, $0x6;
	v28 =	vbroadcast v5, $0x6  }
0x88: {  	v2 =	vld [tilespmem:s6+$0x0];
	v26 =	vbroadcast v6, $0x6;
	v58 =	vbroadcast v3, $0x6  }
0x89: {  	[tilespmem:$0x1FF30] =	vst v4;
	v56 =	vbroadcast v4, $0x7;
	v30 =	vbroadcast v5, $0x7  }
0x8a: {  	[tilespmem:$0x1FF40] =	vst v5;
	v29 =	vbroadcast v6, $0x7;
	v38 =	vbroadcast v3, $0x7  }
0x8b: {  	[tilespmem:$0x1FF60] =	vst v3;
	v3 =	vmul.f32 v0, v18;
	v4 =	vmul.f32 v0, v21  }
0x8c: {  	[tilespmem:$0x1FF50] =	vst v6;
	v5 =	vld [tilespmem:s7+$0x1180];
	v6 =	vadd.f32 v1, v19;
	v7 =	vmul.f32 v0, v22;
	v8 =	vmul.f32 v0, v25  }
0x8d: {  	v9 =	vmul.f32 v2, v31;
	v10 =	vmul.f32 v2, v32;
	v11 =	vadd.f32 v1, v23  }
0x8e: {  	v12 =	vmul.f32 v2, v61;
	v13 =	vadd.f32 v1, v27;
	v14 =	vmul.f32 v2, v62  }
0x8f: {  	[tilespmem:$0x1FF20] =	vst v16;
	v15 =	vadd.f32 v1, v33;
	v16 =	vmul.f32 v2, v63;
	v17 =	vmul.f32 v2, v40  }
0x90: {  	v46 =	vadd.f32 v1, v36;
	v47 =	vmul.f32 v2, v43;
	v2 =	vmul.f32 v2, v56  }
0x91: {  	v50 =	vadd.f32 v1, v42;
	v48 =	vmul.f32 v5, v34;
	v49 =	vmul.f32 v5, v35  }
0x92: {  	v53 =	vadd.f32 v1, v58;
	v51 =	vmul.f32 v5, v37;
	v52 =	vmul.f32 v5, v57  }
0x93: {  	v1 =	vadd.f32 v1, v38;
	v54 =	vmul.f32 v5, v39;
	v55 =	vmul.f32 v5, v41  }
0x94: {  	v45 =	vmul.f32 v5, v28;
	v9 =	vadd.f32 v48, v9;
	v10 =	vadd.f32 v49, v10  }
0x95: {  	v5 =	vmul.f32 v5, v30;
	v12 =	vadd.f32 v51, v12;
	v14 =	vadd.f32 v52, v14  }
0x96: {  	v59 =	vmul.f32 v0, v20;
	v16 =	vadd.f32 v54, v16;
	v17 =	vadd.f32 v55, v17  }
0x97: {  	v60 =	vmul.f32 v0, v24;
	v47 =	vadd.f32 v45, v47;
	v2 =	vadd.f32 v5, v2  }
0x98: {  	v5 =	vmul.f32 v0, v26;
	v3 =	vadd.f32 v3, v9;
	v4 =	vadd.f32 v4, v10  }
0x99: {  	v0 =	vmul.f32 v0, v29;
	v7 =	vadd.f32 v7, v12;
	v8 =	vadd.f32 v8, v14  }
0x9a: {  	v9 =	vadd.f32 v59, v16;
	v10 =	vadd.f32 v60, v17  }
0x9b: {  	v5 =	vadd.f32 v5, v47;
	v0 =	vadd.f32 v0, v2  }
0x9c: {  	v2 =	vsub.f32 v6, v3;
	v3 =	vsub.f32 v11, v4  }
0x9d: {  	v4 =	vsub.f32 v13, v7;
	v6 =	vsub.f32 v15, v8  }
0x9e: {  	s4 =	simm.s32 $0x7180;
	v7 =	vsub.f32 v46, v9;
	v9 =	vsub.f32 v50, v10  }
0x9f: {  	v8 =	vld [tilespmem:s4+$0x0];
	v5 =	vsub.f32 v53, v5;
	v0 =	vsub.f32 v1, v0  }
0xa0: {  	v1 =	vmin.f32 v2, v3  }
0xa1: {  	v10 =	vmin.f32 v4, v6;
	v11 =	vmin.f32 v7, v9;
	v12 =	vmin.f32 v5, v0  }
0xa2: {  	v1 =	vmin.f32 v1, v10;
	v10 =	vmin.f32 v11, v12  }
0xa3: {  	v1 =	vmin.f32 v1, v10  }
0xa4: {  	s8 =	simm.s32 $0x10;
	v1 =	vmin.f32 v8, v1  }
0xa5: {  	s7 =	sand.u32 $0xFF0, s8;
	[tilespmem:s4+$0x0] =	vst v1  }
0xa6: {  	s5 =	simm.s32 $0x3190;
	[tilespmem:$0x1FFC0] =	vst v35;
	v46 =	vld [tilespmem:s7+$0x2180]  }
0xa7: {  	s6 =	simm.s32 $0x190;
	[tilespmem:$0x1FFD0] =	vst v37;
	v16 =	vld [tilespmem:s5+$0x0]  }
0xa8: {  	[tilespmem:$0x1FFE0] =	vst v39;
	v14 =	vld [tilespmem:s6+$0x0]  }
0xa9: {  	v44 =	vmov v28;
	[tilespmem:$0x1FF80] =	vst v20;
	v1 =	vimm.f32 $3.000000010e+38  }
0xaa: {  	v20 =	vmovc v18;
	v10 =	vmin.f32 v1, v2;
	v11 =	vmin.f32 v1, v3;
	v12 =	vmin.f32 v1, v4  }
0xab: {  	v35 =	vmovc v33;
	v13 =	vmin.f32 v1, v6;
	v8 =	vmin.f32 v1, v7;
	v9 =	vmin.f32 v1, v9;
	v59 =	vld [tilespmem:s7+$0x1180]  }
0xac: {  	v37 =	vmovc v63;
	v6 =	vmin.f32 v1, v5;
	v7 =	vmin.f32 v1, v0;
	v51 =	vmul.f32 v46, v18  }
0xad: {  	v28 =	vmovc v58;
	v47 =	vadd.f32 v16, v19;
	v1 =	vmul.f32 v14, v31;
	v48 =	vadd.f32 v16, v23  }
0xae: {  	v18 =	vmovc v31;
	v49 =	vadd.f32 v16, v27;
	v50 =	vadd.f32 v16, v33;
	v3 =	vmul.f32 v14, v63  }
0xaf: {  	v53 =	vadd.f32 v16, v36;
	v31 =	vmovc v56;
	v63 =	vmul.f32 v14, v56;
	v56 =	vadd.f32 v16, v42  }
0xb0: {  	v33 =	vmovc v57;
	v15 =	vmul.f32 v59, v57;
	v57 =	vadd.f32 v16, v58;
	v58 =	vadd.f32 v16, v38;
	v16 =	vld [tilespmem:$0x1FFE0]  }
0xb1: {  	[tilespmem:$0x1FFB0] =	vst v34  }
0xb2: {  	[tilespmem:$0x1FFF0] =	vst v41;
	v4 =	vld [tilespmem:$0x1FFB0];
	v54 =	vmul.f32 v46, v22;
	v60 =	vmul.f32 v14, v32  }
0xb3: {  	[tilespmem:$0x1FFA0] =	vst v26;
	v39 =	vmovc v29;
	v26 =	vmov v61;
	v5 =	vld [tilespmem:$0x1FFC0];
	v61 =	vmul.f32 v14, v61;
	v2 =	vmul.f32 v14, v62  }
0xb4: {  	v29 =	vmovc v22;
	v22 =	vmovc v32;
	v32 =	vmov v62;
	v62 =	vmul.f32 v14, v40;
	v0 =	vmul.f32 v14, v43;
	v14 =	vld [tilespmem:$0x1FFD0]  }
0xb5: {  	v41 =	vmovc v40;
	v40 =	vmovc v36;
	v36 =	vmov v38;
	v38 =	vmov v16;
	v17 =	vmul.f32 v59, v16;
	v16 =	vld [tilespmem:$0x1FFF0]  }
0xb6: {  	[tilespmem:$0x1FF70] =	vst v30  }
0xb7: {  	[tilespmem:$0x1FF90] =	vst v24;
	v24 =	vmov v21;
	v34 =	vmov v25  }
0xb8: {  	v30 =	vmovc v27;
	v45 =	vmovc v43;
	v52 =	vmul.f32 v46, v21;
	v21 =	vmov v19;
	v55 =	vmul.f32 v46, v25  }
0xb9: {  	v25 =	vmovc v23;
	v19 =	vmovc v4;
	v4 =	vmul.f32 v59, v4;
	v23 =	vmov v5;
	v5 =	vmul.f32 v59, v5  }
0xba: {  	s7 =	simm.s32 $0x20;
	v43 =	vmovc v42;
	v27 =	vmovc v14;
	v14 =	vmul.f32 v59, v14;
	v42 =	vmov v16;
	v16 =	vmul.f32 v59, v16  }
.LBB2_5:
0xbb: {  	v2 =	vadd.f32 v15, v2;
	v15 =	vld [tilespmem:$0x1FF70];
	_ =	sdelay $0x3  }
0xbc: {  	v1 =	vadd.f32 v4, v1;
	v4 =	vadd.f32 v5, v60  }
0xbd: {  	v5 =	vmul.f32 v59, v44;
	v3 =	vadd.f32 v17, v3;
	v17 =	vld [tilespmem:$0x1FF80];
	v15 =	vmul.f32 v59, v15  }
0xbe: {  	v14 =	vadd.f32 v14, v61;
	v16 =	vadd.f32 v16, v62;
	v62 =	vld [tilespmem:$0x1FF90]  }
0xbf: {  	v0 =	vadd.f32 v5, v0;
	v5 =	vadd.f32 v15, v63;
	v15 =	vld [tilespmem:$0x1FFA0]  }
0xc0: {  	v1 =	vadd.f32 v51, v1;
	v4 =	vadd.f32 v52, v4  }
0xc1: {  	v14 =	vadd.f32 v54, v14;
	v2 =	vadd.f32 v55, v2  }
0xc2: {  	v1 =	vsub.f32 v47, v1;
	v4 =	vsub.f32 v48, v4  }
0xc3: {  	v14 =	vsub.f32 v49, v14;
	v17 =	vmul.f32 v46, v17;
	v63 =	vmul.f32 v46, v39  }
0xc4: {  	v2 =	vsub.f32 v50, v2;
	v59 =	vmul.f32 v46, v62;
	v15 =	vmul.f32 v46, v15  }
0xc5: {  	v3 =	vadd.f32 v17, v3;
	v5 =	vadd.f32 v63, v5  }
0xc6: {  	v16 =	vadd.f32 v59, v16;
	v0 =	vadd.f32 v15, v0  }
0xc7: {  	s4 =	sadd.s32 $0x10, s4;
	v10 =	vmin.f32 v10, v1;
	v3 =	vsub.f32 v53, v3;
	v5 =	vsub.f32 v58, v5  }
0xc8: {  	v11 =	vmin.f32 v11, v4;
	v15 =	vsub.f32 v56, v16;
	v16 =	vld [tilespmem:s4+$0x0];
	v0 =	vsub.f32 v57, v0  }
0xc9: {  	v12 =	vmin.f32 v12, v14;
	v13 =	vmin.f32 v13, v2;
	v1 =	vmin.f32 v1, v4  }
0xca: {  	v2 =	vmin.f32 v14, v2;
	v4 =	vmin.f32 v3, v15;
	v14 =	vmin.f32 v0, v5  }
0xcb: {  	v1 =	vmin.f32 v1, v2;
	v2 =	vmin.f32 v4, v14  }
0xcc: {  	v6 =	vmin.f32 v6, v0;
	v0 =	vmin.f32 v1, v2  }
0xcd: {  	v0 =	vmin.f32 v16, v0  }
0xce: {  	s8 =	sand.u32 $0xFF0, s7;
	[tilespmem:s4+$0x0] =	vst v0  }
0xcf: {  	s5 =	sadd.s32 $0x10, s5;
	v46 =	vld [tilespmem:s8+$0x2180]  }
0xd0: {  	s6 =	sadd.s32 $0x10, s6;
	v58 =	vld [tilespmem:s5+$0x0]  }
0xd1: {  	v4 =	vld [tilespmem:s6+$0x0];
	_ =	sdelay $0x1  }
0xd2: {  	v8 =	vmin.f32 v8, v3;
	v7 =	vmin.f32 v7, v5  }
0xd3: {  	v9 =	vmin.f32 v9, v15;
	v51 =	vmul.f32 v46, v20;
	v52 =	vmul.f32 v46, v24  }
0xd4: {  	v59 =	vld [tilespmem:s8+$0x1180];
	v47 =	vadd.f32 v58, v21;
	v54 =	vmul.f32 v46, v29;
	v55 =	vmul.f32 v46, v34  }
0xd5: {  	v1 =	vmul.f32 v4, v18;
	v60 =	vmul.f32 v4, v22;
	v48 =	vadd.f32 v58, v25  }
0xd6: {  	p1 =	sne.s32 s7, $0xFF0;
	v61 =	vmul.f32 v4, v26;
	v49 =	vadd.f32 v58, v30;
	v2 =	vmul.f32 v4, v32  }
.Ltmp1:
0xd7: {  	v50 =	vadd.f32 v58, v35;
	v3 =	vmul.f32 v4, v37;
	v62 =	vmul.f32 v4, v41;
	(pc) =	sbr.rel @p1 .LBB2_5-.Ltmp1, $4  }
0xd8: {  	v53 =	vadd.f32 v58, v40;
	v0 =	vmul.f32 v4, v45;
	v63 =	vmul.f32 v4, v31  }
0xd9: {  	v4 =	vmul.f32 v59, v19;
	v5 =	vmul.f32 v59, v23;
	v56 =	vadd.f32 v58, v43  }
0xda: {  	v14 =	vmul.f32 v59, v27;
	v15 =	vmul.f32 v59, v33;
	v57 =	vadd.f32 v58, v28  }
0xdb: {  	s7 =	sadd.s32 $0x10, s7;
	v17 =	vmul.f32 v59, v38;
	v16 =	vmul.f32 v59, v42;
	v58 =	vadd.f32 v58, v36  }
0xdc: {  	v2 =	vadd.f32 v15, v2;
	v15 =	vld [tilespmem:$0x1FF70]  }
0xdd: {  	v1 =	vadd.f32 v4, v1;
	v4 =	vadd.f32 v5, v60;
	v5 =	vmul.f32 v59, v44;
	v18 =	vld [tilespmem:$0x1FFA0]  }
0xde: {  	v14 =	vadd.f32 v14, v61;
	v3 =	vadd.f32 v17, v3;
	v17 =	vld [tilespmem:$0x1FF80]  }
0xdf: {  	v16 =	vadd.f32 v16, v62;
	v0 =	vadd.f32 v5, v0;
	v5 =	vld [tilespmem:$0x1FF90]  }
0xe0: {  	v1 =	vadd.f32 v51, v1;
	v4 =	vadd.f32 v52, v4  }
0xe1: {  	v19 =	vmul.f32 v46, v39;
	v14 =	vadd.f32 v54, v14;
	v2 =	vadd.f32 v55, v2  }
0xe2: {  	v1 =	vsub.f32 v47, v1;
	v15 =	vmul.f32 v59, v15;
	v18 =	vmul.f32 v46, v18;
	v59 =	vld [tilespmem:$0x1FF60]  }
0xe3: {  	v45 =	vsub.f32 v48, v4;
	v61 =	vsub.f32 v50, v2;
	v17 =	vmul.f32 v46, v17  }
0xe4: {  	v5 =	vmul.f32 v46, v5;
	v15 =	vadd.f32 v15, v63;
	v0 =	vadd.f32 v18, v0  }
0xe5: {  	v46 =	vsub.f32 v49, v14;
	v14 =	vld [tilespmem:$0x1FF30];
	v3 =	vadd.f32 v17, v3  }
0xe6: {  	v5 =	vadd.f32 v5, v16;
	v15 =	vadd.f32 v19, v15  }
0xe7: {  	v51 =	vsub.f32 v57, v0;
	v0 =	vmin.f32 v1, v45;
	v44 =	vbroadcast v59, $0x8  }
0xe8: {  	v2 =	vmin.f32 v46, v61;
	v35 =	vbroadcast v59, $0x9;
	v30 =	vbroadcast v59, $0xA  }
0xe9: {  	v16 =	vld [tilespmem:$0x1FF50];
	v20 =	vsub.f32 v53, v3;
	v53 =	vbroadcast v59, $0xB;
	v19 =	vbroadcast v59, $0xC  }
0xea: {  	s4 =	sadd.s32 $0x10, s4;
	v41 =	vbroadcast v59, $0xD;
	v27 =	vsub.f32 v56, v5;
	v33 =	vbroadcast v14, $0x8  }
0xeb: {  	v3 =	vld [tilespmem:s4+$0x0];
	v17 =	vsub.f32 v58, v15;
	v21 =	vbroadcast v14, $0x9;
	v28 =	vbroadcast v14, $0xA  }
0xec: {  	v0 =	vmin.f32 v0, v2;
	v32 =	vbroadcast v14, $0xB;
	v38 =	vbroadcast v14, $0xD  }
0xed: {  	v42 =	vbroadcast v14, $0xE;
	v4 =	vmin.f32 v20, v27;
	v5 =	vmin.f32 v51, v17  }
0xee: {  	v15 =	vld [tilespmem:$0x1FF40];
	v62 =	vbroadcast v14, $0xF;
	v31 =	vbroadcast v16, $0x8;
	v2 =	vmin.f32 v4, v5  }
0xef: {  	v26 =	vbroadcast v16, $0x9;
	v29 =	vbroadcast v16, $0xA;
	v0 =	vmin.f32 v0, v2  }
0xf0: {  	s5 =	simm.s32 $0x0;
	v34 =	vbroadcast v16, $0xB;
	v4 =	vbroadcast v14, $0xC;
	v0 =	vmin.f32 v3, v0  }
0xf1: {  	s8 =	sand.u32 $0xFF0, s5;
	v23 =	vbroadcast v16, $0xC;
	v22 =	vbroadcast v16, $0xD;
	[tilespmem:s4+$0x0] =	vst v0  }
0xf2: {  	s6 =	simm.s32 $0x180;
	v18 =	vbroadcast v16, $0xE;
	v60 =	vbroadcast v16, $0xF;
	v0 =	vld [tilespmem:s8+$0x2180]  }
0xf3: {  	v36 =	vbroadcast v15, $0x8;
	v54 =	vbroadcast v15, $0x9;
	v2 =	vld [tilespmem:s6+$0x0]  }
0xf4: {  	v39 =	vbroadcast v15, $0xA;
	v52 =	vbroadcast v15, $0xB  }
0xf5: {  	v40 =	vbroadcast v15, $0xC;
	v63 =	vbroadcast v15, $0xD  }
0xf6: {  	v24 =	vbroadcast v15, $0xE;
	v25 =	vbroadcast v15, $0xF;
	v3 =	vld [tilespmem:s8+$0x1180]  }
0xf7: {  	v5 =	vmul.f32 v0, v31;
	v14 =	vmul.f32 v0, v26  }
0xf8: {  	v15 =	vmul.f32 v2, v33;
	v16 =	vmul.f32 v2, v21  }
0xf9: {  	v43 =	vmul.f32 v2, v28;
	v47 =	vmul.f32 v2, v32  }
0xfa: {  	s7 =	simm.s32 $0x3180;
	v48 =	vmul.f32 v2, v4;
	v49 =	vmul.f32 v2, v38  }
0xfb: {  	v50 =	vld [tilespmem:s7+$0x0];
	v55 =	vmul.f32 v3, v36;
	v56 =	vmul.f32 v3, v54  }
0xfc: {  	[tilespmem:$0x1FEE0] =	vst v36;
	v36 =	vmul.f32 v3, v39;
	v58 =	vmul.f32 v3, v52  }
0xfd: {  	[tilespmem:$0x1FEF0] =	vst v39;
	v39 =	vmul.f32 v3, v40;
	v15 =	vadd.f32 v55, v15;
	v16 =	vadd.f32 v56, v16  }
0xfe: {  	v56 =	vmul.f32 v2, v42;
	v43 =	vadd.f32 v36, v43;
	v36 =	vmul.f32 v3, v63  }
0xff: {  	[tilespmem:$0x1FF10] =	vst v63;
	v47 =	vadd.f32 v58, v47;
	v63 =	vmul.f32 v3, v24;
	v48 =	vadd.f32 v39, v48  }
0x100: {  	v55 =	vadd.f32 v50, v44;
	v2 =	vmul.f32 v2, v62;
	v3 =	vmul.f32 v3, v25  }
0x101: {  	v39 =	vmul.f32 v0, v34;
	v49 =	vadd.f32 v36, v49;
	v56 =	vadd.f32 v63, v56  }
0x102: {  	v36 =	vmul.f32 v0, v29;
	v2 =	vadd.f32 v3, v2;
	v3 =	vadd.f32 v50, v35  }
0x103: {  	v5 =	vadd.f32 v5, v15;
	v15 =	vmul.f32 v0, v23;
	v14 =	vadd.f32 v14, v16  }
0x104: {  	v16 =	vadd.f32 v50, v30;
	v63 =	vmul.f32 v0, v22;
	v47 =	vadd.f32 v39, v47  }
0x105: {  	v37 =	vbroadcast v59, $0xE;
	v39 =	vadd.f32 v50, v53;
	v57 =	vadd.f32 v36, v43  }
0x106: {  	v36 =	vmul.f32 v0, v18;
	v15 =	vadd.f32 v15, v48;
	v49 =	vadd.f32 v63, v49  }
0x107: {  	[tilespmem:$0x1FE50] =	vst v60;
	v0 =	vmul.f32 v0, v60;
	v60 =	vadd.f32 v50, v19;
	v63 =	vadd.f32 v50, v41  }
0x108: {  	v43 =	vbroadcast v59, $0xF;
	v5 =	vsub.f32 v55, v5;
	v3 =	vsub.f32 v3, v14  }
0x109: {  	v56 =	vadd.f32 v36, v56;
	v0 =	vadd.f32 v0, v2  }
0x10a: {  	v2 =	vadd.f32 v50, v37;
	v50 =	vadd.f32 v50, v43  }
0x10b: {  	v1 =	vmin.f32 v10, v1;
	v14 =	vsub.f32 v16, v57;
	v16 =	vsub.f32 v39, v47  }
0x10c: {  	[tilespmem:$0x1FE60] =	vst v1;
	v1 =	vmin.f32 v11, v45;
	s4 =	simm.s32 $0x7180;
	v15 =	vsub.f32 v60, v15;
	v48 =	vsub.f32 v63, v49  }
0x10d: {  	[tilespmem:$0x1FE70] =	vst v1;
	v1 =	vmin.f32 v12, v46;
	v47 =	vld [tilespmem:s4+$0x0];
	v2 =	vsub.f32 v2, v56;
	v0 =	vsub.f32 v50, v0  }
0x10e: {  	[tilespmem:$0x1FE80] =	vst v1;
	v1 =	vmin.f32 v13, v61;
	v36 =	vmin.f32 v5, v3  }
0x10f: {  	v39 =	vmin.f32 v14, v16;
	v60 =	vmin.f32 v15, v48;
	v56 =	vmin.f32 v2, v0  }
0x110: {  	[tilespmem:$0x1FE90] =	vst v1;
	v1 =	vmin.f32 v8, v20;
	v49 =	vmin.f32 v36, v39;
	v63 =	vmin.f32 v60, v56  }
0x111: {  	[tilespmem:$0x1FEA0] =	vst v1;
	v1 =	vmin.f32 v9, v27;
	v49 =	vmin.f32 v49, v63  }
0x112: {  	[tilespmem:$0x1FEB0] =	vst v1;
	v1 =	vimm.f32 $3.000000010e+38;
	v47 =	vmin.f32 v47, v49  }
0x113: {  	s5 =	simm.s32 $0x190;
	v11 =	vmin.f32 v1, v5;
	v5 =	vmin.f32 v1, v2;
	v2 =	vmin.f32 v1, v0;
	v0 =	vld [tilespmem:$0x1FEE0];
	[tilespmem:s4+$0x0] =	vst v47  }
0x114: {  	s8 =	simm.s32 $0x10;
	s6 =	simm.s32 $0x3190;
	v12 =	vld [tilespmem:s5+$0x0]  }
0x115: {  	v6 =	vmin.f32 v6, v51;
	s7 =	sand.u32 $0xFF0, s8;
	v51 =	vld [tilespmem:s6+$0x0]  }
0x116: {  	v63 =	vld [tilespmem:s7+$0x1180]  }
0x117: {  	[tilespmem:$0x1FEC0] =	vst v6;
	v6 =	vmin.f32 v7, v17  }
0x118: {  	[tilespmem:$0x1FED0] =	vst v6  }
0x119: {  	[tilespmem:$0x1FE40] =	vst v18;
	v18 =	vmov v38;
	v9 =	vmin.f32 v1, v14  }
0x11a: {  	v36 =	vmovc v4;
	v46 =	vmul.f32 v12, v4;
	v13 =	vmul.f32 v12, v38;
	v55 =	vadd.f32 v51, v53  }
0x11b: {  	v4 =	vmovc v53;
	v38 =	vmovc v19;
	v53 =	vadd.f32 v51, v19;
	v19 =	vmov v0;
	v14 =	vmul.f32 v63, v0;
	v0 =	vld [tilespmem:$0x1FEF0]  }
0x11c: {  	[tilespmem:$0x1FE30] =	vst v22;
	v47 =	vld [tilespmem:s7+$0x2180]  }
0x11d: {  	[tilespmem:$0x1FF00] =	vst v40  }
0x11e: {  	v17 =	vmovc v33;
	v20 =	vmov v31;
	[tilespmem:$0x1FE20] =	vst v24;
	v10 =	vmin.f32 v1, v3;
	v8 =	vmin.f32 v1, v16  }
0x11f: {  	v24 =	vmovc v37;
	v6 =	vmin.f32 v1, v48;
	v48 =	vmul.f32 v12, v33;
	v45 =	vmul.f32 v12, v32  }
0x120: {  	v33 =	vmovc v32;
	v32 =	vmovc v30;
	v56 =	vadd.f32 v51, v30;
	v30 =	vmov v0;
	v3 =	vmul.f32 v63, v0;
	v0 =	vld [tilespmem:$0x1FF00]  }
0x121: {  	v22 =	vmovc v21;
	v7 =	vmin.f32 v1, v15;
	v39 =	vmovc v62;
	v60 =	vmul.f32 v47, v31;
	v31 =	vmov v29  }
0x122: {  	v59 =	vmul.f32 v47, v29;
	v49 =	vmul.f32 v12, v21;
	v21 =	vmovc v44;
	v57 =	vadd.f32 v51, v44  }
0x123: {  	v29 =	vmovc v28;
	v44 =	vmul.f32 v12, v28;
	v58 =	vadd.f32 v51, v35;
	v1 =	vmul.f32 v12, v42  }
0x124: {  	v28 =	vmovc v35;
	v12 =	vmul.f32 v12, v62;
	v35 =	vmovc v34;
	v62 =	vmul.f32 v47, v34;
	v34 =	vmov v52  }
0x125: {  	v50 =	vmul.f32 v63, v52;
	v52 =	vadd.f32 v51, v37;
	v37 =	vmovc v0;
	v16 =	vmul.f32 v63, v0;
	v0 =	vld [tilespmem:$0x1FF10];
	_ =	sdelay $0x2  }
0x126: {  	v27 =	vmov v26;
	v40 =	vmov v25;
	v25 =	vmov v23  }
0x127: {  	v23 =	vmovc v42;
	v61 =	vmul.f32 v47, v26;
	v26 =	vmovc v54;
	v15 =	vmul.f32 v63, v54;
	v42 =	vmov v41  }
0x128: {  	s7 =	simm.s32 $0x20;
	v54 =	vadd.f32 v51, v41;
	v51 =	vadd.f32 v51, v43;
	v41 =	vmovc v0;
	v0 =	vmul.f32 v63, v0  }
.LBB2_7:
0x129: {  	v14 =	vadd.f32 v14, v48;
	v48 =	vld [tilespmem:$0x1FE20]  }
0x12a: {  	v15 =	vadd.f32 v15, v49;
	v0 =	vadd.f32 v0, v13;
	v13 =	vld [tilespmem:$0x1FE30]  }
0x12b: {  	v3 =	vadd.f32 v3, v44;
	v14 =	vadd.f32 v60, v14;
	v60 =	vld [tilespmem:$0x1FE40]  }
0x12c: {  	v49 =	vadd.f32 v50, v45;
	v50 =	vmul.f32 v63, v40;
	v15 =	vadd.f32 v61, v15;
	v61 =	vld [tilespmem:$0x1FE50]  }
0x12d: {  	v16 =	vadd.f32 v16, v46;
	v3 =	vadd.f32 v59, v3  }
0x12e: {  	v12 =	vadd.f32 v50, v12;
	v48 =	vmul.f32 v63, v48;
	v63 =	vmul.f32 v47, v25  }
0x12f: {  	v44 =	vadd.f32 v62, v49;
	v3 =	vsub.f32 v56, v3;
	v13 =	vmul.f32 v47, v13  }
0x130: {  	v1 =	vadd.f32 v48, v1;
	v45 =	vmul.f32 v47, v60;
	v16 =	vadd.f32 v63, v16  }
0x131: {  	v62 =	vmul.f32 v47, v61;
	v0 =	vadd.f32 v13, v0;
	v13 =	vsub.f32 v57, v14  }
0x132: {  	v14 =	vsub.f32 v58, v15;
	v15 =	vsub.f32 v55, v44  }
0x133: {  	v1 =	vadd.f32 v45, v1;
	v12 =	vadd.f32 v62, v12  }
0x134: {  	s4 =	sadd.s32 $0x10, s4;
	v9 =	vmin.f32 v9, v3;
	v16 =	vsub.f32 v53, v16;
	v0 =	vsub.f32 v54, v0  }
0x135: {  	v63 =	vld [tilespmem:s4+$0x0];
	v11 =	vmin.f32 v11, v13;
	v1 =	vsub.f32 v52, v1;
	v12 =	vsub.f32 v51, v12  }
0x136: {  	v10 =	vmin.f32 v10, v14;
	v8 =	vmin.f32 v8, v15;
	v13 =	vmin.f32 v13, v14  }
0x137: {  	v3 =	vmin.f32 v3, v15;
	v14 =	vmin.f32 v16, v0;
	v15 =	vmin.f32 v1, v12  }
0x138: {  	v3 =	vmin.f32 v13, v3;
	v13 =	vmin.f32 v14, v15  }
0x139: {  	v6 =	vmin.f32 v6, v0;
	v0 =	vmin.f32 v3, v13  }
0x13a: {  	v0 =	vmin.f32 v63, v0  }
0x13b: {  	s8 =	sand.u32 $0xFF0, s7;
	[tilespmem:s4+$0x0] =	vst v0  }
0x13c: {  	s6 =	sadd.s32 $0x10, s6;
	v47 =	vld [tilespmem:s8+$0x2180]  }
0x13d: {  	s5 =	sadd.s32 $0x10, s5;
	v51 =	vld [tilespmem:s6+$0x0]  }
0x13e: {  	v0 =	vld [tilespmem:s5+$0x0];
	_ =	sdelay $0x1  }
0x13f: {  	v7 =	vmin.f32 v7, v16;
	v5 =	vmin.f32 v5, v1  }
0x140: {  	v2 =	vmin.f32 v2, v12;
	v60 =	vmul.f32 v47, v20;
	v61 =	vmul.f32 v47, v27  }
0x141: {  	v63 =	vld [tilespmem:s8+$0x1180];
	v57 =	vadd.f32 v51, v21;
	v59 =	vmul.f32 v47, v31;
	v62 =	vmul.f32 v47, v35  }
0x142: {  	v48 =	vmul.f32 v0, v17;
	v49 =	vmul.f32 v0, v22;
	v58 =	vadd.f32 v51, v28  }
0x143: {  	p1 =	sne.s32 s7, $0xFF0;
	v44 =	vmul.f32 v0, v29;
	v56 =	vadd.f32 v51, v32;
	v45 =	vmul.f32 v0, v33  }
.Ltmp2:
0x144: {  	v55 =	vadd.f32 v51, v4;
	v46 =	vmul.f32 v0, v36;
	v13 =	vmul.f32 v0, v18;
	(pc) =	sbr.rel @p1 .LBB2_7-.Ltmp2, $4  }
0x145: {  	v53 =	vadd.f32 v51, v38;
	v1 =	vmul.f32 v0, v23;
	v12 =	vmul.f32 v0, v39  }
0x146: {  	v14 =	vmul.f32 v63, v19;
	v15 =	vmul.f32 v63, v26;
	v54 =	vadd.f32 v51, v42  }
0x147: {  	v3 =	vmul.f32 v63, v30;
	v50 =	vmul.f32 v63, v34;
	v52 =	vadd.f32 v51, v24  }
0x148: {  	s7 =	sadd.s32 $0x10, s7;
	v16 =	vmul.f32 v63, v37;
	v0 =	vmul.f32 v63, v41;
	v51 =	vadd.f32 v51, v43  }
0x149: {  	v4 =	vld [tilespmem:$0x1FE60]  }
0x14a: {  	v41 =	vld [tilespmem:$0x1FE70]  }
0x14b: {  	v42 =	vld [tilespmem:$0x1FE80]  }
0x14c: {  	v43 =	vld [tilespmem:$0x1FE20];
	_ =	sdelay $0x1  }
0x14d: {  	v17 =	vmax.f32 v4, $0.0e+00  }
0x14e: {  	(xrf0) =	vmin.scan.msk.f32 $0xffff, v17;
	v17 =	vmax.f32 v41, $0.0e+00  }
0x14f: {  	(xrf0) =	vmin.scan.msk.f32 $0xffff, v17;
	v17 =	vmax.f32 v42, $0.0e+00  }
0x150: {  	(xrf0) =	vmin.scan.msk.f32 $0xffff, v17;
	v17 =	vmul.f32 v63, v43;
	_ =	sdelay $0x1  }
0x151: {  	v1 =	vadd.f32 v17, v1;
	v17 =	vld [tilespmem:$0x1FF20];
	_ =	sdelay $0x1  }
0x152: {  	v19, _, _ =	vpop (xrf0)  }
0x153: {  	v15 =	vadd.f32 v15, v49;
	v3 =	vadd.f32 v3, v44;
	v44 =	vld [tilespmem:$0x1FE90];
	v49 =	vbroadcast v19, $0xF  }
0x154: {  	v18 =	vld [tilespmem:$0x1FEA0]  }
0x155: {  	v0 =	vadd.f32 v0, v13;
	v13 =	vadd.f32 v49, v17;
	v17 =	vld [tilespmem:$0x1FEB0];
	_ =	sdelay $0x2  }
0x156: {  	v20 =	vmax.f32 v44, $0.0e+00  }
0x157: {  	(xrf0) =	vmin.scan.msk.f32 $0xffff, v20;
	v19 =	vmax.f32 v18, $0.0e+00  }
0x158: {  	v22 =	vadd.f32 v50, v45;
	v50, _, _ =	vpop (xrf0);
	(xrf0) =	vmin.scan.msk.f32 $0xffff, v19;
	v17 =	vmax.f32 v17, $0.0e+00  }
0x159: {  	v14 =	vadd.f32 v14, v48;
	v48 =	vmul.f32 v63, v40;
	v63, _, _ =	vpop (xrf0);
	(xrf0) =	vmin.scan.msk.f32 $0xffff, v17;
	v17 =	vld [tilespmem:$0x1FEC0];
	_ =	sdelay $0x4  }
0x15a: {  	v17 =	vmax.f32 v17, $0.0e+00  }
0x15b: {  	v14 =	vadd.f32 v60, v14;
	v26, _, _ =	vpop (xrf0);
	(xrf0) =	vmin.scan.msk.f32 $0xffff, v17;
	v17 =	vld [tilespmem:$0x1FED0]  }
0x15c: {  	v4 =	vadd.f32 v48, v12;
	v12 =	vbroadcast v50, $0xF  }
0x15d: {  	v21 =	vmul.f32 v47, v25;
	v16 =	vadd.f32 v16, v46;
	v14 =	vsub.f32 v57, v14;
	v18 =	vld [tilespmem:$0x1FE30]  }
0x15e: {  	v15 =	vadd.f32 v61, v15;
	v25 =	vbroadcast v63, $0xF;
	v12 =	vadd.f32 v12, v13  }
0x15f: {  	v3 =	vadd.f32 v59, v3;
	v28 =	vadd.f32 v62, v22;
	v11 =	vmin.f32 v11, v14  }
0x160: {  	v12 =	vadd.f32 v25, v12;
	v27 =	vbroadcast v26, $0xF;
	v17 =	vmax.f32 v17, $0.0e+00  }
0x161: {  	v34 =	vadd.f32 v21, v16;
	v15 =	vsub.f32 v58, v15;
	v11 =	vmax.f32 v11, $0.0e+00;
	v29, _, _ =	vpop (xrf0);
	(xrf0) =	vmin.scan.msk.f32 $0xffff, v17  }
0x162: {  	v24 =	vmul.f32 v47, v18;
	v18 =	vld [tilespmem:$0x1FE40];
	v12 =	vadd.f32 v27, v12;
	v30 =	vbroadcast v29, $0xF  }
0x163: {  	v3 =	vsub.f32 v56, v3;
	v16 =	vsub.f32 v55, v28;
	v10 =	vmin.f32 v10, v15;
	v31, _, _ =	vpop (xrf0);
	(xrf0) =	vmin.scan.msk.f32 $0xffff, v11  }
0x164: {  	v10 =	vmax.f32 v10, $0.0e+00;
	v32 =	vadd.f32 v30, v12;
	v33 =	vbroadcast v31, $0xF;
	v17 =	vld [tilespmem:$0x1FE50]  }
0x165: {  	v38 =	vsub.f32 v53, v34;
	v9 =	vmin.f32 v9, v3;
	v8 =	vmin.f32 v8, v16;
	v35, _, _ =	vpop (xrf0);
	(xrf0) =	vmin.scan.msk.f32 $0xffff, v10  }
0x166: {  	v9 =	vmax.f32 v9, $0.0e+00;
	v36 =	vadd.f32 v33, v32;
	v37 =	vbroadcast v35, $0xF  }
0x167: {  	v8 =	vmax.f32 v8, $0.0e+00;
	v0 =	vadd.f32 v24, v0;
	v19 =	vmul.f32 v47, v18;
	v39, _, _ =	vpop (xrf0);
	(xrf0) =	vmin.scan.msk.f32 $0xffff, v9  }
0x168: {  	v7 =	vmin.f32 v7, v38;
	v40 =	vadd.f32 v37, v36;
	v41 =	vbroadcast v39, $0xF  }
0x169: {  	v0 =	vsub.f32 v54, v0;
	v1 =	vadd.f32 v19, v1;
	v17 =	vmul.f32 v47, v17;
	v42, _, _ =	vpop (xrf0);
	(xrf0) =	vmin.scan.msk.f32 $0xffff, v8  }
0x16a: {  	v7 =	vmax.f32 v7, $0.0e+00;
	v44 =	vbroadcast v42, $0xF;
	v43 =	vadd.f32 v41, v40  }
0x16b: {  	v6 =	vmin.f32 v6, v0;
	v1 =	vsub.f32 v52, v1;
	v4 =	vadd.f32 v17, v4;
	v45, _, _ =	vpop (xrf0);
	(xrf0) =	vmin.scan.msk.f32 $0xffff, v7  }
0x16c: {  	v6 =	vmax.f32 v6, $0.0e+00;
	v47 =	vbroadcast v45, $0xF;
	v46 =	vadd.f32 v44, v43  }
0x16d: {  	v5 =	vmin.f32 v5, v1;
	v4 =	vsub.f32 v51, v4;
	v48, _, _ =	vpop (xrf0);
	(xrf0) =	vmin.scan.msk.f32 $0xffff, v6  }
0x16e: {  	v5 =	vmax.f32 v5, $0.0e+00;
	v49 =	vadd.f32 v47, v46;
	v50 =	vbroadcast v48, $0xF  }
0x16f: {  	v2 =	vmin.f32 v2, v4;
	v51, _, _ =	vpop (xrf0);
	(xrf0) =	vmin.scan.msk.f32 $0xffff, v5  }
0x170: {  	v2 =	vmax.f32 v2, $0.0e+00;
	v53 =	vbroadcast v51, $0xF;
	v52 =	vadd.f32 v50, v49  }
0x171: {  	v54, _, _ =	vpop (xrf0);
	(xrf0) =	vmin.scan.msk.f32 $0xffff, v2  }
0x172: {  	v56 =	vbroadcast v54, $0xF;
	v55 =	vadd.f32 v53, v52  }
0x173: {  	s4 =	sadd.s32 $0x10, s4;
	v57, _, _ =	vpop (xrf0)  }
0x174: {  	s3 =	sadd.s32 $0x1, s3;
	v58 =	vld [tilespmem:s4+$0x0];
	v2 =	vadd.f32 v56, v55;
	v59 =	vbroadcast v57, $0xF  }
0x175: {  	p1 =	sne.s32 s3, $0x4;
	v61 =	vmin.f32 v14, v15;
	v3 =	vmin.f32 v3, v16;
	v0 =	vmin.f32 v38, v0;
	v60, _, _ =	vpop (xrf0)  }
.Ltmp3:
0x176: {  	v1 =	vmin.f32 v1, v4;
	v62 =	vbroadcast v60, $0xF;
	v2 =	vadd.f32 v59, v2;
	(pc) =	sbr.rel @p1 .LBB2_4-.Ltmp3, $4  }
0x177: {  	v3 =	vmin.f32 v61, v3;
	v0 =	vmin.f32 v0, v1;
	v63, _, _ =	vpop (xrf0)  }
0x178: {  	v0 =	vmin.f32 v3, v0;
	v1 =	vbroadcast v63, $0xF;
	v2 =	vadd.f32 v62, v2  }
0x179: {  	v0 =	vmin.f32 v58, v0  }
0x17a: {  	[tilespmem:s4+$0x0] =	vst v0;
	v16 =	vadd.f32 v1, v2  }
0x17b: {  	s3 =	simm.s32 $0x7180  }
0x17c: {  	[spmem:s10] =	stream.linear.scatter [tilespmem:s3], [sflag:$0x1], $0x1000, $0x38;
	[tilespmem:$0xA310] =	vst v63  }
0x17d: {  	_ =	swait.ge [sflag:s0], $0x1000  }
0x17e: {  	[sflag:s0] =	ssyncset.done $0x0  }
0x17f: {  	[sflag:s0] =	ssyncadd.s32 $0xFFFFF000  }
0x180: {  	s4 =	simm.s32 $0x8180;
	[bflag:$0x0] =	sbarrier.arrive $0xFFFF  }
0x181: {  	[tilespmem:s4], [sflag:$0x1] =	stream.linear.gather [spmem:s9], $0x100, $0x38;
	[tilespmem:$0xA310] =	vst v63  }
0x182: {  	_ =	swait.ge [sflag:s0], $0x100  }
0x183: {  	[sflag:s0] =	ssyncset.done $0x0  }
0x184: {  	s5 =	simm.s32 $0x8280;
	[sflag:s0] =	ssyncadd.s32 $0xFFFFFF00  }
0x185: {  	[tilespmem:s5], [sflag:$0x1] =	stream.linear.gather [spmem:s11], $0x100, $0x38;
	[tilespmem:$0xA310] =	vst v63  }
0x186: {  	_ =	swait.ge [sflag:s0], $0x100  }
0x187: {  	[sflag:s0] =	ssyncset.done $0x0  }
0x188: {  	s8 =	simm.s32 $0x8380;
	[sflag:s0] =	ssyncadd.s32 $0xFFFFFF00  }
0x189: {  	[tilespmem:s8], [sflag:$0x1] =	stream.linear.gather [spmem:s12], $0x100, $0x38;
	[tilespmem:$0xA310] =	vst v63  }
0x18a: {  	_ =	swait.ge [sflag:s0], $0x100  }
0x18b: {  	[sflag:s0] =	ssyncset.done $0x0  }
0x18c: {  	s6 =	simm.s32 $0x8480;
	[sflag:s0] =	ssyncadd.s32 $0xFFFFFF00  }
0x18d: {  	[tilespmem:s6], [sflag:$0x1] =	stream.linear.gather [spmem:s13], $0x100, $0x38;
	[tilespmem:$0xA310] =	vst v63  }
0x18e: {  	_ =	swait.ge [sflag:s0], $0x100  }
0x18f: {  	[sflag:s0] =	ssyncset.done $0x0  }
0x190: {  	s7 =	simm.s32 $0x8580;
	[sflag:s0] =	ssyncadd.s32 $0xFFFFFF00  }
0x191: {  	[tilespmem:s7], [sflag:$0x1] =	stream.linear.gather [spmem:s14], $0x100, $0x38;
	[tilespmem:$0xA310] =	vst v63  }
0x192: {  	_ =	swait.ge [sflag:s0], $0x100  }
0x193: {  	[sflag:s0] =	ssyncset.done $0x0  }
0x194: {  	s8 =	simm.s32 $0x8680;
	[sflag:s0] =	ssyncadd.s32 $0xFFFFFF00  }
0x195: {  	[tilespmem:s8], [sflag:$0x1] =	stream.linear.gather [spmem:s15], $0x100, $0x38;
	[tilespmem:$0xA310] =	vst v63  }
0x196: {  	_ =	swait.ge [sflag:s0], $0x100  }
0x197: {  	[sflag:s0] =	ssyncset.done $0x0  }
0x198: {  	s6 =	simm.s32 $0x8780;
	[sflag:s0] =	ssyncadd.s32 $0xFFFFFF00  }
0x199: {  	[tilespmem:s6], [sflag:$0x1] =	stream.linear.gather [spmem:s16], $0x100, $0x38;
	[tilespmem:$0xA310] =	vst v63  }
0x19a: {  	_ =	swait.ge [sflag:s0], $0x100  }
0x19b: {  	[sflag:s0] =	ssyncset.done $0x0  }
0x19c: {  	s7 =	simm.s32 $0x8880;
	[sflag:s0] =	ssyncadd.s32 $0xFFFFFF00  }
0x19d: {  	[tilespmem:s7], [sflag:$0x1] =	stream.linear.gather [spmem:s17], $0x100, $0x38;
	[tilespmem:$0xA310] =	vst v63  }
0x19e: {  	_ =	swait.ge [sflag:s0], $0x100  }
0x19f: {  	[sflag:s0] =	ssyncset.done $0x0  }
0x1a0: {  	s8 =	simm.s32 $0x8980;
	[sflag:s0] =	ssyncadd.s32 $0xFFFFFF00  }
0x1a1: {  	[tilespmem:s8], [sflag:$0x1] =	stream.linear.gather [spmem:s18], $0x100, $0x38;
	[tilespmem:$0xA310] =	vst v63  }
0x1a2: {  	_ =	swait.ge [sflag:s0], $0x100  }
0x1a3: {  	[sflag:s0] =	ssyncset.done $0x0  }
0x1a4: {  	s6 =	simm.s32 $0x8A80;
	[sflag:s0] =	ssyncadd.s32 $0xFFFFFF00  }
0x1a5: {  	[tilespmem:s6], [sflag:$0x1] =	stream.linear.gather [spmem:s19], $0x100, $0x38;
	[tilespmem:$0xA310] =	vst v63  }
0x1a6: {  	_ =	swait.ge [sflag:s0], $0x100  }
0x1a7: {  	[sflag:s0] =	ssyncset.done $0x0  }
0x1a8: {  	s7 =	simm.s32 $0x8B80;
	[sflag:s0] =	ssyncadd.s32 $0xFFFFFF00  }
0x1a9: {  	[tilespmem:s7], [sflag:$0x1] =	stream.linear.gather [spmem:s20], $0x100, $0x38;
	[tilespmem:$0xA310] =	vst v63  }
0x1aa: {  	_ =	swait.ge [sflag:s0], $0x100  }
0x1ab: {  	[sflag:s0] =	ssyncset.done $0x0  }
0x1ac: {  	s8 =	simm.s32 $0x8C80;
	[sflag:s0] =	ssyncadd.s32 $0xFFFFFF00  }
0x1ad: {  	[tilespmem:s8], [sflag:$0x1] =	stream.linear.gather [spmem:s22], $0x100, $0x38;
	[tilespmem:$0xA310] =	vst v63  }
0x1ae: {  	_ =	swait.ge [sflag:s0], $0x100  }
0x1af: {  	[sflag:s0] =	ssyncset.done $0x0  }
0x1b0: {  	s6 =	simm.s32 $0x8D80;
	[sflag:s0] =	ssyncadd.s32 $0xFFFFFF00  }
0x1b1: {  	[tilespmem:s6], [sflag:$0x1] =	stream.linear.gather [spmem:s26], $0x100, $0x38;
	[tilespmem:$0xA310] =	vst v63  }
0x1b2: {  	_ =	swait.ge [sflag:s0], $0x100  }
0x1b3: {  	[sflag:s0] =	ssyncset.done $0x0  }
0x1b4: {  	s7 =	simm.s32 $0x8E80;
	[sflag:s0] =	ssyncadd.s32 $0xFFFFFF00  }
0x1b5: {  	[tilespmem:s7], [sflag:$0x1] =	stream.linear.gather [spmem:s28], $0x100, $0x38;
	[tilespmem:$0xA310] =	vst v63  }
0x1b6: {  	_ =	swait.ge [sflag:s0], $0x100  }
0x1b7: {  	[sflag:s0] =	ssyncset.done $0x0  }
0x1b8: {  	s8 =	simm.s32 $0x8F80;
	[sflag:s0] =	ssyncadd.s32 $0xFFFFFF00  }
0x1b9: {  	[tilespmem:s8], [sflag:$0x1] =	stream.linear.gather [spmem:s29], $0x100, $0x38;
	[tilespmem:$0xA310] =	vst v63  }
0x1ba: {  	_ =	swait.ge [sflag:s0], $0x100  }
0x1bb: {  	[sflag:s0] =	ssyncset.done $0x0  }
0x1bc: {  	s6 =	simm.s32 $0x9080;
	[sflag:s0] =	ssyncadd.s32 $0xFFFFFF00  }
0x1bd: {  	[tilespmem:s6], [sflag:$0x1] =	stream.linear.gather [spmem:s30], $0x100, $0x38;
	[tilespmem:$0xA310] =	vst v63  }
0x1be: {  	_ =	swait.ge [sflag:s0], $0x100  }
0x1bf: {  	s7 =	simm.s32 $0x0;
	[sflag:s0] =	ssyncset.done $0x0  }
0x1c0: {  	s5 =	sand.u32 $0xF0, s7;
	[sflag:s0] =	ssyncadd.s32 $0xFFFFFF00  }
0x1c1: {  	v0 =	vld [tilespmem:s5+$0x8980]  }
0x1c2: {  	v1 =	vld [tilespmem:s4+$0x0]  }
0x1c3: {  	v2 =	vld [tilespmem:s5+$0x8580]  }
0x1c4: {  	v3 =	vld [tilespmem:s5+$0x8D80]  }
0x1c5: {  	v4 =	vld [tilespmem:s5+$0x8380]  }
0x1c6: {  	v5 =	vld [tilespmem:s5+$0x8B80]  }
0x1c7: {  	v6 =	vld [tilespmem:s5+$0x8780]  }
0x1c8: {  	v7 =	vld [tilespmem:s5+$0x8F80]  }
0x1c9: {  	v8 =	vld [tilespmem:s5+$0x8280]  }
0x1ca: {  	v9 =	vld [tilespmem:s5+$0x8A80]  }
0x1cb: {  	v10 =	vld [tilespmem:s5+$0x8680]  }
0x1cc: {  	v11 =	vld [tilespmem:s5+$0x8E80]  }
0x1cd: {  	v12 =	vld [tilespmem:s5+$0x8480]  }
0x1ce: {  	v13 =	vld [tilespmem:s5+$0x8C80]  }
0x1cf: {  	v14 =	vld [tilespmem:s5+$0x8880]  }
0x1d0: {  	v15 =	vld [tilespmem:s5+$0x9080];
	_ =	sdelay $0x2  }
0x1d1: {  	v0 =	vmin.f32 v1, v0;
	v1 =	vmin.f32 v2, v3;
	v2 =	vmin.f32 v4, v5  }
0x1d2: {  	v3 =	vmin.f32 v6, v7;
	v4 =	vmin.f32 v12, v13;
	v5 =	vmin.f32 v10, v11  }
0x1d3: {  	v6 =	vmin.f32 v14, v15;
	v0 =	vmin.f32 v0, v1;
	v1 =	vmin.f32 v8, v9  }
0x1d4: {  	v2 =	vmin.f32 v2, v3;
	v3 =	vmin.f32 v4, v6;
	v1 =	vmin.f32 v1, v5  }
0x1d5: {  	v0 =	vmin.f32 v0, v2;
	v1 =	vmin.f32 v1, v3  }
0x1d6: {  	v0 =	vmin.f32 v0, v1  }
0x1d7: {  	v0 =	vadd.f32 v0, v0  }
0x1d8: {  	s8 =	simm.s32 $0x10  }
0x1d9: {  	s6 =	sand.u32 $0xF0, s8;
	[tilespmem:s3+$0x0] =	vst v0  }
0x1da: {  	s4 =	simm.s32 $0x8190;
	v1 =	vld [tilespmem:s6+$0x8980]  }
0x1db: {  	v2 =	vld [tilespmem:s4+$0x0]  }
0x1dc: {  	v3 =	vld [tilespmem:s6+$0x8580]  }
0x1dd: {  	v6 =	vld [tilespmem:s6+$0x8D80]  }
0x1de: {  	v0 =	vld [tilespmem:s6+$0x8380]  }
0x1df: {  	v4 =	vld [tilespmem:s6+$0x8B80]  }
0x1e0: {  	v5 =	vld [tilespmem:s6+$0x8780]  }
0x1e1: {  	v7 =	vld [tilespmem:s6+$0x8F80]  }
0x1e2: {  	v9 =	vld [tilespmem:s6+$0x8280]  }
0x1e3: {  	v11 =	vld [tilespmem:s6+$0x8A80]  }
0x1e4: {  	v8 =	vld [tilespmem:s6+$0x8680]  }
0x1e5: {  	v10 =	vld [tilespmem:s6+$0x8E80]  }
0x1e6: {  	v12 =	vld [tilespmem:s6+$0x8480]  }
0x1e7: {  	v14 =	vld [tilespmem:s6+$0x8C80]  }
0x1e8: {  	s5 =	simm.s32 $0x20;
	v13 =	vld [tilespmem:s6+$0x8880]  }
.LBB2_10:
0x1e9: {  	p1 =	sne.s32 s5, $0xF0;
	v15 =	vld [tilespmem:s6+$0x9080];
	_ =	sdelay $0x1  }
0x1ea: {  	v1 =	vmin.f32 v2, v1;
	v2 =	vmin.f32 v3, v6  }
0x1eb: {  	v1 =	vmin.f32 v1, v2  }
0x1ec: {  	v0 =	vmin.f32 v0, v4;
	v3 =	vmin.f32 v5, v7;
	v2 =	vmin.f32 v9, v11  }
0x1ed: {  	v5 =	vmin.f32 v8, v10;
	v4 =	vmin.f32 v12, v14;
	v6 =	vmin.f32 v13, v15  }
0x1ee: {  	v0 =	vmin.f32 v0, v3;
	v2 =	vmin.f32 v2, v5;
	v3 =	vmin.f32 v4, v6  }
0x1ef: {  	v0 =	vmin.f32 v1, v0;
	v1 =	vmin.f32 v2, v3  }
0x1f0: {  	v0 =	vmin.f32 v0, v1  }
0x1f1: {  	v0 =	vadd.f32 v0, v0  }
0x1f2: {  	s3 =	sadd.s32 $0x10, s3  }
0x1f3: {  	s6 =	sand.u32 $0xF0, s5;
	[tilespmem:s3+$0x0] =	vst v0  }
0x1f4: {  	s4 =	sadd.s32 $0x10, s4;
	v1 =	vld [tilespmem:s6+$0x8980]  }
0x1f5: {  	v2 =	vld [tilespmem:s4+$0x0]  }
0x1f6: {  	v3 =	vld [tilespmem:s6+$0x8580]  }
0x1f7: {  	v6 =	vld [tilespmem:s6+$0x8D80]  }
0x1f8: {  	v0 =	vld [tilespmem:s6+$0x8380]  }
0x1f9: {  	v4 =	vld [tilespmem:s6+$0x8B80]  }
0x1fa: {  	v5 =	vld [tilespmem:s6+$0x8780]  }
0x1fb: {  	v7 =	vld [tilespmem:s6+$0x8F80]  }
0x1fc: {  	v9 =	vld [tilespmem:s6+$0x8280]  }
0x1fd: {  	v11 =	vld [tilespmem:s6+$0x8A80]  }
.Ltmp4:
0x1fe: {  	v8 =	vld [tilespmem:s6+$0x8680];
	(pc) =	sbr.rel @p1 .LBB2_10-.Ltmp4, $4  }
0x1ff: {  	v10 =	vld [tilespmem:s6+$0x8E80]  }
0x200: {  	v12 =	vld [tilespmem:s6+$0x8480]  }
0x201: {  	v14 =	vld [tilespmem:s6+$0x8C80]  }
0x202: {  	s5 =	sadd.s32 $0x10, s5;
	v13 =	vld [tilespmem:s6+$0x8880]  }
0x203: {  	v15 =	vld [tilespmem:s6+$0x9080];
	_ =	sdelay $0x2  }
0x204: {  	v1 =	vmin.f32 v2, v1;
	v55 =	vmin.f32 v3, v6;
	v56 =	vmin.f32 v9, v11  }
0x205: {  	v0 =	vmin.f32 v0, v4;
	v57 =	vmin.f32 v5, v7;
	v1 =	vmin.f32 v1, v55  }
0x206: {  	v59 =	vmin.f32 v8, v10;
	v58 =	vmin.f32 v12, v14;
	v60 =	vmin.f32 v13, v15  }
0x207: {  	v0 =	vmin.f32 v0, v57;
	v2 =	vmin.f32 v56, v59;
	v61 =	vmin.f32 v58, v60  }
0x208: {  	v0 =	vmin.f32 v1, v0;
	v62 =	vmin.f32 v2, v61  }
0x209: {  	v0 =	vmin.f32 v0, v62  }
0x20a: {  	v0 =	vadd.f32 v0, v0  }
0x20b: {  	s3 =	sadd.s32 $0x10, s3  }
0x20c: {  	s7 =	simm.s32 $0x7180;
	[tilespmem:s3+$0x0] =	vst v0  }
0x20d: {  	[hbm4b:s23+s2] =	stream.linear.scatter [tilespmem:s7], [sflag:$0x1], $0x100, $0x38;
	[tilespmem:$0xA310] =	vst v63  }
0x20e: {  	v63 =	vadd.f32 v16, v16;
	_ =	swait.ge [sflag:s0], $0x100  }
0x20f: {  	[sflag:s0] =	ssyncset.done $0x0  }
0x210: {  	v0 =	vnsel vm0, $0x0, v63;
	[sflag:s0] =	ssyncadd.s32 $0xFFFFFF00  }
0x211: {  	s8 =	simm.s32 $0x9280;
	[tilespmem:$0x9280] =	vst v0  }
0x212: {  	[spmem:s24] =	stream.linear.scatter [tilespmem:s8], [sflag:$0x1], $0x10, $0x38;
	[tilespmem:$0xA310] =	vst v63  }
0x213: {  	_ =	swait.ge [sflag:s0], $0x10  }
0x214: {  	[sflag:s0] =	ssyncset.done $0x0  }
0x215: {  	[sflag:s0] =	ssyncadd.s32 $0xFFFFFFF0  }
0x216: {  	[bflag:$0x0] =	sbarrier.arrive $0xFFFF  }
0x217: {  	s3 =	simm.s32 @!p0 $0x9180;
	s4 =	rddreg [dreg:$0x3]  }
0x218: {  	[tilespmem:s3], [sflag:$0x1] =	stream.linear.gather @!p0 [spmem:s4], $0x100, $0x38;
	[tilespmem:$0xA310] =	vst v63  }
0x219: {  	s3 =	simm.s32 @!p0 $0x1  }
0x21a: {  	_ =	swait.ge @!p0 [sflag:s3], $0x100  }
0x21b: {  	[sflag:s3] =	ssyncset.done @!p0 $0x0  }
0x21c: {  	[sflag:s3] =	ssyncadd.s32 @!p0 $0xFFFFFF00  }
0x21d: {  	v0 =	vld @!p0 [tilespmem:$0x9180];
	_ =	sdelay $0x1  }
0x21e: {  	v1 =	vld @!p0 [tilespmem:$0x9190];
	_ =	sdelay $0x1  }
0x21f: {  	v2 =	vld @!p0 [tilespmem:$0x91A0]  }
0x220: {  	v0 =	vadd.f32 @!p0 $0.0e+00, v0  }
0x221: {  	v3 =	vld @!p0 [tilespmem:$0x91B0]  }
0x222: {  	v0 =	vadd.f32 @!p0 v1, v0  }
0x223: {  	v1 =	vld @!p0 [tilespmem:$0x91C0]  }
0x224: {  	v0 =	vadd.f32 @!p0 v2, v0  }
0x225: {  	v2 =	vld @!p0 [tilespmem:$0x91D0]  }
0x226: {  	v0 =	vadd.f32 @!p0 v3, v0  }
0x227: {  	v3 =	vld @!p0 [tilespmem:$0x91E0]  }
0x228: {  	v0 =	vadd.f32 @!p0 v1, v0  }
0x229: {  	v1 =	vld @!p0 [tilespmem:$0x91F0]  }
0x22a: {  	v0 =	vadd.f32 @!p0 v2, v0  }
0x22b: {  	v2 =	vld @!p0 [tilespmem:$0x9200]  }
0x22c: {  	v0 =	vadd.f32 @!p0 v3, v0  }
0x22d: {  	v3 =	vld @!p0 [tilespmem:$0x9210]  }
0x22e: {  	v0 =	vadd.f32 @!p0 v1, v0  }
0x22f: {  	v1 =	vld @!p0 [tilespmem:$0x9220]  }
0x230: {  	v0 =	vadd.f32 @!p0 v2, v0  }
0x231: {  	v2 =	vld @!p0 [tilespmem:$0x9230]  }
0x232: {  	v0 =	vadd.f32 @!p0 v3, v0  }
0x233: {  	v3 =	vld @!p0 [tilespmem:$0x9240]  }
0x234: {  	v0 =	vadd.f32 @!p0 v1, v0  }
0x235: {  	v1 =	vld @!p0 [tilespmem:$0x9250]  }
0x236: {  	v0 =	vadd.f32 @!p0 v2, v0  }
0x237: {  	v2 =	vld @!p0 [tilespmem:$0x9260]  }
0x238: {  	v0 =	vadd.f32 @!p0 v3, v0  }
0x239: {  	v3 =	vld @!p0 [tilespmem:$0x9270]  }
0x23a: {  	v0 =	vadd.f32 @!p0 v1, v0;
	_ =	sdelay $0x1  }
0x23b: {  	v0 =	vadd.f32 @!p0 v2, v0;
	_ =	sdelay $0x1  }
0x23c: {  	s1 =	sadd.s32 $0x1, s1;
	v0 =	vadd.f32 @!p0 v3, v0  }
0x23d: {  	p1 =	sne.s32 s1, s25  }
.Ltmp5:
0x23e: {  	s5 =	simm.s32 @!p0 $0x9280;
	s4 =	simm.s32 @!p0 $0x0;
	[tilespmem:$0x9280] =	vst @!p0 v0;
	(pc) =	sbr.rel @p1 .LBB2_1-.Ltmp5, $4  }
0x23f: {  	[hbm4b:s21+s4] =	stream.linear.scatter @!p0 [tilespmem:s5], [sflag:$0x1], $0x10, $0x38;
	[tilespmem:$0xA310] =	vst v63  }
0x240: {  	_ =	swait.ge @!p0 [sflag:s3], $0x10  }
0x241: {  	[sflag:s3] =	ssyncset.done @!p0 $0x0  }
0x242: {  	v14 =	vimm.f32 $3.000000010e+38;
	[sflag:s3] =	ssyncadd.s32 @!p0 $0xFFFFFFF0  }
0x243: {  	_ =	sfence.sel $0x180000  }
0x244: {  	[bflag:$0x0] =	sbarrier.arrive $0xFFFF  }
0x245: {  	_ =	strace $0x90000047  }
0x246: {  	[bflag:$0x2] =	sbarrier.arrive $0xFFFF  }
0x247: {  	s0 =	rddreg [dreg:$0x4]  }
0x248: {  	s0 =	sadd.s32 @!p0 $0x100000, s0  }
0x249: {  	[sflag:s0] =	ssyncadd.tile.s32 @!p0 $0x1;
	_ =	shalt  }
.Lfunc_end2:
_tile_overlayer_lowered:
.L_overlay_start_2:
0x24a: {  	(tag) =	ssettag $0x2  }
0x24b: {  	s0 =	rddreg [dreg:$0x0];
	s2 =	stileid.u32  }
0x24c: {  	s1 =	rddreg [dreg:$0x1];
	p0 =	sne.s32 s2, $0x0  }
0x24d: {  	s3 =	rddreg [dreg:$0x2];
	[bflag:$0x3] =	sbarrier.arrive $0xFFFF;
	s2 =	simm.s32 @!p0 $0x1C01  }
0x24e: {  	[timem:s3], [sflag:s2] =	dma.local @!p0 [hbm:s0], s1  }
0x24f: {  	s0 =	simm.s32 @!p0 $0x1  }
0x250: {  	_ =	swait.ge @!p0 [sflag:s0], s1  }
0x251: {  	s1 =	ssub.s32 @!p0 $0x0, s1;
	[sflag:s0] =	ssyncset.done @!p0 $0x0  }
0x252: {  	[sflag:s0] =	ssyncadd.s32 @!p0 s1  }
0x253: {  	[bflag:$0x3] =	sbarrier.arrive $0xFFFF  }
0x254: {  	_ =	shalt  }

</sc_bundles>
